<compile_context>
chip_gen: v7x
topology: tpu7x:2x2x1
jax: 0.10.2.dev20260603
libtpu: 0.0.44.dev20260713+nightly
codegen_flags: <defaults>
</compile_context>

<pallas_src>
import functools

import jax
import jax.numpy as jnp
from jax import lax
from jax.experimental import pallas as pl
from jax.experimental.pallas import tpu as pltpu
from jax.experimental.pallas import tpu_sc as plsc

_LAMBDA = 0.5
_K = 32
_TAU = 0.8
_B = 128
_N = 8192
_BLK = 32
_GRID = _B // _BLK
_IMIN = -2147483648
_NC = 2
_NS = 16
_NW = _NC * _NS
_RPW = _B // _NW
_NBINS = 2048
_CHUNKS = _N // 16


def _scalar(x):
    if x.ndim == 0:
        return x
    return lax.squeeze(lax.slice(x, (0,), (1,)), (0,))


def _sc_mse_body(g_hbm, p_hbm, out_hbm, g_v, p_v, hist, collk, collv, outv):
    wid = lax.axis_index("s") * _NC + lax.axis_index("c")
    base_row = wid * _RPW
    pltpu.sync_copy(g_hbm.at[pl.ds(base_row, _RPW)], g_v)
    pltpu.sync_copy(p_hbm.at[pl.ds(base_row, _RPW)], p_v)

    lanes = lax.iota(jnp.int32, 16)
    ones = jnp.ones((16,), jnp.int32)
    msew = jnp.float32(0.0)

    for r in range(_RPW):
        @plsc.parallel_loop(0, _NBINS // 16, unroll=8)
        def _zero(i):
            hist[pl.ds(i * 16, 16)] = jnp.zeros((16,), jnp.int32)

        @plsc.parallel_loop(0, _CHUNKS, unroll=8)
        def _hist(i):
            gv = g_v[r, pl.ds(i * 16, 16)]
            b = plsc.bitcast(gv, jnp.int32)
            ukey = b ^ (jnp.right_shift(b, 31) | jnp.int32(_IMIN))
            binidx = lax.shift_right_logical(ukey, 21)
            plsc.addupdate_scatter(hist, [binidx], ones)

        def _scond(c):
            return jnp.logical_not(c[4])

        def _sbody(c):
            i, tot, cutbin, cntab, _ = c
            h = hist[pl.ds(i * 16, 16)]
            cs = plsc.cumsum(h)
            ctot = _scalar(lax.reduce_max(cs, (0,)))
            a = (tot + ctot - cs) + h
            ge = a >= jnp.int32(_K)
            npos = _scalar(plsc.all_reduce_population_count(ge))
            crossed = npos > 0
            lstar = npos - 1
            al = _scalar(lax.reduce_max(
                jnp.where(lanes == lstar, a, 0), (0,)))
            hl = _scalar(lax.reduce_max(
                jnp.where(lanes == lstar, h, 0), (0,)))
            return (i - 1, tot + ctot,
                    jnp.where(crossed, i * 16 + lstar, cutbin),
                    jnp.where(crossed, al - hl, cntab),
                    crossed)

        _, _, cutbin, cntab, _ = lax.while_loop(
            _scond, _sbody,
            (jnp.int32(_NBINS // 16 - 1), jnp.int32(0), jnp.int32(0),
             jnp.int32(0), jnp.bool_(False)))

        u_lo = jnp.broadcast_to(lax.shift_left(cutbin, 21), (16,))
        u_hi = jnp.broadcast_to(lax.shift_left(cutbin + 1, 21), (16,))
        lo_f = plsc.bitcast(
            jnp.where(u_lo < 0, u_lo ^ jnp.int32(_IMIN), ~u_lo), jnp.float32)
        hi_f = plsc.bitcast(
            jnp.where(u_hi < 0, u_hi ^ jnp.int32(_IMIN), ~u_hi), jnp.float32)

        ninf = jnp.full((16,), jnp.float32(-jnp.inf))

        @plsc.parallel_loop(0, _CHUNKS, unroll=8,
                            carry=(jnp.int32(0),
                                   jnp.zeros((16,), jnp.float32)))
        def _collect(i, c):
            off, acc = c
            gv = g_v[r, pl.ds(i * 16, 16)]
            pv = p_v[r, pl.ds(i * 16, 16)]
            ge_lo = gv >= lo_f
            ge_hi = gv >= hi_f
            eq = jnp.logical_and(ge_lo, jnp.logical_not(ge_hi))
            d = pv - gv
            d2 = d * d
            acc = acc + jnp.where(ge_hi, d2, jnp.float32(0.0))
            plsc.store_compressed(collk.at[pl.ds(off, 16)], gv, mask=eq)
            plsc.store_compressed(collv.at[pl.ds(off, 16)], d2, mask=eq)
            return off + _scalar(plsc.all_reduce_population_count(eq)), acc

        off, acc = _collect
        collk[pl.ds(off, 16)] = ninf
        collv[pl.ds(off, 16)] = jnp.zeros((16,), jnp.float32)

        s0 = plsc.sort_key_val(collk[pl.ds(0, 16)], collv[pl.ds(0, 16)],
                               descending=True)
        ak, av = s0[0], s0[1]
        bk = ninf
        bv = jnp.zeros((16,), jnp.float32)

        def _mcond(c):
            return c[0] * 16 < off

        def _mbody(c):
            j, ak, av, bk, bv = c
            s = plsc.sort_key_val(collk[pl.ds(j * 16, 16)],
                                  collv[pl.ds(j * 16, 16)],
                                  descending=False)
            ck, cv = s[0], s[1]
            wa = ak >= ck
            hk = jnp.where(wa, ak, ck)
            hv = jnp.where(wa, av, cv)
            lk = jnp.where(wa, ck, ak)
            lv = jnp.where(wa, cv, av)
            s1 = plsc.sort_key_val(hk, hv, descending=True)
            s2 = plsc.sort_key_val(lk, lv, descending=False)
            wb = bk >= s2[0]
            h2k = jnp.where(wb, bk, s2[0])
            h2v = jnp.where(wb, bv, s2[1])
            s3 = plsc.sort_key_val(h2k, h2v, descending=True)
            return j + 1, s1[0], s1[1], s3[0], s3[1]

        _, ak, av, bk, bv = lax.while_loop(
            _mcond, _mbody, (jnp.int32(1), ak, av, bk, bv))

        r_need = jnp.int32(_K) - cntab
        msecut = (_scalar(lax.reduce_sum(
                      jnp.where(lanes < r_need, av, 0.0), (0,)))
                  + _scalar(lax.reduce_sum(
                      jnp.where(lanes + 16 < r_need, bv, 0.0), (0,))))
        msew = msew + _scalar(lax.reduce_sum(acc, (0,))) + msecut

    outv[...] = jnp.where(lanes == 0, msew, jnp.float32(0.0))
    pltpu.sync_copy(outv, out_hbm.at[wid])


def _sc_mse_partials(gamma, pred):
    mesh = plsc.VectorSubcoreMesh(core_axis_name="c", subcore_axis_name="s")
    run = pl.kernel(
        _sc_mse_body,
        out_type=jax.ShapeDtypeStruct((_NW, 16), jnp.float32),
        mesh=mesh,
        scratch_types=[
            pltpu.VMEM((_RPW, _N), jnp.float32),
            pltpu.VMEM((_RPW, _N), jnp.float32),
            pltpu.VMEM((_NBINS,), jnp.int32),
            pltpu.VMEM((_N + 32,), jnp.float32),
            pltpu.VMEM((_N + 32,), jnp.float32),
            pltpu.VMEM((16,), jnp.float32),
        ],
        compiler_params=pltpu.CompilerParams(needs_layout_passes=False),
    )
    return run(gamma, pred)


def _stats_body(p_ref, r_ref, g_ref, out_ref, acc_ref):
    i = pl.program_id(0)

    @pl.when(i == 0)
    def _init():
        acc_ref[0] = 0.0
        acc_ref[1] = 0.0

    g = g_ref[...]
    p = p_ref[...]
    inv_tau = jnp.float32(1.0 / _TAU)

    gmax = jnp.max(g, axis=1, keepdims=True)
    pmax = jnp.max(p, axis=1, keepdims=True)
    eg = jnp.exp((g - gmax) * inv_tau)
    ep = jnp.exp((p - pmax) * inv_tau)
    zg = jnp.sum(eg, axis=1, keepdims=True)
    zp = jnp.sum(ep, axis=1, keepdims=True)
    s_raw = jnp.sum(eg * (g - p), axis=1, keepdims=True)

    link = jnp.sum((r_ref[...] - gmax) ** 2)
    kl = jnp.sum(s_raw / (zg * _TAU) + (pmax - gmax) * inv_tau
                 + jnp.log(zp / zg))

    acc_ref[0] += link
    acc_ref[1] += kl

    @pl.when(i == _GRID - 1)
    def _fin():
        lane4 = lax.broadcasted_iota(jnp.int32, (1, 4), 1)
        out_ref[...] = jnp.where(
            lane4 == 0, acc_ref[0],
            jnp.where(lane4 == 1, acc_ref[1], 0.0))


def _combine_body(sc_ref, st_ref, out_ref):
    mse = jnp.sum(sc_ref[...][:, 0:1])
    st = st_ref[...]
    link = st[0, 0]
    kl = st[0, 1]
    total = (mse / jnp.float32(_B * _K)
             + _LAMBDA * link / _B
             + (_TAU * _TAU / _B) * kl)
    out_ref[...] = total.reshape((1, 1))


@jax.jit
def kernel(pred_logits, rsrp_pred, gamma_true):
    sc_out = _sc_mse_partials(gamma_true, pred_logits)
    stats = pl.pallas_call(
        _stats_body,
        grid=(_GRID,),
        in_specs=[
            pl.BlockSpec((_BLK, _N), lambda i: (i, 0)),
            pl.BlockSpec((_BLK, 1), lambda i: (i, 0)),
            pl.BlockSpec((_BLK, _N), lambda i: (i, 0)),
        ],
        out_specs=pl.BlockSpec((1, 4), lambda i: (0, 0)),
        out_shape=jax.ShapeDtypeStruct((1, 4), jnp.float32),
        scratch_shapes=[pltpu.SMEM((2,), jnp.float32)],
    )(pred_logits, rsrp_pred, gamma_true)
    out = pl.pallas_call(
        _combine_body,
        out_shape=jax.ShapeDtypeStruct((1, 1), jnp.float32),
    )(sc_out, stats)
    return out[0, 0]

# --- scband reference (transcript-rebuilt; emitter-appended) ---
"""Pipeline reference for scband-beam-tracking-loss-5815385719230 (READ-ONLY COPY).

The authoritative reference and input builder live on the scoring server;
editing this copy changes nothing except your own understanding.
"""

import jax, jax.numpy as jnp
import numpy as np

LAMBDA_WEIGHT = 0.5
K = 32
TAU = 0.8


def setup_inputs(seed: int = 0) -> dict:
    key = jax.random.key(seed)
    k1, k2, k3 = jax.random.split(key, 3)
    pred_logits = jax.random.normal(k1, (128, 8192), dtype=jnp.float32)
    rsrp_pred = jax.random.normal(k2, (128, 1), dtype=jnp.float32)
    gamma_true = jax.random.normal(k3, (128, 8192), dtype=jnp.float32)
    return {"pred_logits": pred_logits, "rsrp_pred": rsrp_pred, "gamma_true": gamma_true}


def _oracle_topk_mask(gamma_true, k):
    _, idx = jax.lax.top_k(gamma_true, k)
    B = gamma_true.shape[0]
    rows = jnp.arange(B)[:, None]
    mask = jnp.zeros_like(gamma_true).at[rows, idx].set(1.0)
    return mask


def reference(pred_logits, rsrp_pred, gamma_true):
    # MSE over oracle top-K beams
    mask = _oracle_topk_mask(gamma_true, K)
    denom = jnp.maximum(mask.sum(), 1.0)
    loss_mse = jnp.sum((pred_logits - gamma_true) ** 2 * mask) / denom
    # Link prediction loss: regress best-beam RSRP
    rsrp_label = jnp.max(gamma_true, axis=1, keepdims=True)
    loss_link = jnp.mean((rsrp_pred - rsrp_label) ** 2)
    # KL regularization (batchmean, tau-scaled)
    target_prob = jax.nn.softmax(gamma_true / TAU, axis=-1)
    log_pred = jax.nn.log_softmax(pred_logits / TAU, axis=-1)
    kl = jnp.sum(target_prob * (jnp.log(target_prob) - log_pred)) / gamma_true.shape[0]
    loss_kl = kl * (TAU * TAU)
    total = loss_mse + LAMBDA_WEIGHT * loss_link + loss_kl
    return total

if __name__ == "__main__":
    import jax
    _d = setup_inputs()
    print(jax.jit(kernel)(*tuple(_d.values())))

</pallas_src>

<mosaic_0001>
#map = affine_map<(d0, d1) -> (0, 0)>
module attributes {stable_mosaic.version = 14 : i64} {
  func.func @_sc_mse_body(%arg0: i32, %arg1: i32, %arg2: memref<128x8192xf32, #tpu.memory_space<hbm>>, %arg3: memref<128x8192xf32, #tpu.memory_space<hbm>>, %arg4: memref<32x16xf32, #tpu.memory_space<hbm>>, %arg5: memref<4x8192xf32, #tpu.memory_space<vmem>>, %arg6: memref<4x8192xf32, #tpu.memory_space<vmem>>, %arg7: memref<2048xi32, #tpu.memory_space<vmem>>, %arg8: memref<8224xf32, #tpu.memory_space<vmem>>, %arg9: memref<8224xf32, #tpu.memory_space<vmem>>, %arg10: memref<16xf32, #tpu.memory_space<vmem>>) attributes {dimension_semantics = [#tpu.dimension_semantics<core_parallel>, #tpu.dimension_semantics<subcore_parallel>], iteration_bounds = array<i64: 2, 16>, scalar_prefetch = 0 : i64, scratch_operands = 6 : i64, tpu.core_type = #tpu.core_type<sc_vector_subcore>, window_params = [{transform_indices = #map}, {transform_indices = #map}, {transform_indices = #map}]} {
    %mul3A = arith.constant 2 : i32
    %mul3A_0 = arith.muli %arg1, %mul3A : i32
    %add3A = arith.addi %mul3A_0, %arg0 : i32
    %mul3A_1 = arith.constant 4 : i32
    %mul3A_2 = arith.muli %add3A, %mul3A_1 : i32
    "tpu.region"() ({
      %run_scoped3A = tpu.sem_alloc : memref<!tpu.dma_semaphore, #tpu.memory_space<semaphore_mem>>
      %dma_start3A = arith.constant 0 : i32
      %dma_start3A_387 = tpu.memref_slice %arg2[%mul3A_2, %dma_start3A] : memref<128x8192xf32, #tpu.memory_space<hbm>> -> memref<4x8192xf32, #tpu.memory_space<hbm>>
      %dma_start3A_388 = arith.constant 0 : i32
      %dma_start3A_389 = tpu.memref_slice %arg2[%mul3A_2, %dma_start3A_388] : memref<128x8192xf32, #tpu.memory_space<hbm>> -> memref<4x8192xf32, #tpu.memory_space<hbm>>
      tpu.enqueue_dma source(%dma_start3A_389 : memref<4x8192xf32, #tpu.memory_space<hbm>>) target(%arg5 : memref<4x8192xf32, #tpu.memory_space<vmem>>) target_semaphore(%run_scoped3A : memref<!tpu.dma_semaphore, #tpu.memory_space<semaphore_mem>>)
      %dma_wait3A = arith.constant 0 : i32
      %dma_wait3A_390 = tpu.memref_slice %arg2[%mul3A_2, %dma_wait3A] : memref<128x8192xf32, #tpu.memory_space<hbm>> -> memref<4x8192xf32, #tpu.memory_space<hbm>>
      %dma_wait3A_391 = arith.constant 0 : i32
      %dma_wait3A_392 = tpu.memref_slice %arg2[%mul3A_2, %dma_wait3A_391] : memref<128x8192xf32, #tpu.memory_space<hbm>> -> memref<4x8192xf32, #tpu.memory_space<hbm>>
      tpu.wait_dma2 semaphore(%run_scoped3A : memref<!tpu.dma_semaphore, #tpu.memory_space<semaphore_mem>>) src(%dma_wait3A_392 : memref<4x8192xf32, #tpu.memory_space<hbm>>) dst(%arg5 : memref<4x8192xf32, #tpu.memory_space<vmem>>)
      tpu.yield
    }) : () -> ()
    "tpu.region"() ({
      %run_scoped3A = tpu.sem_alloc : memref<!tpu.dma_semaphore, #tpu.memory_space<semaphore_mem>>
      %dma_start3A = arith.constant 0 : i32
      %dma_start3A_387 = tpu.memref_slice %arg3[%mul3A_2, %dma_start3A] : memref<128x8192xf32, #tpu.memory_space<hbm>> -> memref<4x8192xf32, #tpu.memory_space<hbm>>
      %dma_start3A_388 = arith.constant 0 : i32
      %dma_start3A_389 = tpu.memref_slice %arg3[%mul3A_2, %dma_start3A_388] : memref<128x8192xf32, #tpu.memory_space<hbm>> -> memref<4x8192xf32, #tpu.memory_space<hbm>>
      tpu.enqueue_dma source(%dma_start3A_389 : memref<4x8192xf32, #tpu.memory_space<hbm>>) target(%arg6 : memref<4x8192xf32, #tpu.memory_space<vmem>>) target_semaphore(%run_scoped3A : memref<!tpu.dma_semaphore, #tpu.memory_space<semaphore_mem>>)
      %dma_wait3A = arith.constant 0 : i32
      %dma_wait3A_390 = tpu.memref_slice %arg3[%mul3A_2, %dma_wait3A] : memref<128x8192xf32, #tpu.memory_space<hbm>> -> memref<4x8192xf32, #tpu.memory_space<hbm>>
      %dma_wait3A_391 = arith.constant 0 : i32
      %dma_wait3A_392 = tpu.memref_slice %arg3[%mul3A_2, %dma_wait3A_391] : memref<128x8192xf32, #tpu.memory_space<hbm>> -> memref<4x8192xf32, #tpu.memory_space<hbm>>
      tpu.wait_dma2 semaphore(%run_scoped3A : memref<!tpu.dma_semaphore, #tpu.memory_space<semaphore_mem>>) src(%dma_wait3A_392 : memref<4x8192xf32, #tpu.memory_space<hbm>>) dst(%arg6 : memref<4x8192xf32, #tpu.memory_space<vmem>>)
      tpu.yield
    }) : () -> ()
    %iota3A = tpu.iota {dimensions = array<i32: 0>} : vector<16xi32>
    %broadcast_in_dim3A = arith.constant 1 : i32
    %broadcast_in_dim3A_3 = vector.broadcast %broadcast_in_dim3A : i32 to vector<16xi32>
    %parallel_loop3A = arith.constant 0 : i32
    %parallel_loop3A_4 = arith.constant 128 : i32
    %parallel_loop3A_5 = arith.constant 1 : i32
    scf.for %parallel_loop3A_387 = %parallel_loop3A to %parallel_loop3A_4 step %parallel_loop3A_5  : i32 {
      %parallel_loop3A_388 = arith.constant 0 : i32
      %parallel_loop3A_389 = vector.broadcast %parallel_loop3A_388 : i32 to vector<16xi32>
      %parallel_loop3A_390 = arith.constant 16 : i32
      %parallel_loop3A_391 = arith.muli %parallel_loop3A_387, %parallel_loop3A_390 : i32
      %parallel_loop3A_392 = arith.index_cast %parallel_loop3A_391 : i32 to index
      %parallel_loop3A_393 = tpu.vector_load %arg7[%parallel_loop3A_392] {strides = array<i32>} : memref<2048xi32, #tpu.memory_space<vmem>>, vector<16xi32>,
      tpu.vector_store %arg7[%parallel_loop3A_392], %parallel_loop3A_389 {strides = array<i32>} : memref<2048xi32, #tpu.memory_space<vmem>>, vector<16xi32>,
    } {sc.loop_unroll_factor = 8 : i64, sc.parallel_access}
    %parallel_loop3A_6 = arith.constant 0 : i32
    %parallel_loop3A_7 = arith.constant 512 : i32
    %parallel_loop3A_8 = arith.constant 1 : i32
    scf.for %parallel_loop3A_387 = %parallel_loop3A_6 to %parallel_loop3A_7 step %parallel_loop3A_8  : i32 {
      %parallel_loop3A_388 = arith.constant 16 : i32
      %parallel_loop3A_389 = arith.muli %parallel_loop3A_387, %parallel_loop3A_388 : i32
      %parallel_loop3A_390 = arith.constant 0 : i32
      %parallel_loop3A_391 = arith.index_cast %parallel_loop3A_390 : i32 to index
      %parallel_loop3A_392 = arith.index_cast %parallel_loop3A_389 : i32 to index
      %parallel_loop3A_393 = tpu.vector_load %arg5[%parallel_loop3A_391, %parallel_loop3A_392] {strides = array<i32>} : memref<4x8192xf32, #tpu.memory_space<vmem>>, vector<16xf32>,
      %parallel_loop3A_394 = vector.bitcast %parallel_loop3A_393 : vector<16xf32> to vector<16xi32>
      %parallel_loop3A_395 = arith.constant 31 : i32
      %parallel_loop3A_396 = vector.broadcast %parallel_loop3A_395 : i32 to vector<16xi32>
      %parallel_loop3A_397 = arith.shrsi %parallel_loop3A_394, %parallel_loop3A_396 : vector<16xi32>
      %parallel_loop3A_398 = arith.constant -2147483648 : i32
      %parallel_loop3A_399 = vector.broadcast %parallel_loop3A_398 : i32 to vector<16xi32>
      %parallel_loop3A_400 = arith.ori %parallel_loop3A_397, %parallel_loop3A_399 : vector<16xi32>
      %parallel_loop3A_401 = arith.xori %parallel_loop3A_394, %parallel_loop3A_400 : vector<16xi32>
      %parallel_loop3A_402 = arith.constant 21 : i32
      %parallel_loop3A_403 = vector.broadcast %parallel_loop3A_402 : i32 to vector<16xi32>
      %parallel_loop3A_404 = arith.shrui %parallel_loop3A_401, %parallel_loop3A_403 : vector<16xi32>
      tpu.vector_store_idx %arg7[%parallel_loop3A_404], %broadcast_in_dim3A_3 {add = true} : memref<2048xi32, #tpu.memory_space<vmem>>[vector<16xi32>], vector<16xi32>,
    } {sc.loop_unroll_factor = 8 : i64, sc.parallel_access}
    %while3A = arith.constant 127 : i32
    %while3A_9 = arith.constant 0 : i32
    %while3A_10 = arith.constant 0 : i32
    %while3A_11 = arith.constant 0 : i32
    %while3A_12 = arith.constant false
    %while3A_13:5 = scf.while (%while3A_387 = %while3A, %while3A_388 = %while3A_9, %while3A_389 = %while3A_10, %while3A_390 = %while3A_11, %while3A_391 = %while3A_12) : (i32, i32, i32, i32, i1) -> (i32, i32, i32, i32, i1) {
      %not3A_392 = arith.constant true
      %not3A_393 = arith.xori %while3A_391, %not3A_392 : i1
      scf.condition(%not3A_393) %while3A_387, %while3A_388, %while3A_389, %while3A_390, %while3A_391 : i32, i32, i32, i32, i1
    } do {
    ^bb0(%while3A_387: i32, %while3A_388: i32, %while3A_389: i32, %while3A_390: i32, %while3A_391: i1):
      %mul3A_392 = arith.constant 16 : i32
      %mul3A_393 = arith.muli %while3A_387, %mul3A_392 : i32
      %get3A_394 = arith.index_cast %mul3A_393 : i32 to index
      %get3A_395 = tpu.vector_load %arg7[%get3A_394] {strides = array<i32>} : memref<2048xi32, #tpu.memory_space<vmem>>, vector<16xi32>,
      %broadcast_in_dim3A_396 = arith.constant true
      %broadcast_in_dim3A_397 = vector.broadcast %broadcast_in_dim3A_396 : i1 to vector<16xi1>
      %masked_cumsum3A = tpu.scan <sum>, %get3A_395 masked %broadcast_in_dim3A_397 : vector<16xi32>, vector<16xi1> -> vector<16xi32>
      %reduce_max3A = arith.constant true
      %reduce_max3A_398 = vector.broadcast %reduce_max3A : i1 to vector<16xi1>
      %reduce_max3A_399 = arith.constant -2147483648 : i32
      %reduce_max3A_400 = vector.broadcast %reduce_max3A_399 : i32 to vector<16xi32>
      %reduce_max3A_401 = arith.xori %masked_cumsum3A, %reduce_max3A_400 : vector<16xi32>
      %reduce_max3A_402 = tpu.scan <max>, %reduce_max3A_401 masked %reduce_max3A_398 : vector<16xi32>, vector<16xi1> -> vector<16xi32>
      %reduce_max3A_403 = arith.xori %reduce_max3A_402, %reduce_max3A_400 : vector<16xi32>
      %reduce_max3A_404 = vector.extract %reduce_max3A_403[15] : i32 from vector<16xi32>
      %add3A_405 = arith.addi %while3A_388, %reduce_max3A_404 : i32
      %sub3A_406 = vector.broadcast %add3A_405 : i32 to vector<16xi32>
      %sub3A_407 = arith.subi %sub3A_406, %masked_cumsum3A : vector<16xi32>
      %add3A_408 = arith.addi %sub3A_407, %get3A_395 : vector<16xi32>
      %ge3A = arith.constant 32 : i32
      %ge3A_409 = vector.broadcast %ge3A : i32 to vector<16xi32>
      %ge3A_410 = arith.cmpi sge, %add3A_408, %ge3A_409 : vector<16xi32>
      %all_reduce_population_count3A = tpu.all_reduce %ge3A_410 {dim = 0 : i64, kind = #tpu.reduction_kind<sum>} : vector<16xi1> -> vector<16xi32>
      %slice3A = vector.extract_strided_slice %all_reduce_population_count3A {offsets = [0], sizes = [1], strides = [1]} : vector<16xi32> to vector<1xi32>
      %squeeze3A = vector.extract %slice3A[0] : i32 from vector<1xi32>
      %gt3A = arith.constant 0 : i32
      %gt3A_411 = arith.cmpi sgt, %squeeze3A, %gt3A : i32
      %sub3A_412 = arith.constant 1 : i32
      %sub3A_413 = arith.subi %squeeze3A, %sub3A_412 : i32
      %eq3A_414 = vector.broadcast %sub3A_413 : i32 to vector<16xi32>
      %eq3A_415 = arith.cmpi eq, %iota3A, %eq3A_414 : vector<16xi32>
      %jit3A_416 = arith.constant 0 : i32
      %broadcast_in_dim3A_417 = vector.broadcast %jit3A_416 : i32 to vector<16xi32>
      %select_n3A_418 = arith.select %eq3A_415, %add3A_408, %broadcast_in_dim3A_417 : vector<16xi1>, vector<16xi32>
      %reduce_max3A_419 = arith.constant true
      %reduce_max3A_420 = vector.broadcast %reduce_max3A_419 : i1 to vector<16xi1>
      %reduce_max3A_421 = arith.constant -2147483648 : i32
      %reduce_max3A_422 = vector.broadcast %reduce_max3A_421 : i32 to vector<16xi32>
      %reduce_max3A_423 = arith.xori %select_n3A_418, %reduce_max3A_422 : vector<16xi32>
      %reduce_max3A_424 = tpu.scan <max>, %reduce_max3A_423 masked %reduce_max3A_420 : vector<16xi32>, vector<16xi1> -> vector<16xi32>
      %reduce_max3A_425 = arith.xori %reduce_max3A_424, %reduce_max3A_422 : vector<16xi32>
      %reduce_max3A_426 = vector.extract %reduce_max3A_425[15] : i32 from vector<16xi32>
      %eq3A_427 = vector.broadcast %sub3A_413 : i32 to vector<16xi32>
      %eq3A_428 = arith.cmpi eq, %iota3A, %eq3A_427 : vector<16xi32>
      %jit3A_429 = arith.constant 0 : i32
      %broadcast_in_dim3A_430 = vector.broadcast %jit3A_429 : i32 to vector<16xi32>
      %select_n3A_431 = arith.select %eq3A_428, %get3A_395, %broadcast_in_dim3A_430 : vector<16xi1>, vector<16xi32>
      %reduce_max3A_432 = arith.constant true
      %reduce_max3A_433 = vector.broadcast %reduce_max3A_432 : i1 to vector<16xi1>
      %reduce_max3A_434 = arith.constant -2147483648 : i32
      %reduce_max3A_435 = vector.broadcast %reduce_max3A_434 : i32 to vector<16xi32>
      %reduce_max3A_436 = arith.xori %select_n3A_431, %reduce_max3A_435 : vector<16xi32>
      %reduce_max3A_437 = tpu.scan <max>, %reduce_max3A_436 masked %reduce_max3A_433 : vector<16xi32>, vector<16xi1> -> vector<16xi32>
      %reduce_max3A_438 = arith.xori %reduce_max3A_437, %reduce_max3A_435 : vector<16xi32>
      %reduce_max3A_439 = vector.extract %reduce_max3A_438[15] : i32 from vector<16xi32>
      %sub3A_440 = arith.constant 1 : i32
      %sub3A_441 = arith.subi %while3A_387, %sub3A_440 : i32
      %add3A_442 = arith.addi %while3A_388, %reduce_max3A_404 : i32
      %mul3A_443 = arith.constant 16 : i32
      %mul3A_444 = arith.muli %while3A_387, %mul3A_443 : i32
      %add3A_445 = arith.addi %mul3A_444, %sub3A_413 : i32
      %select_n3A_446 = arith.select %gt3A_411, %add3A_445, %while3A_389 : i32
      %sub3A_447 = arith.subi %reduce_max3A_426, %reduce_max3A_439 : i32
      %select_n3A_448 = arith.select %gt3A_411, %sub3A_447, %while3A_390 : i32
      scf.yield %sub3A_441, %add3A_442, %select_n3A_446, %select_n3A_448, %gt3A_411 : i32, i32, i32, i32, i1
    }
    %shift_left3A = arith.constant 21 : i32
    %shift_left3A_14 = arith.shli %while3A_13#2, %shift_left3A : i32
    %broadcast_in_dim3A_15 = vector.broadcast %shift_left3A_14 : i32 to vector<16xi32>
    %add3A_16 = arith.constant 1 : i32
    %add3A_17 = arith.addi %while3A_13#2, %add3A_16 : i32
    %shift_left3A_18 = arith.constant 21 : i32
    %shift_left3A_19 = arith.shli %add3A_17, %shift_left3A_18 : i32
    %broadcast_in_dim3A_20 = vector.broadcast %shift_left3A_19 : i32 to vector<16xi32>
    %lt3A = arith.constant 0 : i32
    %lt3A_21 = vector.broadcast %lt3A : i32 to vector<16xi32>
    %lt3A_22 = arith.cmpi slt, %broadcast_in_dim3A_15, %lt3A_21 : vector<16xi32>
    %xor3A = arith.constant -2147483648 : i32
    %xor3A_23 = vector.broadcast %xor3A : i32 to vector<16xi32>
    %xor3A_24 = arith.xori %broadcast_in_dim3A_15, %xor3A_23 : vector<16xi32>
    %not3A = arith.constant dense<-1> : vector<16xi32>
    %not3A_25 = arith.xori %broadcast_in_dim3A_15, %not3A : vector<16xi32>
    %select_n3A = arith.select %lt3A_22, %xor3A_24, %not3A_25 : vector<16xi1>, vector<16xi32>
    %bitcast3A = vector.bitcast %select_n3A : vector<16xi32> to vector<16xf32>
    %lt3A_26 = arith.constant 0 : i32
    %lt3A_27 = vector.broadcast %lt3A_26 : i32 to vector<16xi32>
    %lt3A_28 = arith.cmpi slt, %broadcast_in_dim3A_20, %lt3A_27 : vector<16xi32>
    %xor3A_29 = arith.constant -2147483648 : i32
    %xor3A_30 = vector.broadcast %xor3A_29 : i32 to vector<16xi32>
    %xor3A_31 = arith.xori %broadcast_in_dim3A_20, %xor3A_30 : vector<16xi32>
    %not3A_32 = arith.constant dense<-1> : vector<16xi32>
    %not3A_33 = arith.xori %broadcast_in_dim3A_20, %not3A_32 : vector<16xi32>
    %select_n3A_34 = arith.select %lt3A_28, %xor3A_31, %not3A_33 : vector<16xi1>, vector<16xi32>
    %bitcast3A_35 = vector.bitcast %select_n3A_34 : vector<16xi32> to vector<16xf32>
    %broadcast_in_dim3A_36 = arith.constant 0xFF800000 : f32
    %broadcast_in_dim3A_37 = vector.broadcast %broadcast_in_dim3A_36 : f32 to vector<16xf32>
    %broadcast_in_dim3A_38 = arith.constant 0.000000e+00 : f32
    %broadcast_in_dim3A_39 = vector.broadcast %broadcast_in_dim3A_38 : f32 to vector<16xf32>
    %parallel_loop3A_40 = arith.constant 0 : i32
    %parallel_loop3A_41 = arith.constant 512 : i32
    %parallel_loop3A_42 = arith.constant 1 : i32
    %parallel_loop3A_43 = arith.constant 0 : i32
    %parallel_loop3A_44:2 = scf.for %parallel_loop3A_387 = %parallel_loop3A_40 to %parallel_loop3A_41 step %parallel_loop3A_42 iter_args(%parallel_loop3A_388 = %parallel_loop3A_43, %parallel_loop3A_389 = %broadcast_in_dim3A_39) -> (i32, vector<16xf32>)  : i32 {
      %parallel_loop3A_390 = arith.constant 16 : i32
      %parallel_loop3A_391 = arith.muli %parallel_loop3A_387, %parallel_loop3A_390 : i32
      %parallel_loop3A_392 = arith.constant 0 : i32
      %parallel_loop3A_393 = arith.index_cast %parallel_loop3A_392 : i32 to index
      %parallel_loop3A_394 = arith.index_cast %parallel_loop3A_391 : i32 to index
      %parallel_loop3A_395 = tpu.vector_load %arg5[%parallel_loop3A_393, %parallel_loop3A_394] {strides = array<i32>} : memref<4x8192xf32, #tpu.memory_space<vmem>>, vector<16xf32>,
      %parallel_loop3A_396 = arith.constant 16 : i32
      %parallel_loop3A_397 = arith.muli %parallel_loop3A_387, %parallel_loop3A_396 : i32
      %parallel_loop3A_398 = arith.constant 0 : i32
      %parallel_loop3A_399 = arith.index_cast %parallel_loop3A_398 : i32 to index
      %parallel_loop3A_400 = arith.index_cast %parallel_loop3A_397 : i32 to index
      %parallel_loop3A_401 = tpu.vector_load %arg6[%parallel_loop3A_399, %parallel_loop3A_400] {strides = array<i32>} : memref<4x8192xf32, #tpu.memory_space<vmem>>, vector<16xf32>,
      %parallel_loop3A_402 = arith.cmpf oge, %parallel_loop3A_395, %bitcast3A : vector<16xf32>
      %parallel_loop3A_403 = arith.cmpf oge, %parallel_loop3A_395, %bitcast3A_35 : vector<16xf32>
      %parallel_loop3A_404 = arith.constant dense<true> : vector<16xi1>
      %parallel_loop3A_405 = arith.xori %parallel_loop3A_403, %parallel_loop3A_404 : vector<16xi1>
      %parallel_loop3A_406 = arith.andi %parallel_loop3A_402, %parallel_loop3A_405 : vector<16xi1>
      %parallel_loop3A_407 = arith.subf %parallel_loop3A_401, %parallel_loop3A_395 : vector<16xf32>
      %parallel_loop3A_408 = arith.mulf %parallel_loop3A_407, %parallel_loop3A_407 : vector<16xf32>
      %parallel_loop3A_409 = arith.constant 0.000000e+00 : f32
      %parallel_loop3A_410 = vector.broadcast %parallel_loop3A_409 : f32 to vector<16xf32>
      %parallel_loop3A_411 = arith.select %parallel_loop3A_403, %parallel_loop3A_408, %parallel_loop3A_410 : vector<16xi1>, vector<16xf32>
      %parallel_loop3A_412 = arith.addf %parallel_loop3A_389, %parallel_loop3A_411 : vector<16xf32>
      %parallel_loop3A_413 = arith.index_cast %parallel_loop3A_388 : i32 to index
      %parallel_loop3A_414 = tpu.vector_load %arg8[%parallel_loop3A_413] masked %parallel_loop3A_406 {strides = array<i32>} : memref<8224xf32, #tpu.memory_space<vmem>>, vector<16xf32>, vector<16xi1>
      tpu.vector_store %arg8[%parallel_loop3A_413], %parallel_loop3A_395 masked %parallel_loop3A_406 {strides = array<i32>} : memref<8224xf32, #tpu.memory_space<vmem>>, vector<16xf32>, vector<16xi1>
      %parallel_loop3A_415 = arith.index_cast %parallel_loop3A_388 : i32 to index
      %parallel_loop3A_416 = tpu.vector_load %arg9[%parallel_loop3A_415] masked %parallel_loop3A_406 {strides = array<i32>} : memref<8224xf32, #tpu.memory_space<vmem>>, vector<16xf32>, vector<16xi1>
      tpu.vector_store %arg9[%parallel_loop3A_415], %parallel_loop3A_408 masked %parallel_loop3A_406 {strides = array<i32>} : memref<8224xf32, #tpu.memory_space<vmem>>, vector<16xf32>, vector<16xi1>
      %parallel_loop3A_417 = tpu.all_reduce %parallel_loop3A_406 {dim = 0 : i64, kind = #tpu.reduction_kind<sum>} : vector<16xi1> -> vector<16xi32>
      %parallel_loop3A_418 = vector.extract_strided_slice %parallel_loop3A_417 {offsets = [0], sizes = [1], strides = [1]} : vector<16xi32> to vector<1xi32>
      %parallel_loop3A_419 = vector.extract %parallel_loop3A_418[0] : i32 from vector<1xi32>
      %parallel_loop3A_420 = arith.addi %parallel_loop3A_388, %parallel_loop3A_419 : i32
      scf.yield %parallel_loop3A_420, %parallel_loop3A_412 : i32, vector<16xf32>
    } {sc.loop_unroll_factor = 8 : i64, sc.parallel_access}
    %swap3A = arith.index_cast %parallel_loop3A_44#0 : i32 to index
    %swap3A_45 = tpu.vector_load %arg8[%swap3A] {strides = array<i32>} : memref<8224xf32, #tpu.memory_space<vmem>>, vector<16xf32>,
    tpu.vector_store %arg8[%swap3A], %broadcast_in_dim3A_37 {strides = array<i32>} : memref<8224xf32, #tpu.memory_space<vmem>>, vector<16xf32>,
    %broadcast_in_dim3A_46 = arith.constant 0.000000e+00 : f32
    %broadcast_in_dim3A_47 = vector.broadcast %broadcast_in_dim3A_46 : f32 to vector<16xf32>
    %swap3A_48 = arith.index_cast %parallel_loop3A_44#0 : i32 to index
    %swap3A_49 = tpu.vector_load %arg9[%swap3A_48] {strides = array<i32>} : memref<8224xf32, #tpu.memory_space<vmem>>, vector<16xf32>,
    tpu.vector_store %arg9[%swap3A_48], %broadcast_in_dim3A_47 {strides = array<i32>} : memref<8224xf32, #tpu.memory_space<vmem>>, vector<16xf32>,
    %get3A = arith.constant 0 : index
    %get3A_50 = tpu.vector_load %arg8[%get3A] {strides = array<i32>} : memref<8224xf32, #tpu.memory_space<vmem>>, vector<16xf32>,
    %get3A_51 = arith.constant 0 : index
    %get3A_52 = tpu.vector_load %arg9[%get3A_51] {strides = array<i32>} : memref<8224xf32, #tpu.memory_space<vmem>>, vector<16xf32>,
    %masked_sort3A = arith.constant dense<true> : vector<16xi1>
    %masked_sort3A_53, %masked_sort3A_54, %masked_sort3A_55 = tpu.sort %get3A_50, %get3A_52 masked %masked_sort3A {descending = true} : (vector<16xf32>, vector<16xf32>, vector<16xi1>) -> (vector<16xi1>, vector<16xf32>, vector<16xf32>)
    %broadcast_in_dim3A_56 = arith.constant 0.000000e+00 : f32
    %broadcast_in_dim3A_57 = vector.broadcast %broadcast_in_dim3A_56 : f32 to vector<16xf32>
    %while3A_58 = arith.constant 1 : i32
    %while3A_59:5 = scf.while (%while3A_387 = %while3A_58, %while3A_388 = %masked_sort3A_54, %while3A_389 = %masked_sort3A_55, %while3A_390 = %broadcast_in_dim3A_37, %while3A_391 = %broadcast_in_dim3A_57) : (i32, vector<16xf32>, vector<16xf32>, vector<16xf32>, vector<16xf32>) -> (i32, vector<16xf32>, vector<16xf32>, vector<16xf32>, vector<16xf32>) {
      %mul3A_392 = arith.constant 16 : i32
      %mul3A_393 = arith.muli %while3A_387, %mul3A_392 : i32
      %lt3A_394 = arith.cmpi slt, %mul3A_393, %parallel_loop3A_44#0 : i32
      scf.condition(%lt3A_394) %while3A_387, %while3A_388, %while3A_389, %while3A_390, %while3A_391 : i32, vector<16xf32>, vector<16xf32>, vector<16xf32>, vector<16xf32>
    } do {
    ^bb0(%while3A_387: i32, %while3A_388: vector<16xf32>, %while3A_389: vector<16xf32>, %while3A_390: vector<16xf32>, %while3A_391: vector<16xf32>):
      %mul3A_392 = arith.constant 16 : i32
      %mul3A_393 = arith.muli %while3A_387, %mul3A_392 : i32
      %get3A_394 = arith.index_cast %mul3A_393 : i32 to index
      %get3A_395 = tpu.vector_load %arg8[%get3A_394] {strides = array<i32>} : memref<8224xf32, #tpu.memory_space<vmem>>, vector<16xf32>,
      %mul3A_396 = arith.constant 16 : i32
      %mul3A_397 = arith.muli %while3A_387, %mul3A_396 : i32
      %get3A_398 = arith.index_cast %mul3A_397 : i32 to index
      %get3A_399 = tpu.vector_load %arg9[%get3A_398] {strides = array<i32>} : memref<8224xf32, #tpu.memory_space<vmem>>, vector<16xf32>,
      %masked_sort3A_400 = arith.constant dense<true> : vector<16xi1>
      %masked_sort3A_401, %masked_sort3A_402, %masked_sort3A_403 = tpu.sort %get3A_395, %get3A_399 masked %masked_sort3A_400 : (vector<16xf32>, vector<16xf32>, vector<16xi1>) -> (vector<16xi1>, vector<16xf32>, vector<16xf32>)
      %ge3A = arith.cmpf oge, %while3A_388, %masked_sort3A_402 : vector<16xf32>
      %select_n3A_404 = arith.select %ge3A, %while3A_388, %masked_sort3A_402 : vector<16xi1>, vector<16xf32>
      %select_n3A_405 = arith.select %ge3A, %while3A_389, %masked_sort3A_403 : vector<16xi1>, vector<16xf32>
      %select_n3A_406 = arith.select %ge3A, %masked_sort3A_402, %while3A_388 : vector<16xi1>, vector<16xf32>
      %select_n3A_407 = arith.select %ge3A, %masked_sort3A_403, %while3A_389 : vector<16xi1>, vector<16xf32>
      %masked_sort3A_408 = arith.constant dense<true> : vector<16xi1>
      %masked_sort3A_409, %masked_sort3A_410, %masked_sort3A_411 = tpu.sort %select_n3A_404, %select_n3A_405 masked %masked_sort3A_408 {descending = true} : (vector<16xf32>, vector<16xf32>, vector<16xi1>) -> (vector<16xi1>, vector<16xf32>, vector<16xf32>)
      %masked_sort3A_412 = arith.constant dense<true> : vector<16xi1>
      %masked_sort3A_413, %masked_sort3A_414, %masked_sort3A_415 = tpu.sort %select_n3A_406, %select_n3A_407 masked %masked_sort3A_412 : (vector<16xf32>, vector<16xf32>, vector<16xi1>) -> (vector<16xi1>, vector<16xf32>, vector<16xf32>)
      %ge3A_416 = arith.cmpf oge, %while3A_390, %masked_sort3A_414 : vector<16xf32>
      %select_n3A_417 = arith.select %ge3A_416, %while3A_390, %masked_sort3A_414 : vector<16xi1>, vector<16xf32>
      %select_n3A_418 = arith.select %ge3A_416, %while3A_391, %masked_sort3A_415 : vector<16xi1>, vector<16xf32>
      %masked_sort3A_419 = arith.constant dense<true> : vector<16xi1>
      %masked_sort3A_420, %masked_sort3A_421, %masked_sort3A_422 = tpu.sort %select_n3A_417, %select_n3A_418 masked %masked_sort3A_419 {descending = true} : (vector<16xf32>, vector<16xf32>, vector<16xi1>) -> (vector<16xi1>, vector<16xf32>, vector<16xf32>)
      %add3A_423 = arith.constant 1 : i32
      %add3A_424 = arith.addi %while3A_387, %add3A_423 : i32
      scf.yield %add3A_424, %masked_sort3A_410, %masked_sort3A_411, %masked_sort3A_421, %masked_sort3A_422 : i32, vector<16xf32>, vector<16xf32>, vector<16xf32>, vector<16xf32>
    }
    %sub3A = arith.constant 32 : i32
    %sub3A_60 = arith.subi %sub3A, %while3A_13#3 : i32
    %lt3A_61 = vector.broadcast %sub3A_60 : i32 to vector<16xi32>
    %lt3A_62 = arith.cmpi slt, %iota3A, %lt3A_61 : vector<16xi32>
    %jit3A = arith.constant 0.000000e+00 : f32
    %broadcast_in_dim3A_63 = vector.broadcast %jit3A : f32 to vector<16xf32>
    %select_n3A_64 = arith.select %lt3A_62, %while3A_59#2, %broadcast_in_dim3A_63 : vector<16xi1>, vector<16xf32>
    %reduce_sum3A = arith.constant true
    %reduce_sum3A_65 = vector.broadcast %reduce_sum3A : i1 to vector<16xi1>
    %reduce_sum3A_66 = tpu.scan <sum>, %select_n3A_64 masked %reduce_sum3A_65 : vector<16xf32>, vector<16xi1> -> vector<16xf32>
    %reduce_sum3A_67 = vector.extract %reduce_sum3A_66[15] : f32 from vector<16xf32>
    %add3A_68 = arith.constant 16 : i32
    %add3A_69 = vector.broadcast %add3A_68 : i32 to vector<16xi32>
    %add3A_70 = arith.addi %iota3A, %add3A_69 : vector<16xi32>
    %lt3A_71 = vector.broadcast %sub3A_60 : i32 to vector<16xi32>
    %lt3A_72 = arith.cmpi slt, %add3A_70, %lt3A_71 : vector<16xi32>
    %jit3A_73 = arith.constant 0.000000e+00 : f32
    %broadcast_in_dim3A_74 = vector.broadcast %jit3A_73 : f32 to vector<16xf32>
    %select_n3A_75 = arith.select %lt3A_72, %while3A_59#4, %broadcast_in_dim3A_74 : vector<16xi1>, vector<16xf32>
    %reduce_sum3A_76 = arith.constant true
    %reduce_sum3A_77 = vector.broadcast %reduce_sum3A_76 : i1 to vector<16xi1>
    %reduce_sum3A_78 = tpu.scan <sum>, %select_n3A_75 masked %reduce_sum3A_77 : vector<16xf32>, vector<16xi1> -> vector<16xf32>
    %reduce_sum3A_79 = vector.extract %reduce_sum3A_78[15] : f32 from vector<16xf32>
    %add3A_80 = arith.addf %reduce_sum3A_67, %reduce_sum3A_79 : f32
    %reduce_sum3A_81 = arith.constant true
    %reduce_sum3A_82 = vector.broadcast %reduce_sum3A_81 : i1 to vector<16xi1>
    %reduce_sum3A_83 = tpu.scan <sum>, %parallel_loop3A_44#1 masked %reduce_sum3A_82 : vector<16xf32>, vector<16xi1> -> vector<16xf32>
    %reduce_sum3A_84 = vector.extract %reduce_sum3A_83[15] : f32 from vector<16xf32>
    %add3A_85 = arith.constant 0.000000e+00 : f32
    %add3A_86 = arith.addf %add3A_85, %reduce_sum3A_84 : f32
    %add3A_87 = arith.addf %add3A_86, %add3A_80 : f32
    %parallel_loop3A_88 = arith.constant 0 : i32
    %parallel_loop3A_89 = arith.constant 128 : i32
    %parallel_loop3A_90 = arith.constant 1 : i32
    scf.for %parallel_loop3A_387 = %parallel_loop3A_88 to %parallel_loop3A_89 step %parallel_loop3A_90  : i32 {
      %parallel_loop3A_388 = arith.constant 0 : i32
      %parallel_loop3A_389 = vector.broadcast %parallel_loop3A_388 : i32 to vector<16xi32>
      %parallel_loop3A_390 = arith.constant 16 : i32
      %parallel_loop3A_391 = arith.muli %parallel_loop3A_387, %parallel_loop3A_390 : i32
      %parallel_loop3A_392 = arith.index_cast %parallel_loop3A_391 : i32 to index
      %parallel_loop3A_393 = tpu.vector_load %arg7[%parallel_loop3A_392] {strides = array<i32>} : memref<2048xi32, #tpu.memory_space<vmem>>, vector<16xi32>,
      tpu.vector_store %arg7[%parallel_loop3A_392], %parallel_loop3A_389 {strides = array<i32>} : memref<2048xi32, #tpu.memory_space<vmem>>, vector<16xi32>,
    } {sc.loop_unroll_factor = 8 : i64, sc.parallel_access}
    %parallel_loop3A_91 = arith.constant 0 : i32
    %parallel_loop3A_92 = arith.constant 512 : i32
    %parallel_loop3A_93 = arith.constant 1 : i32
    scf.for %parallel_loop3A_387 = %parallel_loop3A_91 to %parallel_loop3A_92 step %parallel_loop3A_93  : i32 {
      %parallel_loop3A_388 = arith.constant 16 : i32
      %parallel_loop3A_389 = arith.muli %parallel_loop3A_387, %parallel_loop3A_388 : i32
      %parallel_loop3A_390 = arith.constant 1 : i32
      %parallel_loop3A_391 = arith.index_cast %parallel_loop3A_390 : i32 to index
      %parallel_loop3A_392 = arith.index_cast %parallel_loop3A_389 : i32 to index
      %parallel_loop3A_393 = tpu.vector_load %arg5[%parallel_loop3A_391, %parallel_loop3A_392] {strides = array<i32>} : memref<4x8192xf32, #tpu.memory_space<vmem>>, vector<16xf32>,
      %parallel_loop3A_394 = vector.bitcast %parallel_loop3A_393 : vector<16xf32> to vector<16xi32>
      %parallel_loop3A_395 = arith.constant 31 : i32
      %parallel_loop3A_396 = vector.broadcast %parallel_loop3A_395 : i32 to vector<16xi32>
      %parallel_loop3A_397 = arith.shrsi %parallel_loop3A_394, %parallel_loop3A_396 : vector<16xi32>
      %parallel_loop3A_398 = arith.constant -2147483648 : i32
      %parallel_loop3A_399 = vector.broadcast %parallel_loop3A_398 : i32 to vector<16xi32>
      %parallel_loop3A_400 = arith.ori %parallel_loop3A_397, %parallel_loop3A_399 : vector<16xi32>
      %parallel_loop3A_401 = arith.xori %parallel_loop3A_394, %parallel_loop3A_400 : vector<16xi32>
      %parallel_loop3A_402 = arith.constant 21 : i32
      %parallel_loop3A_403 = vector.broadcast %parallel_loop3A_402 : i32 to vector<16xi32>
      %parallel_loop3A_404 = arith.shrui %parallel_loop3A_401, %parallel_loop3A_403 : vector<16xi32>
      tpu.vector_store_idx %arg7[%parallel_loop3A_404], %broadcast_in_dim3A_3 {add = true} : memref<2048xi32, #tpu.memory_space<vmem>>[vector<16xi32>], vector<16xi32>,
    } {sc.loop_unroll_factor = 8 : i64, sc.parallel_access}
    %while3A_94 = arith.constant 127 : i32
    %while3A_95 = arith.constant 0 : i32
    %while3A_96 = arith.constant 0 : i32
    %while3A_97 = arith.constant 0 : i32
    %while3A_98 = arith.constant false
    %while3A_99:5 = scf.while (%while3A_387 = %while3A_94, %while3A_388 = %while3A_95, %while3A_389 = %while3A_96, %while3A_390 = %while3A_97, %while3A_391 = %while3A_98) : (i32, i32, i32, i32, i1) -> (i32, i32, i32, i32, i1) {
      %not3A_392 = arith.constant true
      %not3A_393 = arith.xori %while3A_391, %not3A_392 : i1
      scf.condition(%not3A_393) %while3A_387, %while3A_388, %while3A_389, %while3A_390, %while3A_391 : i32, i32, i32, i32, i1
    } do {
    ^bb0(%while3A_387: i32, %while3A_388: i32, %while3A_389: i32, %while3A_390: i32, %while3A_391: i1):
      %mul3A_392 = arith.constant 16 : i32
      %mul3A_393 = arith.muli %while3A_387, %mul3A_392 : i32
      %get3A_394 = arith.index_cast %mul3A_393 : i32 to index
      %get3A_395 = tpu.vector_load %arg7[%get3A_394] {strides = array<i32>} : memref<2048xi32, #tpu.memory_space<vmem>>, vector<16xi32>,
      %broadcast_in_dim3A_396 = arith.constant true
      %broadcast_in_dim3A_397 = vector.broadcast %broadcast_in_dim3A_396 : i1 to vector<16xi1>
      %masked_cumsum3A = tpu.scan <sum>, %get3A_395 masked %broadcast_in_dim3A_397 : vector<16xi32>, vector<16xi1> -> vector<16xi32>
      %reduce_max3A = arith.constant true
      %reduce_max3A_398 = vector.broadcast %reduce_max3A : i1 to vector<16xi1>
      %reduce_max3A_399 = arith.constant -2147483648 : i32
      %reduce_max3A_400 = vector.broadcast %reduce_max3A_399 : i32 to vector<16xi32>
      %reduce_max3A_401 = arith.xori %masked_cumsum3A, %reduce_max3A_400 : vector<16xi32>
      %reduce_max3A_402 = tpu.scan <max>, %reduce_max3A_401 masked %reduce_max3A_398 : vector<16xi32>, vector<16xi1> -> vector<16xi32>
      %reduce_max3A_403 = arith.xori %reduce_max3A_402, %reduce_max3A_400 : vector<16xi32>
      %reduce_max3A_404 = vector.extract %reduce_max3A_403[15] : i32 from vector<16xi32>
      %add3A_405 = arith.addi %while3A_388, %reduce_max3A_404 : i32
      %sub3A_406 = vector.broadcast %add3A_405 : i32 to vector<16xi32>
      %sub3A_407 = arith.subi %sub3A_406, %masked_cumsum3A : vector<16xi32>
      %add3A_408 = arith.addi %sub3A_407, %get3A_395 : vector<16xi32>
      %ge3A = arith.constant 32 : i32
      %ge3A_409 = vector.broadcast %ge3A : i32 to vector<16xi32>
      %ge3A_410 = arith.cmpi sge, %add3A_408, %ge3A_409 : vector<16xi32>
      %all_reduce_population_count3A = tpu.all_reduce %ge3A_410 {dim = 0 : i64, kind = #tpu.reduction_kind<sum>} : vector<16xi1> -> vector<16xi32>
      %slice3A = vector.extract_strided_slice %all_reduce_population_count3A {offsets = [0], sizes = [1], strides = [1]} : vector<16xi32> to vector<1xi32>
      %squeeze3A = vector.extract %slice3A[0] : i32 from vector<1xi32>
      %gt3A = arith.constant 0 : i32
      %gt3A_411 = arith.cmpi sgt, %squeeze3A, %gt3A : i32
      %sub3A_412 = arith.constant 1 : i32
      %sub3A_413 = arith.subi %squeeze3A, %sub3A_412 : i32
      %eq3A_414 = vector.broadcast %sub3A_413 : i32 to vector<16xi32>
      %eq3A_415 = arith.cmpi eq, %iota3A, %eq3A_414 : vector<16xi32>
      %jit3A_416 = arith.constant 0 : i32
      %broadcast_in_dim3A_417 = vector.broadcast %jit3A_416 : i32 to vector<16xi32>
      %select_n3A_418 = arith.select %eq3A_415, %add3A_408, %broadcast_in_dim3A_417 : vector<16xi1>, vector<16xi32>
      %reduce_max3A_419 = arith.constant true
      %reduce_max3A_420 = vector.broadcast %reduce_max3A_419 : i1 to vector<16xi1>
      %reduce_max3A_421 = arith.constant -2147483648 : i32
      %reduce_max3A_422 = vector.broadcast %reduce_max3A_421 : i32 to vector<16xi32>
      %reduce_max3A_423 = arith.xori %select_n3A_418, %reduce_max3A_422 : vector<16xi32>
      %reduce_max3A_424 = tpu.scan <max>, %reduce_max3A_423 masked %reduce_max3A_420 : vector<16xi32>, vector<16xi1> -> vector<16xi32>
      %reduce_max3A_425 = arith.xori %reduce_max3A_424, %reduce_max3A_422 : vector<16xi32>
      %reduce_max3A_426 = vector.extract %reduce_max3A_425[15] : i32 from vector<16xi32>
      %eq3A_427 = vector.broadcast %sub3A_413 : i32 to vector<16xi32>
      %eq3A_428 = arith.cmpi eq, %iota3A, %eq3A_427 : vector<16xi32>
      %jit3A_429 = arith.constant 0 : i32
      %broadcast_in_dim3A_430 = vector.broadcast %jit3A_429 : i32 to vector<16xi32>
      %select_n3A_431 = arith.select %eq3A_428, %get3A_395, %broadcast_in_dim3A_430 : vector<16xi1>, vector<16xi32>
      %reduce_max3A_432 = arith.constant true
      %reduce_max3A_433 = vector.broadcast %reduce_max3A_432 : i1 to vector<16xi1>
      %reduce_max3A_434 = arith.constant -2147483648 : i32
      %reduce_max3A_435 = vector.broadcast %reduce_max3A_434 : i32 to vector<16xi32>
      %reduce_max3A_436 = arith.xori %select_n3A_431, %reduce_max3A_435 : vector<16xi32>
      %reduce_max3A_437 = tpu.scan <max>, %reduce_max3A_436 masked %reduce_max3A_433 : vector<16xi32>, vector<16xi1> -> vector<16xi32>
      %reduce_max3A_438 = arith.xori %reduce_max3A_437, %reduce_max3A_435 : vector<16xi32>
      %reduce_max3A_439 = vector.extract %reduce_max3A_438[15] : i32 from vector<16xi32>
      %sub3A_440 = arith.constant 1 : i32
      %sub3A_441 = arith.subi %while3A_387, %sub3A_440 : i32
      %add3A_442 = arith.addi %while3A_388, %reduce_max3A_404 : i32
      %mul3A_443 = arith.constant 16 : i32
      %mul3A_444 = arith.muli %while3A_387, %mul3A_443 : i32
      %add3A_445 = arith.addi %mul3A_444, %sub3A_413 : i32
      %select_n3A_446 = arith.select %gt3A_411, %add3A_445, %while3A_389 : i32
      %sub3A_447 = arith.subi %reduce_max3A_426, %reduce_max3A_439 : i32
      %select_n3A_448 = arith.select %gt3A_411, %sub3A_447, %while3A_390 : i32
      scf.yield %sub3A_441, %add3A_442, %select_n3A_446, %select_n3A_448, %gt3A_411 : i32, i32, i32, i32, i1
    }
    %shift_left3A_100 = arith.constant 21 : i32
    %shift_left3A_101 = arith.shli %while3A_99#2, %shift_left3A_100 : i32
    %broadcast_in_dim3A_102 = vector.broadcast %shift_left3A_101 : i32 to vector<16xi32>
    %add3A_103 = arith.constant 1 : i32
    %add3A_104 = arith.addi %while3A_99#2, %add3A_103 : i32
    %shift_left3A_105 = arith.constant 21 : i32
    %shift_left3A_106 = arith.shli %add3A_104, %shift_left3A_105 : i32
    %broadcast_in_dim3A_107 = vector.broadcast %shift_left3A_106 : i32 to vector<16xi32>
    %lt3A_108 = arith.constant 0 : i32
    %lt3A_109 = vector.broadcast %lt3A_108 : i32 to vector<16xi32>
    %lt3A_110 = arith.cmpi slt, %broadcast_in_dim3A_102, %lt3A_109 : vector<16xi32>
    %xor3A_111 = arith.constant -2147483648 : i32
    %xor3A_112 = vector.broadcast %xor3A_111 : i32 to vector<16xi32>
    %xor3A_113 = arith.xori %broadcast_in_dim3A_102, %xor3A_112 : vector<16xi32>
    %not3A_114 = arith.constant dense<-1> : vector<16xi32>
    %not3A_115 = arith.xori %broadcast_in_dim3A_102, %not3A_114 : vector<16xi32>
    %select_n3A_116 = arith.select %lt3A_110, %xor3A_113, %not3A_115 : vector<16xi1>, vector<16xi32>
    %bitcast3A_117 = vector.bitcast %select_n3A_116 : vector<16xi32> to vector<16xf32>
    %lt3A_118 = arith.constant 0 : i32
    %lt3A_119 = vector.broadcast %lt3A_118 : i32 to vector<16xi32>
    %lt3A_120 = arith.cmpi slt, %broadcast_in_dim3A_107, %lt3A_119 : vector<16xi32>
    %xor3A_121 = arith.constant -2147483648 : i32
    %xor3A_122 = vector.broadcast %xor3A_121 : i32 to vector<16xi32>
    %xor3A_123 = arith.xori %broadcast_in_dim3A_107, %xor3A_122 : vector<16xi32>
    %not3A_124 = arith.constant dense<-1> : vector<16xi32>
    %not3A_125 = arith.xori %broadcast_in_dim3A_107, %not3A_124 : vector<16xi32>
    %select_n3A_126 = arith.select %lt3A_120, %xor3A_123, %not3A_125 : vector<16xi1>, vector<16xi32>
    %bitcast3A_127 = vector.bitcast %select_n3A_126 : vector<16xi32> to vector<16xf32>
    %broadcast_in_dim3A_128 = arith.constant 0xFF800000 : f32
    %broadcast_in_dim3A_129 = vector.broadcast %broadcast_in_dim3A_128 : f32 to vector<16xf32>
    %broadcast_in_dim3A_130 = arith.constant 0.000000e+00 : f32
    %broadcast_in_dim3A_131 = vector.broadcast %broadcast_in_dim3A_130 : f32 to vector<16xf32>
    %parallel_loop3A_132 = arith.constant 0 : i32
    %parallel_loop3A_133 = arith.constant 512 : i32
    %parallel_loop3A_134 = arith.constant 1 : i32
    %parallel_loop3A_135 = arith.constant 0 : i32
    %parallel_loop3A_136:2 = scf.for %parallel_loop3A_387 = %parallel_loop3A_132 to %parallel_loop3A_133 step %parallel_loop3A_134 iter_args(%parallel_loop3A_388 = %parallel_loop3A_135, %parallel_loop3A_389 = %broadcast_in_dim3A_131) -> (i32, vector<16xf32>)  : i32 {
      %parallel_loop3A_390 = arith.constant 16 : i32
      %parallel_loop3A_391 = arith.muli %parallel_loop3A_387, %parallel_loop3A_390 : i32
      %parallel_loop3A_392 = arith.constant 1 : i32
      %parallel_loop3A_393 = arith.index_cast %parallel_loop3A_392 : i32 to index
      %parallel_loop3A_394 = arith.index_cast %parallel_loop3A_391 : i32 to index
      %parallel_loop3A_395 = tpu.vector_load %arg5[%parallel_loop3A_393, %parallel_loop3A_394] {strides = array<i32>} : memref<4x8192xf32, #tpu.memory_space<vmem>>, vector<16xf32>,
      %parallel_loop3A_396 = arith.constant 16 : i32
      %parallel_loop3A_397 = arith.muli %parallel_loop3A_387, %parallel_loop3A_396 : i32
      %parallel_loop3A_398 = arith.constant 1 : i32
      %parallel_loop3A_399 = arith.index_cast %parallel_loop3A_398 : i32 to index
      %parallel_loop3A_400 = arith.index_cast %parallel_loop3A_397 : i32 to index
      %parallel_loop3A_401 = tpu.vector_load %arg6[%parallel_loop3A_399, %parallel_loop3A_400] {strides = array<i32>} : memref<4x8192xf32, #tpu.memory_space<vmem>>, vector<16xf32>,
      %parallel_loop3A_402 = arith.cmpf oge, %parallel_loop3A_395, %bitcast3A_117 : vector<16xf32>
      %parallel_loop3A_403 = arith.cmpf oge, %parallel_loop3A_395, %bitcast3A_127 : vector<16xf32>
      %parallel_loop3A_404 = arith.constant dense<true> : vector<16xi1>
      %parallel_loop3A_405 = arith.xori %parallel_loop3A_403, %parallel_loop3A_404 : vector<16xi1>
      %parallel_loop3A_406 = arith.andi %parallel_loop3A_402, %parallel_loop3A_405 : vector<16xi1>
      %parallel_loop3A_407 = arith.subf %parallel_loop3A_401, %parallel_loop3A_395 : vector<16xf32>
      %parallel_loop3A_408 = arith.mulf %parallel_loop3A_407, %parallel_loop3A_407 : vector<16xf32>
      %parallel_loop3A_409 = arith.constant 0.000000e+00 : f32
      %parallel_loop3A_410 = vector.broadcast %parallel_loop3A_409 : f32 to vector<16xf32>
      %parallel_loop3A_411 = arith.select %parallel_loop3A_403, %parallel_loop3A_408, %parallel_loop3A_410 : vector<16xi1>, vector<16xf32>
      %parallel_loop3A_412 = arith.addf %parallel_loop3A_389, %parallel_loop3A_411 : vector<16xf32>
      %parallel_loop3A_413 = arith.index_cast %parallel_loop3A_388 : i32 to index
      %parallel_loop3A_414 = tpu.vector_load %arg8[%parallel_loop3A_413] masked %parallel_loop3A_406 {strides = array<i32>} : memref<8224xf32, #tpu.memory_space<vmem>>, vector<16xf32>, vector<16xi1>
      tpu.vector_store %arg8[%parallel_loop3A_413], %parallel_loop3A_395 masked %parallel_loop3A_406 {strides = array<i32>} : memref<8224xf32, #tpu.memory_space<vmem>>, vector<16xf32>, vector<16xi1>
      %parallel_loop3A_415 = arith.index_cast %parallel_loop3A_388 : i32 to index
      %parallel_loop3A_416 = tpu.vector_load %arg9[%parallel_loop3A_415] masked %parallel_loop3A_406 {strides = array<i32>} : memref<8224xf32, #tpu.memory_space<vmem>>, vector<16xf32>, vector<16xi1>
      tpu.vector_store %arg9[%parallel_loop3A_415], %parallel_loop3A_408 masked %parallel_loop3A_406 {strides = array<i32>} : memref<8224xf32, #tpu.memory_space<vmem>>, vector<16xf32>, vector<16xi1>
      %parallel_loop3A_417 = tpu.all_reduce %parallel_loop3A_406 {dim = 0 : i64, kind = #tpu.reduction_kind<sum>} : vector<16xi1> -> vector<16xi32>
      %parallel_loop3A_418 = vector.extract_strided_slice %parallel_loop3A_417 {offsets = [0], sizes = [1], strides = [1]} : vector<16xi32> to vector<1xi32>
      %parallel_loop3A_419 = vector.extract %parallel_loop3A_418[0] : i32 from vector<1xi32>
      %parallel_loop3A_420 = arith.addi %parallel_loop3A_388, %parallel_loop3A_419 : i32
      scf.yield %parallel_loop3A_420, %parallel_loop3A_412 : i32, vector<16xf32>
    } {sc.loop_unroll_factor = 8 : i64, sc.parallel_access}
    %swap3A_137 = arith.index_cast %parallel_loop3A_136#0 : i32 to index
    %swap3A_138 = tpu.vector_load %arg8[%swap3A_137] {strides = array<i32>} : memref<8224xf32, #tpu.memory_space<vmem>>, vector<16xf32>,
    tpu.vector_store %arg8[%swap3A_137], %broadcast_in_dim3A_129 {strides = array<i32>} : memref<8224xf32, #tpu.memory_space<vmem>>, vector<16xf32>,
    %broadcast_in_dim3A_139 = arith.constant 0.000000e+00 : f32
    %broadcast_in_dim3A_140 = vector.broadcast %broadcast_in_dim3A_139 : f32 to vector<16xf32>
    %swap3A_141 = arith.index_cast %parallel_loop3A_136#0 : i32 to index
    %swap3A_142 = tpu.vector_load %arg9[%swap3A_141] {strides = array<i32>} : memref<8224xf32, #tpu.memory_space<vmem>>, vector<16xf32>,
    tpu.vector_store %arg9[%swap3A_141], %broadcast_in_dim3A_140 {strides = array<i32>} : memref<8224xf32, #tpu.memory_space<vmem>>, vector<16xf32>,
    %get3A_143 = arith.constant 0 : index
    %get3A_144 = tpu.vector_load %arg8[%get3A_143] {strides = array<i32>} : memref<8224xf32, #tpu.memory_space<vmem>>, vector<16xf32>,
    %get3A_145 = arith.constant 0 : index
    %get3A_146 = tpu.vector_load %arg9[%get3A_145] {strides = array<i32>} : memref<8224xf32, #tpu.memory_space<vmem>>, vector<16xf32>,
    %masked_sort3A_147 = arith.constant dense<true> : vector<16xi1>
    %masked_sort3A_148, %masked_sort3A_149, %masked_sort3A_150 = tpu.sort %get3A_144, %get3A_146 masked %masked_sort3A_147 {descending = true} : (vector<16xf32>, vector<16xf32>, vector<16xi1>) -> (vector<16xi1>, vector<16xf32>, vector<16xf32>)
    %broadcast_in_dim3A_151 = arith.constant 0.000000e+00 : f32
    %broadcast_in_dim3A_152 = vector.broadcast %broadcast_in_dim3A_151 : f32 to vector<16xf32>
    %while3A_153 = arith.constant 1 : i32
    %while3A_154:5 = scf.while (%while3A_387 = %while3A_153, %while3A_388 = %masked_sort3A_149, %while3A_389 = %masked_sort3A_150, %while3A_390 = %broadcast_in_dim3A_129, %while3A_391 = %broadcast_in_dim3A_152) : (i32, vector<16xf32>, vector<16xf32>, vector<16xf32>, vector<16xf32>) -> (i32, vector<16xf32>, vector<16xf32>, vector<16xf32>, vector<16xf32>) {
      %mul3A_392 = arith.constant 16 : i32
      %mul3A_393 = arith.muli %while3A_387, %mul3A_392 : i32
      %lt3A_394 = arith.cmpi slt, %mul3A_393, %parallel_loop3A_136#0 : i32
      scf.condition(%lt3A_394) %while3A_387, %while3A_388, %while3A_389, %while3A_390, %while3A_391 : i32, vector<16xf32>, vector<16xf32>, vector<16xf32>, vector<16xf32>
    } do {
    ^bb0(%while3A_387: i32, %while3A_388: vector<16xf32>, %while3A_389: vector<16xf32>, %while3A_390: vector<16xf32>, %while3A_391: vector<16xf32>):
      %mul3A_392 = arith.constant 16 : i32
      %mul3A_393 = arith.muli %while3A_387, %mul3A_392 : i32
      %get3A_394 = arith.index_cast %mul3A_393 : i32 to index
      %get3A_395 = tpu.vector_load %arg8[%get3A_394] {strides = array<i32>} : memref<8224xf32, #tpu.memory_space<vmem>>, vector<16xf32>,
      %mul3A_396 = arith.constant 16 : i32
      %mul3A_397 = arith.muli %while3A_387, %mul3A_396 : i32
      %get3A_398 = arith.index_cast %mul3A_397 : i32 to index
      %get3A_399 = tpu.vector_load %arg9[%get3A_398] {strides = array<i32>} : memref<8224xf32, #tpu.memory_space<vmem>>, vector<16xf32>,
      %masked_sort3A_400 = arith.constant dense<true> : vector<16xi1>
      %masked_sort3A_401, %masked_sort3A_402, %masked_sort3A_403 = tpu.sort %get3A_395, %get3A_399 masked %masked_sort3A_400 : (vector<16xf32>, vector<16xf32>, vector<16xi1>) -> (vector<16xi1>, vector<16xf32>, vector<16xf32>)
      %ge3A = arith.cmpf oge, %while3A_388, %masked_sort3A_402 : vector<16xf32>
      %select_n3A_404 = arith.select %ge3A, %while3A_388, %masked_sort3A_402 : vector<16xi1>, vector<16xf32>
      %select_n3A_405 = arith.select %ge3A, %while3A_389, %masked_sort3A_403 : vector<16xi1>, vector<16xf32>
      %select_n3A_406 = arith.select %ge3A, %masked_sort3A_402, %while3A_388 : vector<16xi1>, vector<16xf32>
      %select_n3A_407 = arith.select %ge3A, %masked_sort3A_403, %while3A_389 : vector<16xi1>, vector<16xf32>
      %masked_sort3A_408 = arith.constant dense<true> : vector<16xi1>
      %masked_sort3A_409, %masked_sort3A_410, %masked_sort3A_411 = tpu.sort %select_n3A_404, %select_n3A_405 masked %masked_sort3A_408 {descending = true} : (vector<16xf32>, vector<16xf32>, vector<16xi1>) -> (vector<16xi1>, vector<16xf32>, vector<16xf32>)
      %masked_sort3A_412 = arith.constant dense<true> : vector<16xi1>
      %masked_sort3A_413, %masked_sort3A_414, %masked_sort3A_415 = tpu.sort %select_n3A_406, %select_n3A_407 masked %masked_sort3A_412 : (vector<16xf32>, vector<16xf32>, vector<16xi1>) -> (vector<16xi1>, vector<16xf32>, vector<16xf32>)
      %ge3A_416 = arith.cmpf oge, %while3A_390, %masked_sort3A_414 : vector<16xf32>
      %select_n3A_417 = arith.select %ge3A_416, %while3A_390, %masked_sort3A_414 : vector<16xi1>, vector<16xf32>
      %select_n3A_418 = arith.select %ge3A_416, %while3A_391, %masked_sort3A_415 : vector<16xi1>, vector<16xf32>
      %masked_sort3A_419 = arith.constant dense<true> : vector<16xi1>
      %masked_sort3A_420, %masked_sort3A_421, %masked_sort3A_422 = tpu.sort %select_n3A_417, %select_n3A_418 masked %masked_sort3A_419 {descending = true} : (vector<16xf32>, vector<16xf32>, vector<16xi1>) -> (vector<16xi1>, vector<16xf32>, vector<16xf32>)
      %add3A_423 = arith.constant 1 : i32
      %add3A_424 = arith.addi %while3A_387, %add3A_423 : i32
      scf.yield %add3A_424, %masked_sort3A_410, %masked_sort3A_411, %masked_sort3A_421, %masked_sort3A_422 : i32, vector<16xf32>, vector<16xf32>, vector<16xf32>, vector<16xf32>
    }
    %sub3A_155 = arith.constant 32 : i32
    %sub3A_156 = arith.subi %sub3A_155, %while3A_99#3 : i32
    %lt3A_157 = vector.broadcast %sub3A_156 : i32 to vector<16xi32>
    %lt3A_158 = arith.cmpi slt, %iota3A, %lt3A_157 : vector<16xi32>
    %jit3A_159 = arith.constant 0.000000e+00 : f32
    %broadcast_in_dim3A_160 = vector.broadcast %jit3A_159 : f32 to vector<16xf32>
    %select_n3A_161 = arith.select %lt3A_158, %while3A_154#2, %broadcast_in_dim3A_160 : vector<16xi1>, vector<16xf32>
    %reduce_sum3A_162 = arith.constant true
    %reduce_sum3A_163 = vector.broadcast %reduce_sum3A_162 : i1 to vector<16xi1>
    %reduce_sum3A_164 = tpu.scan <sum>, %select_n3A_161 masked %reduce_sum3A_163 : vector<16xf32>, vector<16xi1> -> vector<16xf32>
    %reduce_sum3A_165 = vector.extract %reduce_sum3A_164[15] : f32 from vector<16xf32>
    %add3A_166 = arith.constant 16 : i32
    %add3A_167 = vector.broadcast %add3A_166 : i32 to vector<16xi32>
    %add3A_168 = arith.addi %iota3A, %add3A_167 : vector<16xi32>
    %lt3A_169 = vector.broadcast %sub3A_156 : i32 to vector<16xi32>
    %lt3A_170 = arith.cmpi slt, %add3A_168, %lt3A_169 : vector<16xi32>
    %jit3A_171 = arith.constant 0.000000e+00 : f32
    %broadcast_in_dim3A_172 = vector.broadcast %jit3A_171 : f32 to vector<16xf32>
    %select_n3A_173 = arith.select %lt3A_170, %while3A_154#4, %broadcast_in_dim3A_172 : vector<16xi1>, vector<16xf32>
    %reduce_sum3A_174 = arith.constant true
    %reduce_sum3A_175 = vector.broadcast %reduce_sum3A_174 : i1 to vector<16xi1>
    %reduce_sum3A_176 = tpu.scan <sum>, %select_n3A_173 masked %reduce_sum3A_175 : vector<16xf32>, vector<16xi1> -> vector<16xf32>
    %reduce_sum3A_177 = vector.extract %reduce_sum3A_176[15] : f32 from vector<16xf32>
    %add3A_178 = arith.addf %reduce_sum3A_165, %reduce_sum3A_177 : f32
    %reduce_sum3A_179 = arith.constant true
    %reduce_sum3A_180 = vector.broadcast %reduce_sum3A_179 : i1 to vector<16xi1>
    %reduce_sum3A_181 = tpu.scan <sum>, %parallel_loop3A_136#1 masked %reduce_sum3A_180 : vector<16xf32>, vector<16xi1> -> vector<16xf32>
    %reduce_sum3A_182 = vector.extract %reduce_sum3A_181[15] : f32 from vector<16xf32>
    %add3A_183 = arith.addf %add3A_87, %reduce_sum3A_182 : f32
    %add3A_184 = arith.addf %add3A_183, %add3A_178 : f32
    %parallel_loop3A_185 = arith.constant 0 : i32
    %parallel_loop3A_186 = arith.constant 128 : i32
    %parallel_loop3A_187 = arith.constant 1 : i32
    scf.for %parallel_loop3A_387 = %parallel_loop3A_185 to %parallel_loop3A_186 step %parallel_loop3A_187  : i32 {
      %parallel_loop3A_388 = arith.constant 0 : i32
      %parallel_loop3A_389 = vector.broadcast %parallel_loop3A_388 : i32 to vector<16xi32>
      %parallel_loop3A_390 = arith.constant 16 : i32
      %parallel_loop3A_391 = arith.muli %parallel_loop3A_387, %parallel_loop3A_390 : i32
      %parallel_loop3A_392 = arith.index_cast %parallel_loop3A_391 : i32 to index
      %parallel_loop3A_393 = tpu.vector_load %arg7[%parallel_loop3A_392] {strides = array<i32>} : memref<2048xi32, #tpu.memory_space<vmem>>, vector<16xi32>,
      tpu.vector_store %arg7[%parallel_loop3A_392], %parallel_loop3A_389 {strides = array<i32>} : memref<2048xi32, #tpu.memory_space<vmem>>, vector<16xi32>,
    } {sc.loop_unroll_factor = 8 : i64, sc.parallel_access}
    %parallel_loop3A_188 = arith.constant 0 : i32
    %parallel_loop3A_189 = arith.constant 512 : i32
    %parallel_loop3A_190 = arith.constant 1 : i32
    scf.for %parallel_loop3A_387 = %parallel_loop3A_188 to %parallel_loop3A_189 step %parallel_loop3A_190  : i32 {
      %parallel_loop3A_388 = arith.constant 16 : i32
      %parallel_loop3A_389 = arith.muli %parallel_loop3A_387, %parallel_loop3A_388 : i32
      %parallel_loop3A_390 = arith.constant 2 : i32
      %parallel_loop3A_391 = arith.index_cast %parallel_loop3A_390 : i32 to index
      %parallel_loop3A_392 = arith.index_cast %parallel_loop3A_389 : i32 to index
      %parallel_loop3A_393 = tpu.vector_load %arg5[%parallel_loop3A_391, %parallel_loop3A_392] {strides = array<i32>} : memref<4x8192xf32, #tpu.memory_space<vmem>>, vector<16xf32>,
      %parallel_loop3A_394 = vector.bitcast %parallel_loop3A_393 : vector<16xf32> to vector<16xi32>
      %parallel_loop3A_395 = arith.constant 31 : i32
      %parallel_loop3A_396 = vector.broadcast %parallel_loop3A_395 : i32 to vector<16xi32>
      %parallel_loop3A_397 = arith.shrsi %parallel_loop3A_394, %parallel_loop3A_396 : vector<16xi32>
      %parallel_loop3A_398 = arith.constant -2147483648 : i32
      %parallel_loop3A_399 = vector.broadcast %parallel_loop3A_398 : i32 to vector<16xi32>
      %parallel_loop3A_400 = arith.ori %parallel_loop3A_397, %parallel_loop3A_399 : vector<16xi32>
      %parallel_loop3A_401 = arith.xori %parallel_loop3A_394, %parallel_loop3A_400 : vector<16xi32>
      %parallel_loop3A_402 = arith.constant 21 : i32
      %parallel_loop3A_403 = vector.broadcast %parallel_loop3A_402 : i32 to vector<16xi32>
      %parallel_loop3A_404 = arith.shrui %parallel_loop3A_401, %parallel_loop3A_403 : vector<16xi32>
      tpu.vector_store_idx %arg7[%parallel_loop3A_404], %broadcast_in_dim3A_3 {add = true} : memref<2048xi32, #tpu.memory_space<vmem>>[vector<16xi32>], vector<16xi32>,
    } {sc.loop_unroll_factor = 8 : i64, sc.parallel_access}
    %while3A_191 = arith.constant 127 : i32
    %while3A_192 = arith.constant 0 : i32
    %while3A_193 = arith.constant 0 : i32
    %while3A_194 = arith.constant 0 : i32
    %while3A_195 = arith.constant false
    %while3A_196:5 = scf.while (%while3A_387 = %while3A_191, %while3A_388 = %while3A_192, %while3A_389 = %while3A_193, %while3A_390 = %while3A_194, %while3A_391 = %while3A_195) : (i32, i32, i32, i32, i1) -> (i32, i32, i32, i32, i1) {
      %not3A_392 = arith.constant true
      %not3A_393 = arith.xori %while3A_391, %not3A_392 : i1
      scf.condition(%not3A_393) %while3A_387, %while3A_388, %while3A_389, %while3A_390, %while3A_391 : i32, i32, i32, i32, i1
    } do {
    ^bb0(%while3A_387: i32, %while3A_388: i32, %while3A_389: i32, %while3A_390: i32, %while3A_391: i1):
      %mul3A_392 = arith.constant 16 : i32
      %mul3A_393 = arith.muli %while3A_387, %mul3A_392 : i32
      %get3A_394 = arith.index_cast %mul3A_393 : i32 to index
      %get3A_395 = tpu.vector_load %arg7[%get3A_394] {strides = array<i32>} : memref<2048xi32, #tpu.memory_space<vmem>>, vector<16xi32>,
      %broadcast_in_dim3A_396 = arith.constant true
      %broadcast_in_dim3A_397 = vector.broadcast %broadcast_in_dim3A_396 : i1 to vector<16xi1>
      %masked_cumsum3A = tpu.scan <sum>, %get3A_395 masked %broadcast_in_dim3A_397 : vector<16xi32>, vector<16xi1> -> vector<16xi32>
      %reduce_max3A = arith.constant true
      %reduce_max3A_398 = vector.broadcast %reduce_max3A : i1 to vector<16xi1>
      %reduce_max3A_399 = arith.constant -2147483648 : i32
      %reduce_max3A_400 = vector.broadcast %reduce_max3A_399 : i32 to vector<16xi32>
      %reduce_max3A_401 = arith.xori %masked_cumsum3A, %reduce_max3A_400 : vector<16xi32>
      %reduce_max3A_402 = tpu.scan <max>, %reduce_max3A_401 masked %reduce_max3A_398 : vector<16xi32>, vector<16xi1> -> vector<16xi32>
      %reduce_max3A_403 = arith.xori %reduce_max3A_402, %reduce_max3A_400 : vector<16xi32>
      %reduce_max3A_404 = vector.extract %reduce_max3A_403[15] : i32 from vector<16xi32>
      %add3A_405 = arith.addi %while3A_388, %reduce_max3A_404 : i32
      %sub3A_406 = vector.broadcast %add3A_405 : i32 to vector<16xi32>
      %sub3A_407 = arith.subi %sub3A_406, %masked_cumsum3A : vector<16xi32>
      %add3A_408 = arith.addi %sub3A_407, %get3A_395 : vector<16xi32>
      %ge3A = arith.constant 32 : i32
      %ge3A_409 = vector.broadcast %ge3A : i32 to vector<16xi32>
      %ge3A_410 = arith.cmpi sge, %add3A_408, %ge3A_409 : vector<16xi32>
      %all_reduce_population_count3A = tpu.all_reduce %ge3A_410 {dim = 0 : i64, kind = #tpu.reduction_kind<sum>} : vector<16xi1> -> vector<16xi32>
      %slice3A = vector.extract_strided_slice %all_reduce_population_count3A {offsets = [0], sizes = [1], strides = [1]} : vector<16xi32> to vector<1xi32>
      %squeeze3A = vector.extract %slice3A[0] : i32 from vector<1xi32>
      %gt3A = arith.constant 0 : i32
      %gt3A_411 = arith.cmpi sgt, %squeeze3A, %gt3A : i32
      %sub3A_412 = arith.constant 1 : i32
      %sub3A_413 = arith.subi %squeeze3A, %sub3A_412 : i32
      %eq3A_414 = vector.broadcast %sub3A_413 : i32 to vector<16xi32>
      %eq3A_415 = arith.cmpi eq, %iota3A, %eq3A_414 : vector<16xi32>
      %jit3A_416 = arith.constant 0 : i32
      %broadcast_in_dim3A_417 = vector.broadcast %jit3A_416 : i32 to vector<16xi32>
      %select_n3A_418 = arith.select %eq3A_415, %add3A_408, %broadcast_in_dim3A_417 : vector<16xi1>, vector<16xi32>
      %reduce_max3A_419 = arith.constant true
      %reduce_max3A_420 = vector.broadcast %reduce_max3A_419 : i1 to vector<16xi1>
      %reduce_max3A_421 = arith.constant -2147483648 : i32
      %reduce_max3A_422 = vector.broadcast %reduce_max3A_421 : i32 to vector<16xi32>
      %reduce_max3A_423 = arith.xori %select_n3A_418, %reduce_max3A_422 : vector<16xi32>
      %reduce_max3A_424 = tpu.scan <max>, %reduce_max3A_423 masked %reduce_max3A_420 : vector<16xi32>, vector<16xi1> -> vector<16xi32>
      %reduce_max3A_425 = arith.xori %reduce_max3A_424, %reduce_max3A_422 : vector<16xi32>
      %reduce_max3A_426 = vector.extract %reduce_max3A_425[15] : i32 from vector<16xi32>
      %eq3A_427 = vector.broadcast %sub3A_413 : i32 to vector<16xi32>
      %eq3A_428 = arith.cmpi eq, %iota3A, %eq3A_427 : vector<16xi32>
      %jit3A_429 = arith.constant 0 : i32
      %broadcast_in_dim3A_430 = vector.broadcast %jit3A_429 : i32 to vector<16xi32>
      %select_n3A_431 = arith.select %eq3A_428, %get3A_395, %broadcast_in_dim3A_430 : vector<16xi1>, vector<16xi32>
      %reduce_max3A_432 = arith.constant true
      %reduce_max3A_433 = vector.broadcast %reduce_max3A_432 : i1 to vector<16xi1>
      %reduce_max3A_434 = arith.constant -2147483648 : i32
      %reduce_max3A_435 = vector.broadcast %reduce_max3A_434 : i32 to vector<16xi32>
      %reduce_max3A_436 = arith.xori %select_n3A_431, %reduce_max3A_435 : vector<16xi32>
      %reduce_max3A_437 = tpu.scan <max>, %reduce_max3A_436 masked %reduce_max3A_433 : vector<16xi32>, vector<16xi1> -> vector<16xi32>
      %reduce_max3A_438 = arith.xori %reduce_max3A_437, %reduce_max3A_435 : vector<16xi32>
      %reduce_max3A_439 = vector.extract %reduce_max3A_438[15] : i32 from vector<16xi32>
      %sub3A_440 = arith.constant 1 : i32
      %sub3A_441 = arith.subi %while3A_387, %sub3A_440 : i32
      %add3A_442 = arith.addi %while3A_388, %reduce_max3A_404 : i32
      %mul3A_443 = arith.constant 16 : i32
      %mul3A_444 = arith.muli %while3A_387, %mul3A_443 : i32
      %add3A_445 = arith.addi %mul3A_444, %sub3A_413 : i32
      %select_n3A_446 = arith.select %gt3A_411, %add3A_445, %while3A_389 : i32
      %sub3A_447 = arith.subi %reduce_max3A_426, %reduce_max3A_439 : i32
      %select_n3A_448 = arith.select %gt3A_411, %sub3A_447, %while3A_390 : i32
      scf.yield %sub3A_441, %add3A_442, %select_n3A_446, %select_n3A_448, %gt3A_411 : i32, i32, i32, i32, i1
    }
    %shift_left3A_197 = arith.constant 21 : i32
    %shift_left3A_198 = arith.shli %while3A_196#2, %shift_left3A_197 : i32
    %broadcast_in_dim3A_199 = vector.broadcast %shift_left3A_198 : i32 to vector<16xi32>
    %add3A_200 = arith.constant 1 : i32
    %add3A_201 = arith.addi %while3A_196#2, %add3A_200 : i32
    %shift_left3A_202 = arith.constant 21 : i32
    %shift_left3A_203 = arith.shli %add3A_201, %shift_left3A_202 : i32
    %broadcast_in_dim3A_204 = vector.broadcast %shift_left3A_203 : i32 to vector<16xi32>
    %lt3A_205 = arith.constant 0 : i32
    %lt3A_206 = vector.broadcast %lt3A_205 : i32 to vector<16xi32>
    %lt3A_207 = arith.cmpi slt, %broadcast_in_dim3A_199, %lt3A_206 : vector<16xi32>
    %xor3A_208 = arith.constant -2147483648 : i32
    %xor3A_209 = vector.broadcast %xor3A_208 : i32 to vector<16xi32>
    %xor3A_210 = arith.xori %broadcast_in_dim3A_199, %xor3A_209 : vector<16xi32>
    %not3A_211 = arith.constant dense<-1> : vector<16xi32>
    %not3A_212 = arith.xori %broadcast_in_dim3A_199, %not3A_211 : vector<16xi32>
    %select_n3A_213 = arith.select %lt3A_207, %xor3A_210, %not3A_212 : vector<16xi1>, vector<16xi32>
    %bitcast3A_214 = vector.bitcast %select_n3A_213 : vector<16xi32> to vector<16xf32>
    %lt3A_215 = arith.constant 0 : i32
    %lt3A_216 = vector.broadcast %lt3A_215 : i32 to vector<16xi32>
    %lt3A_217 = arith.cmpi slt, %broadcast_in_dim3A_204, %lt3A_216 : vector<16xi32>
    %xor3A_218 = arith.constant -2147483648 : i32
    %xor3A_219 = vector.broadcast %xor3A_218 : i32 to vector<16xi32>
    %xor3A_220 = arith.xori %broadcast_in_dim3A_204, %xor3A_219 : vector<16xi32>
    %not3A_221 = arith.constant dense<-1> : vector<16xi32>
    %not3A_222 = arith.xori %broadcast_in_dim3A_204, %not3A_221 : vector<16xi32>
    %select_n3A_223 = arith.select %lt3A_217, %xor3A_220, %not3A_222 : vector<16xi1>, vector<16xi32>
    %bitcast3A_224 = vector.bitcast %select_n3A_223 : vector<16xi32> to vector<16xf32>
    %broadcast_in_dim3A_225 = arith.constant 0xFF800000 : f32
    %broadcast_in_dim3A_226 = vector.broadcast %broadcast_in_dim3A_225 : f32 to vector<16xf32>
    %broadcast_in_dim3A_227 = arith.constant 0.000000e+00 : f32
    %broadcast_in_dim3A_228 = vector.broadcast %broadcast_in_dim3A_227 : f32 to vector<16xf32>
    %parallel_loop3A_229 = arith.constant 0 : i32
    %parallel_loop3A_230 = arith.constant 512 : i32
    %parallel_loop3A_231 = arith.constant 1 : i32
    %parallel_loop3A_232 = arith.constant 0 : i32
    %parallel_loop3A_233:2 = scf.for %parallel_loop3A_387 = %parallel_loop3A_229 to %parallel_loop3A_230 step %parallel_loop3A_231 iter_args(%parallel_loop3A_388 = %parallel_loop3A_232, %parallel_loop3A_389 = %broadcast_in_dim3A_228) -> (i32, vector<16xf32>)  : i32 {
      %parallel_loop3A_390 = arith.constant 16 : i32
      %parallel_loop3A_391 = arith.muli %parallel_loop3A_387, %parallel_loop3A_390 : i32
      %parallel_loop3A_392 = arith.constant 2 : i32
      %parallel_loop3A_393 = arith.index_cast %parallel_loop3A_392 : i32 to index
      %parallel_loop3A_394 = arith.index_cast %parallel_loop3A_391 : i32 to index
      %parallel_loop3A_395 = tpu.vector_load %arg5[%parallel_loop3A_393, %parallel_loop3A_394] {strides = array<i32>} : memref<4x8192xf32, #tpu.memory_space<vmem>>, vector<16xf32>,
      %parallel_loop3A_396 = arith.constant 16 : i32
      %parallel_loop3A_397 = arith.muli %parallel_loop3A_387, %parallel_loop3A_396 : i32
      %parallel_loop3A_398 = arith.constant 2 : i32
      %parallel_loop3A_399 = arith.index_cast %parallel_loop3A_398 : i32 to index
      %parallel_loop3A_400 = arith.index_cast %parallel_loop3A_397 : i32 to index
      %parallel_loop3A_401 = tpu.vector_load %arg6[%parallel_loop3A_399, %parallel_loop3A_400] {strides = array<i32>} : memref<4x8192xf32, #tpu.memory_space<vmem>>, vector<16xf32>,
      %parallel_loop3A_402 = arith.cmpf oge, %parallel_loop3A_395, %bitcast3A_214 : vector<16xf32>
      %parallel_loop3A_403 = arith.cmpf oge, %parallel_loop3A_395, %bitcast3A_224 : vector<16xf32>
      %parallel_loop3A_404 = arith.constant dense<true> : vector<16xi1>
      %parallel_loop3A_405 = arith.xori %parallel_loop3A_403, %parallel_loop3A_404 : vector<16xi1>
      %parallel_loop3A_406 = arith.andi %parallel_loop3A_402, %parallel_loop3A_405 : vector<16xi1>
      %parallel_loop3A_407 = arith.subf %parallel_loop3A_401, %parallel_loop3A_395 : vector<16xf32>
      %parallel_loop3A_408 = arith.mulf %parallel_loop3A_407, %parallel_loop3A_407 : vector<16xf32>
      %parallel_loop3A_409 = arith.constant 0.000000e+00 : f32
      %parallel_loop3A_410 = vector.broadcast %parallel_loop3A_409 : f32 to vector<16xf32>
      %parallel_loop3A_411 = arith.select %parallel_loop3A_403, %parallel_loop3A_408, %parallel_loop3A_410 : vector<16xi1>, vector<16xf32>
      %parallel_loop3A_412 = arith.addf %parallel_loop3A_389, %parallel_loop3A_411 : vector<16xf32>
      %parallel_loop3A_413 = arith.index_cast %parallel_loop3A_388 : i32 to index
      %parallel_loop3A_414 = tpu.vector_load %arg8[%parallel_loop3A_413] masked %parallel_loop3A_406 {strides = array<i32>} : memref<8224xf32, #tpu.memory_space<vmem>>, vector<16xf32>, vector<16xi1>
      tpu.vector_store %arg8[%parallel_loop3A_413], %parallel_loop3A_395 masked %parallel_loop3A_406 {strides = array<i32>} : memref<8224xf32, #tpu.memory_space<vmem>>, vector<16xf32>, vector<16xi1>
      %parallel_loop3A_415 = arith.index_cast %parallel_loop3A_388 : i32 to index
      %parallel_loop3A_416 = tpu.vector_load %arg9[%parallel_loop3A_415] masked %parallel_loop3A_406 {strides = array<i32>} : memref<8224xf32, #tpu.memory_space<vmem>>, vector<16xf32>, vector<16xi1>
      tpu.vector_store %arg9[%parallel_loop3A_415], %parallel_loop3A_408 masked %parallel_loop3A_406 {strides = array<i32>} : memref<8224xf32, #tpu.memory_space<vmem>>, vector<16xf32>, vector<16xi1>
      %parallel_loop3A_417 = tpu.all_reduce %parallel_loop3A_406 {dim = 0 : i64, kind = #tpu.reduction_kind<sum>} : vector<16xi1> -> vector<16xi32>
      %parallel_loop3A_418 = vector.extract_strided_slice %parallel_loop3A_417 {offsets = [0], sizes = [1], strides = [1]} : vector<16xi32> to vector<1xi32>
      %parallel_loop3A_419 = vector.extract %parallel_loop3A_418[0] : i32 from vector<1xi32>
      %parallel_loop3A_420 = arith.addi %parallel_loop3A_388, %parallel_loop3A_419 : i32
      scf.yield %parallel_loop3A_420, %parallel_loop3A_412 : i32, vector<16xf32>
    } {sc.loop_unroll_factor = 8 : i64, sc.parallel_access}
    %swap3A_234 = arith.index_cast %parallel_loop3A_233#0 : i32 to index
    %swap3A_235 = tpu.vector_load %arg8[%swap3A_234] {strides = array<i32>} : memref<8224xf32, #tpu.memory_space<vmem>>, vector<16xf32>,
    tpu.vector_store %arg8[%swap3A_234], %broadcast_in_dim3A_226 {strides = array<i32>} : memref<8224xf32, #tpu.memory_space<vmem>>, vector<16xf32>,
    %broadcast_in_dim3A_236 = arith.constant 0.000000e+00 : f32
    %broadcast_in_dim3A_237 = vector.broadcast %broadcast_in_dim3A_236 : f32 to vector<16xf32>
    %swap3A_238 = arith.index_cast %parallel_loop3A_233#0 : i32 to index
    %swap3A_239 = tpu.vector_load %arg9[%swap3A_238] {strides = array<i32>} : memref<8224xf32, #tpu.memory_space<vmem>>, vector<16xf32>,
    tpu.vector_store %arg9[%swap3A_238], %broadcast_in_dim3A_237 {strides = array<i32>} : memref<8224xf32, #tpu.memory_space<vmem>>, vector<16xf32>,
    %get3A_240 = arith.constant 0 : index
    %get3A_241 = tpu.vector_load %arg8[%get3A_240] {strides = array<i32>} : memref<8224xf32, #tpu.memory_space<vmem>>, vector<16xf32>,
    %get3A_242 = arith.constant 0 : index
    %get3A_243 = tpu.vector_load %arg9[%get3A_242] {strides = array<i32>} : memref<8224xf32, #tpu.memory_space<vmem>>, vector<16xf32>,
    %masked_sort3A_244 = arith.constant dense<true> : vector<16xi1>
    %masked_sort3A_245, %masked_sort3A_246, %masked_sort3A_247 = tpu.sort %get3A_241, %get3A_243 masked %masked_sort3A_244 {descending = true} : (vector<16xf32>, vector<16xf32>, vector<16xi1>) -> (vector<16xi1>, vector<16xf32>, vector<16xf32>)
    %broadcast_in_dim3A_248 = arith.constant 0.000000e+00 : f32
    %broadcast_in_dim3A_249 = vector.broadcast %broadcast_in_dim3A_248 : f32 to vector<16xf32>
    %while3A_250 = arith.constant 1 : i32
    %while3A_251:5 = scf.while (%while3A_387 = %while3A_250, %while3A_388 = %masked_sort3A_246, %while3A_389 = %masked_sort3A_247, %while3A_390 = %broadcast_in_dim3A_226, %while3A_391 = %broadcast_in_dim3A_249) : (i32, vector<16xf32>, vector<16xf32>, vector<16xf32>, vector<16xf32>) -> (i32, vector<16xf32>, vector<16xf32>, vector<16xf32>, vector<16xf32>) {
      %mul3A_392 = arith.constant 16 : i32
      %mul3A_393 = arith.muli %while3A_387, %mul3A_392 : i32
      %lt3A_394 = arith.cmpi slt, %mul3A_393, %parallel_loop3A_233#0 : i32
      scf.condition(%lt3A_394) %while3A_387, %while3A_388, %while3A_389, %while3A_390, %while3A_391 : i32, vector<16xf32>, vector<16xf32>, vector<16xf32>, vector<16xf32>
    } do {
    ^bb0(%while3A_387: i32, %while3A_388: vector<16xf32>, %while3A_389: vector<16xf32>, %while3A_390: vector<16xf32>, %while3A_391: vector<16xf32>):
      %mul3A_392 = arith.constant 16 : i32
      %mul3A_393 = arith.muli %while3A_387, %mul3A_392 : i32
      %get3A_394 = arith.index_cast %mul3A_393 : i32 to index
      %get3A_395 = tpu.vector_load %arg8[%get3A_394] {strides = array<i32>} : memref<8224xf32, #tpu.memory_space<vmem>>, vector<16xf32>,
      %mul3A_396 = arith.constant 16 : i32
      %mul3A_397 = arith.muli %while3A_387, %mul3A_396 : i32
      %get3A_398 = arith.index_cast %mul3A_397 : i32 to index
      %get3A_399 = tpu.vector_load %arg9[%get3A_398] {strides = array<i32>} : memref<8224xf32, #tpu.memory_space<vmem>>, vector<16xf32>,
      %masked_sort3A_400 = arith.constant dense<true> : vector<16xi1>
      %masked_sort3A_401, %masked_sort3A_402, %masked_sort3A_403 = tpu.sort %get3A_395, %get3A_399 masked %masked_sort3A_400 : (vector<16xf32>, vector<16xf32>, vector<16xi1>) -> (vector<16xi1>, vector<16xf32>, vector<16xf32>)
      %ge3A = arith.cmpf oge, %while3A_388, %masked_sort3A_402 : vector<16xf32>
      %select_n3A_404 = arith.select %ge3A, %while3A_388, %masked_sort3A_402 : vector<16xi1>, vector<16xf32>
      %select_n3A_405 = arith.select %ge3A, %while3A_389, %masked_sort3A_403 : vector<16xi1>, vector<16xf32>
      %select_n3A_406 = arith.select %ge3A, %masked_sort3A_402, %while3A_388 : vector<16xi1>, vector<16xf32>
      %select_n3A_407 = arith.select %ge3A, %masked_sort3A_403, %while3A_389 : vector<16xi1>, vector<16xf32>
      %masked_sort3A_408 = arith.constant dense<true> : vector<16xi1>
      %masked_sort3A_409, %masked_sort3A_410, %masked_sort3A_411 = tpu.sort %select_n3A_404, %select_n3A_405 masked %masked_sort3A_408 {descending = true} : (vector<16xf32>, vector<16xf32>, vector<16xi1>) -> (vector<16xi1>, vector<16xf32>, vector<16xf32>)
      %masked_sort3A_412 = arith.constant dense<true> : vector<16xi1>
      %masked_sort3A_413, %masked_sort3A_414, %masked_sort3A_415 = tpu.sort %select_n3A_406, %select_n3A_407 masked %masked_sort3A_412 : (vector<16xf32>, vector<16xf32>, vector<16xi1>) -> (vector<16xi1>, vector<16xf32>, vector<16xf32>)
      %ge3A_416 = arith.cmpf oge, %while3A_390, %masked_sort3A_414 : vector<16xf32>
      %select_n3A_417 = arith.select %ge3A_416, %while3A_390, %masked_sort3A_414 : vector<16xi1>, vector<16xf32>
      %select_n3A_418 = arith.select %ge3A_416, %while3A_391, %masked_sort3A_415 : vector<16xi1>, vector<16xf32>
      %masked_sort3A_419 = arith.constant dense<true> : vector<16xi1>
      %masked_sort3A_420, %masked_sort3A_421, %masked_sort3A_422 = tpu.sort %select_n3A_417, %select_n3A_418 masked %masked_sort3A_419 {descending = true} : (vector<16xf32>, vector<16xf32>, vector<16xi1>) -> (vector<16xi1>, vector<16xf32>, vector<16xf32>)
      %add3A_423 = arith.constant 1 : i32
      %add3A_424 = arith.addi %while3A_387, %add3A_423 : i32
      scf.yield %add3A_424, %masked_sort3A_410, %masked_sort3A_411, %masked_sort3A_421, %masked_sort3A_422 : i32, vector<16xf32>, vector<16xf32>, vector<16xf32>, vector<16xf32>
    }
    %sub3A_252 = arith.constant 32 : i32
    %sub3A_253 = arith.subi %sub3A_252, %while3A_196#3 : i32
    %lt3A_254 = vector.broadcast %sub3A_253 : i32 to vector<16xi32>
    %lt3A_255 = arith.cmpi slt, %iota3A, %lt3A_254 : vector<16xi32>
    %jit3A_256 = arith.constant 0.000000e+00 : f32
    %broadcast_in_dim3A_257 = vector.broadcast %jit3A_256 : f32 to vector<16xf32>
    %select_n3A_258 = arith.select %lt3A_255, %while3A_251#2, %broadcast_in_dim3A_257 : vector<16xi1>, vector<16xf32>
    %reduce_sum3A_259 = arith.constant true
    %reduce_sum3A_260 = vector.broadcast %reduce_sum3A_259 : i1 to vector<16xi1>
    %reduce_sum3A_261 = tpu.scan <sum>, %select_n3A_258 masked %reduce_sum3A_260 : vector<16xf32>, vector<16xi1> -> vector<16xf32>
    %reduce_sum3A_262 = vector.extract %reduce_sum3A_261[15] : f32 from vector<16xf32>
    %add3A_263 = arith.constant 16 : i32
    %add3A_264 = vector.broadcast %add3A_263 : i32 to vector<16xi32>
    %add3A_265 = arith.addi %iota3A, %add3A_264 : vector<16xi32>
    %lt3A_266 = vector.broadcast %sub3A_253 : i32 to vector<16xi32>
    %lt3A_267 = arith.cmpi slt, %add3A_265, %lt3A_266 : vector<16xi32>
    %jit3A_268 = arith.constant 0.000000e+00 : f32
    %broadcast_in_dim3A_269 = vector.broadcast %jit3A_268 : f32 to vector<16xf32>
    %select_n3A_270 = arith.select %lt3A_267, %while3A_251#4, %broadcast_in_dim3A_269 : vector<16xi1>, vector<16xf32>
    %reduce_sum3A_271 = arith.constant true
    %reduce_sum3A_272 = vector.broadcast %reduce_sum3A_271 : i1 to vector<16xi1>
    %reduce_sum3A_273 = tpu.scan <sum>, %select_n3A_270 masked %reduce_sum3A_272 : vector<16xf32>, vector<16xi1> -> vector<16xf32>
    %reduce_sum3A_274 = vector.extract %reduce_sum3A_273[15] : f32 from vector<16xf32>
    %add3A_275 = arith.addf %reduce_sum3A_262, %reduce_sum3A_274 : f32
    %reduce_sum3A_276 = arith.constant true
    %reduce_sum3A_277 = vector.broadcast %reduce_sum3A_276 : i1 to vector<16xi1>
    %reduce_sum3A_278 = tpu.scan <sum>, %parallel_loop3A_233#1 masked %reduce_sum3A_277 : vector<16xf32>, vector<16xi1> -> vector<16xf32>
    %reduce_sum3A_279 = vector.extract %reduce_sum3A_278[15] : f32 from vector<16xf32>
    %add3A_280 = arith.addf %add3A_184, %reduce_sum3A_279 : f32
    %add3A_281 = arith.addf %add3A_280, %add3A_275 : f32
    %parallel_loop3A_282 = arith.constant 0 : i32
    %parallel_loop3A_283 = arith.constant 128 : i32
    %parallel_loop3A_284 = arith.constant 1 : i32
    scf.for %parallel_loop3A_387 = %parallel_loop3A_282 to %parallel_loop3A_283 step %parallel_loop3A_284  : i32 {
      %parallel_loop3A_388 = arith.constant 0 : i32
      %parallel_loop3A_389 = vector.broadcast %parallel_loop3A_388 : i32 to vector<16xi32>
      %parallel_loop3A_390 = arith.constant 16 : i32
      %parallel_loop3A_391 = arith.muli %parallel_loop3A_387, %parallel_loop3A_390 : i32
      %parallel_loop3A_392 = arith.index_cast %parallel_loop3A_391 : i32 to index
      %parallel_loop3A_393 = tpu.vector_load %arg7[%parallel_loop3A_392] {strides = array<i32>} : memref<2048xi32, #tpu.memory_space<vmem>>, vector<16xi32>,
      tpu.vector_store %arg7[%parallel_loop3A_392], %parallel_loop3A_389 {strides = array<i32>} : memref<2048xi32, #tpu.memory_space<vmem>>, vector<16xi32>,
    } {sc.loop_unroll_factor = 8 : i64, sc.parallel_access}
    %parallel_loop3A_285 = arith.constant 0 : i32
    %parallel_loop3A_286 = arith.constant 512 : i32
    %parallel_loop3A_287 = arith.constant 1 : i32
    scf.for %parallel_loop3A_387 = %parallel_loop3A_285 to %parallel_loop3A_286 step %parallel_loop3A_287  : i32 {
      %parallel_loop3A_388 = arith.constant 16 : i32
      %parallel_loop3A_389 = arith.muli %parallel_loop3A_387, %parallel_loop3A_388 : i32
      %parallel_loop3A_390 = arith.constant 3 : i32
      %parallel_loop3A_391 = arith.index_cast %parallel_loop3A_390 : i32 to index
      %parallel_loop3A_392 = arith.index_cast %parallel_loop3A_389 : i32 to index
      %parallel_loop3A_393 = tpu.vector_load %arg5[%parallel_loop3A_391, %parallel_loop3A_392] {strides = array<i32>} : memref<4x8192xf32, #tpu.memory_space<vmem>>, vector<16xf32>,
      %parallel_loop3A_394 = vector.bitcast %parallel_loop3A_393 : vector<16xf32> to vector<16xi32>
      %parallel_loop3A_395 = arith.constant 31 : i32
      %parallel_loop3A_396 = vector.broadcast %parallel_loop3A_395 : i32 to vector<16xi32>
      %parallel_loop3A_397 = arith.shrsi %parallel_loop3A_394, %parallel_loop3A_396 : vector<16xi32>
      %parallel_loop3A_398 = arith.constant -2147483648 : i32
      %parallel_loop3A_399 = vector.broadcast %parallel_loop3A_398 : i32 to vector<16xi32>
      %parallel_loop3A_400 = arith.ori %parallel_loop3A_397, %parallel_loop3A_399 : vector<16xi32>
      %parallel_loop3A_401 = arith.xori %parallel_loop3A_394, %parallel_loop3A_400 : vector<16xi32>
      %parallel_loop3A_402 = arith.constant 21 : i32
      %parallel_loop3A_403 = vector.broadcast %parallel_loop3A_402 : i32 to vector<16xi32>
      %parallel_loop3A_404 = arith.shrui %parallel_loop3A_401, %parallel_loop3A_403 : vector<16xi32>
      tpu.vector_store_idx %arg7[%parallel_loop3A_404], %broadcast_in_dim3A_3 {add = true} : memref<2048xi32, #tpu.memory_space<vmem>>[vector<16xi32>], vector<16xi32>,
    } {sc.loop_unroll_factor = 8 : i64, sc.parallel_access}
    %while3A_288 = arith.constant 127 : i32
    %while3A_289 = arith.constant 0 : i32
    %while3A_290 = arith.constant 0 : i32
    %while3A_291 = arith.constant 0 : i32
    %while3A_292 = arith.constant false
    %while3A_293:5 = scf.while (%while3A_387 = %while3A_288, %while3A_388 = %while3A_289, %while3A_389 = %while3A_290, %while3A_390 = %while3A_291, %while3A_391 = %while3A_292) : (i32, i32, i32, i32, i1) -> (i32, i32, i32, i32, i1) {
      %not3A_392 = arith.constant true
      %not3A_393 = arith.xori %while3A_391, %not3A_392 : i1
      scf.condition(%not3A_393) %while3A_387, %while3A_388, %while3A_389, %while3A_390, %while3A_391 : i32, i32, i32, i32, i1
    } do {
    ^bb0(%while3A_387: i32, %while3A_388: i32, %while3A_389: i32, %while3A_390: i32, %while3A_391: i1):
      %mul3A_392 = arith.constant 16 : i32
      %mul3A_393 = arith.muli %while3A_387, %mul3A_392 : i32
      %get3A_394 = arith.index_cast %mul3A_393 : i32 to index
      %get3A_395 = tpu.vector_load %arg7[%get3A_394] {strides = array<i32>} : memref<2048xi32, #tpu.memory_space<vmem>>, vector<16xi32>,
      %broadcast_in_dim3A_396 = arith.constant true
      %broadcast_in_dim3A_397 = vector.broadcast %broadcast_in_dim3A_396 : i1 to vector<16xi1>
      %masked_cumsum3A = tpu.scan <sum>, %get3A_395 masked %broadcast_in_dim3A_397 : vector<16xi32>, vector<16xi1> -> vector<16xi32>
      %reduce_max3A = arith.constant true
      %reduce_max3A_398 = vector.broadcast %reduce_max3A : i1 to vector<16xi1>
      %reduce_max3A_399 = arith.constant -2147483648 : i32
      %reduce_max3A_400 = vector.broadcast %reduce_max3A_399 : i32 to vector<16xi32>
      %reduce_max3A_401 = arith.xori %masked_cumsum3A, %reduce_max3A_400 : vector<16xi32>
      %reduce_max3A_402 = tpu.scan <max>, %reduce_max3A_401 masked %reduce_max3A_398 : vector<16xi32>, vector<16xi1> -> vector<16xi32>
      %reduce_max3A_403 = arith.xori %reduce_max3A_402, %reduce_max3A_400 : vector<16xi32>
      %reduce_max3A_404 = vector.extract %reduce_max3A_403[15] : i32 from vector<16xi32>
      %add3A_405 = arith.addi %while3A_388, %reduce_max3A_404 : i32
      %sub3A_406 = vector.broadcast %add3A_405 : i32 to vector<16xi32>
      %sub3A_407 = arith.subi %sub3A_406, %masked_cumsum3A : vector<16xi32>
      %add3A_408 = arith.addi %sub3A_407, %get3A_395 : vector<16xi32>
      %ge3A = arith.constant 32 : i32
      %ge3A_409 = vector.broadcast %ge3A : i32 to vector<16xi32>
      %ge3A_410 = arith.cmpi sge, %add3A_408, %ge3A_409 : vector<16xi32>
      %all_reduce_population_count3A = tpu.all_reduce %ge3A_410 {dim = 0 : i64, kind = #tpu.reduction_kind<sum>} : vector<16xi1> -> vector<16xi32>
      %slice3A = vector.extract_strided_slice %all_reduce_population_count3A {offsets = [0], sizes = [1], strides = [1]} : vector<16xi32> to vector<1xi32>
      %squeeze3A = vector.extract %slice3A[0] : i32 from vector<1xi32>
      %gt3A = arith.constant 0 : i32
      %gt3A_411 = arith.cmpi sgt, %squeeze3A, %gt3A : i32
      %sub3A_412 = arith.constant 1 : i32
      %sub3A_413 = arith.subi %squeeze3A, %sub3A_412 : i32
      %eq3A_414 = vector.broadcast %sub3A_413 : i32 to vector<16xi32>
      %eq3A_415 = arith.cmpi eq, %iota3A, %eq3A_414 : vector<16xi32>
      %jit3A_416 = arith.constant 0 : i32
      %broadcast_in_dim3A_417 = vector.broadcast %jit3A_416 : i32 to vector<16xi32>
      %select_n3A_418 = arith.select %eq3A_415, %add3A_408, %broadcast_in_dim3A_417 : vector<16xi1>, vector<16xi32>
      %reduce_max3A_419 = arith.constant true
      %reduce_max3A_420 = vector.broadcast %reduce_max3A_419 : i1 to vector<16xi1>
      %reduce_max3A_421 = arith.constant -2147483648 : i32
      %reduce_max3A_422 = vector.broadcast %reduce_max3A_421 : i32 to vector<16xi32>
      %reduce_max3A_423 = arith.xori %select_n3A_418, %reduce_max3A_422 : vector<16xi32>
      %reduce_max3A_424 = tpu.scan <max>, %reduce_max3A_423 masked %reduce_max3A_420 : vector<16xi32>, vector<16xi1> -> vector<16xi32>
      %reduce_max3A_425 = arith.xori %reduce_max3A_424, %reduce_max3A_422 : vector<16xi32>
      %reduce_max3A_426 = vector.extract %reduce_max3A_425[15] : i32 from vector<16xi32>
      %eq3A_427 = vector.broadcast %sub3A_413 : i32 to vector<16xi32>
      %eq3A_428 = arith.cmpi eq, %iota3A, %eq3A_427 : vector<16xi32>
      %jit3A_429 = arith.constant 0 : i32
      %broadcast_in_dim3A_430 = vector.broadcast %jit3A_429 : i32 to vector<16xi32>
      %select_n3A_431 = arith.select %eq3A_428, %get3A_395, %broadcast_in_dim3A_430 : vector<16xi1>, vector<16xi32>
      %reduce_max3A_432 = arith.constant true
      %reduce_max3A_433 = vector.broadcast %reduce_max3A_432 : i1 to vector<16xi1>
      %reduce_max3A_434 = arith.constant -2147483648 : i32
      %reduce_max3A_435 = vector.broadcast %reduce_max3A_434 : i32 to vector<16xi32>
      %reduce_max3A_436 = arith.xori %select_n3A_431, %reduce_max3A_435 : vector<16xi32>
      %reduce_max3A_437 = tpu.scan <max>, %reduce_max3A_436 masked %reduce_max3A_433 : vector<16xi32>, vector<16xi1> -> vector<16xi32>
      %reduce_max3A_438 = arith.xori %reduce_max3A_437, %reduce_max3A_435 : vector<16xi32>
      %reduce_max3A_439 = vector.extract %reduce_max3A_438[15] : i32 from vector<16xi32>
      %sub3A_440 = arith.constant 1 : i32
      %sub3A_441 = arith.subi %while3A_387, %sub3A_440 : i32
      %add3A_442 = arith.addi %while3A_388, %reduce_max3A_404 : i32
      %mul3A_443 = arith.constant 16 : i32
      %mul3A_444 = arith.muli %while3A_387, %mul3A_443 : i32
      %add3A_445 = arith.addi %mul3A_444, %sub3A_413 : i32
      %select_n3A_446 = arith.select %gt3A_411, %add3A_445, %while3A_389 : i32
      %sub3A_447 = arith.subi %reduce_max3A_426, %reduce_max3A_439 : i32
      %select_n3A_448 = arith.select %gt3A_411, %sub3A_447, %while3A_390 : i32
      scf.yield %sub3A_441, %add3A_442, %select_n3A_446, %select_n3A_448, %gt3A_411 : i32, i32, i32, i32, i1
    }
    %shift_left3A_294 = arith.constant 21 : i32
    %shift_left3A_295 = arith.shli %while3A_293#2, %shift_left3A_294 : i32
    %broadcast_in_dim3A_296 = vector.broadcast %shift_left3A_295 : i32 to vector<16xi32>
    %add3A_297 = arith.constant 1 : i32
    %add3A_298 = arith.addi %while3A_293#2, %add3A_297 : i32
    %shift_left3A_299 = arith.constant 21 : i32
    %shift_left3A_300 = arith.shli %add3A_298, %shift_left3A_299 : i32
    %broadcast_in_dim3A_301 = vector.broadcast %shift_left3A_300 : i32 to vector<16xi32>
    %lt3A_302 = arith.constant 0 : i32
    %lt3A_303 = vector.broadcast %lt3A_302 : i32 to vector<16xi32>
    %lt3A_304 = arith.cmpi slt, %broadcast_in_dim3A_296, %lt3A_303 : vector<16xi32>
    %xor3A_305 = arith.constant -2147483648 : i32
    %xor3A_306 = vector.broadcast %xor3A_305 : i32 to vector<16xi32>
    %xor3A_307 = arith.xori %broadcast_in_dim3A_296, %xor3A_306 : vector<16xi32>
    %not3A_308 = arith.constant dense<-1> : vector<16xi32>
    %not3A_309 = arith.xori %broadcast_in_dim3A_296, %not3A_308 : vector<16xi32>
    %select_n3A_310 = arith.select %lt3A_304, %xor3A_307, %not3A_309 : vector<16xi1>, vector<16xi32>
    %bitcast3A_311 = vector.bitcast %select_n3A_310 : vector<16xi32> to vector<16xf32>
    %lt3A_312 = arith.constant 0 : i32
    %lt3A_313 = vector.broadcast %lt3A_312 : i32 to vector<16xi32>
    %lt3A_314 = arith.cmpi slt, %broadcast_in_dim3A_301, %lt3A_313 : vector<16xi32>
    %xor3A_315 = arith.constant -2147483648 : i32
    %xor3A_316 = vector.broadcast %xor3A_315 : i32 to vector<16xi32>
    %xor3A_317 = arith.xori %broadcast_in_dim3A_301, %xor3A_316 : vector<16xi32>
    %not3A_318 = arith.constant dense<-1> : vector<16xi32>
    %not3A_319 = arith.xori %broadcast_in_dim3A_301, %not3A_318 : vector<16xi32>
    %select_n3A_320 = arith.select %lt3A_314, %xor3A_317, %not3A_319 : vector<16xi1>, vector<16xi32>
    %bitcast3A_321 = vector.bitcast %select_n3A_320 : vector<16xi32> to vector<16xf32>
    %broadcast_in_dim3A_322 = arith.constant 0xFF800000 : f32
    %broadcast_in_dim3A_323 = vector.broadcast %broadcast_in_dim3A_322 : f32 to vector<16xf32>
    %broadcast_in_dim3A_324 = arith.constant 0.000000e+00 : f32
    %broadcast_in_dim3A_325 = vector.broadcast %broadcast_in_dim3A_324 : f32 to vector<16xf32>
    %parallel_loop3A_326 = arith.constant 0 : i32
    %parallel_loop3A_327 = arith.constant 512 : i32
    %parallel_loop3A_328 = arith.constant 1 : i32
    %parallel_loop3A_329 = arith.constant 0 : i32
    %parallel_loop3A_330:2 = scf.for %parallel_loop3A_387 = %parallel_loop3A_326 to %parallel_loop3A_327 step %parallel_loop3A_328 iter_args(%parallel_loop3A_388 = %parallel_loop3A_329, %parallel_loop3A_389 = %broadcast_in_dim3A_325) -> (i32, vector<16xf32>)  : i32 {
      %parallel_loop3A_390 = arith.constant 16 : i32
      %parallel_loop3A_391 = arith.muli %parallel_loop3A_387, %parallel_loop3A_390 : i32
      %parallel_loop3A_392 = arith.constant 3 : i32
      %parallel_loop3A_393 = arith.index_cast %parallel_loop3A_392 : i32 to index
      %parallel_loop3A_394 = arith.index_cast %parallel_loop3A_391 : i32 to index
      %parallel_loop3A_395 = tpu.vector_load %arg5[%parallel_loop3A_393, %parallel_loop3A_394] {strides = array<i32>} : memref<4x8192xf32, #tpu.memory_space<vmem>>, vector<16xf32>,
      %parallel_loop3A_396 = arith.constant 16 : i32
      %parallel_loop3A_397 = arith.muli %parallel_loop3A_387, %parallel_loop3A_396 : i32
      %parallel_loop3A_398 = arith.constant 3 : i32
      %parallel_loop3A_399 = arith.index_cast %parallel_loop3A_398 : i32 to index
      %parallel_loop3A_400 = arith.index_cast %parallel_loop3A_397 : i32 to index
      %parallel_loop3A_401 = tpu.vector_load %arg6[%parallel_loop3A_399, %parallel_loop3A_400] {strides = array<i32>} : memref<4x8192xf32, #tpu.memory_space<vmem>>, vector<16xf32>,
      %parallel_loop3A_402 = arith.cmpf oge, %parallel_loop3A_395, %bitcast3A_311 : vector<16xf32>
      %parallel_loop3A_403 = arith.cmpf oge, %parallel_loop3A_395, %bitcast3A_321 : vector<16xf32>
      %parallel_loop3A_404 = arith.constant dense<true> : vector<16xi1>
      %parallel_loop3A_405 = arith.xori %parallel_loop3A_403, %parallel_loop3A_404 : vector<16xi1>
      %parallel_loop3A_406 = arith.andi %parallel_loop3A_402, %parallel_loop3A_405 : vector<16xi1>
      %parallel_loop3A_407 = arith.subf %parallel_loop3A_401, %parallel_loop3A_395 : vector<16xf32>
      %parallel_loop3A_408 = arith.mulf %parallel_loop3A_407, %parallel_loop3A_407 : vector<16xf32>
      %parallel_loop3A_409 = arith.constant 0.000000e+00 : f32
      %parallel_loop3A_410 = vector.broadcast %parallel_loop3A_409 : f32 to vector<16xf32>
      %parallel_loop3A_411 = arith.select %parallel_loop3A_403, %parallel_loop3A_408, %parallel_loop3A_410 : vector<16xi1>, vector<16xf32>
      %parallel_loop3A_412 = arith.addf %parallel_loop3A_389, %parallel_loop3A_411 : vector<16xf32>
      %parallel_loop3A_413 = arith.index_cast %parallel_loop3A_388 : i32 to index
      %parallel_loop3A_414 = tpu.vector_load %arg8[%parallel_loop3A_413] masked %parallel_loop3A_406 {strides = array<i32>} : memref<8224xf32, #tpu.memory_space<vmem>>, vector<16xf32>, vector<16xi1>
      tpu.vector_store %arg8[%parallel_loop3A_413], %parallel_loop3A_395 masked %parallel_loop3A_406 {strides = array<i32>} : memref<8224xf32, #tpu.memory_space<vmem>>, vector<16xf32>, vector<16xi1>
      %parallel_loop3A_415 = arith.index_cast %parallel_loop3A_388 : i32 to index
      %parallel_loop3A_416 = tpu.vector_load %arg9[%parallel_loop3A_415] masked %parallel_loop3A_406 {strides = array<i32>} : memref<8224xf32, #tpu.memory_space<vmem>>, vector<16xf32>, vector<16xi1>
      tpu.vector_store %arg9[%parallel_loop3A_415], %parallel_loop3A_408 masked %parallel_loop3A_406 {strides = array<i32>} : memref<8224xf32, #tpu.memory_space<vmem>>, vector<16xf32>, vector<16xi1>
      %parallel_loop3A_417 = tpu.all_reduce %parallel_loop3A_406 {dim = 0 : i64, kind = #tpu.reduction_kind<sum>} : vector<16xi1> -> vector<16xi32>
      %parallel_loop3A_418 = vector.extract_strided_slice %parallel_loop3A_417 {offsets = [0], sizes = [1], strides = [1]} : vector<16xi32> to vector<1xi32>
      %parallel_loop3A_419 = vector.extract %parallel_loop3A_418[0] : i32 from vector<1xi32>
      %parallel_loop3A_420 = arith.addi %parallel_loop3A_388, %parallel_loop3A_419 : i32
      scf.yield %parallel_loop3A_420, %parallel_loop3A_412 : i32, vector<16xf32>
    } {sc.loop_unroll_factor = 8 : i64, sc.parallel_access}
    %swap3A_331 = arith.index_cast %parallel_loop3A_330#0 : i32 to index
    %swap3A_332 = tpu.vector_load %arg8[%swap3A_331] {strides = array<i32>} : memref<8224xf32, #tpu.memory_space<vmem>>, vector<16xf32>,
    tpu.vector_store %arg8[%swap3A_331], %broadcast_in_dim3A_323 {strides = array<i32>} : memref<8224xf32, #tpu.memory_space<vmem>>, vector<16xf32>,
    %broadcast_in_dim3A_333 = arith.constant 0.000000e+00 : f32
    %broadcast_in_dim3A_334 = vector.broadcast %broadcast_in_dim3A_333 : f32 to vector<16xf32>
    %swap3A_335 = arith.index_cast %parallel_loop3A_330#0 : i32 to index
    %swap3A_336 = tpu.vector_load %arg9[%swap3A_335] {strides = array<i32>} : memref<8224xf32, #tpu.memory_space<vmem>>, vector<16xf32>,
    tpu.vector_store %arg9[%swap3A_335], %broadcast_in_dim3A_334 {strides = array<i32>} : memref<8224xf32, #tpu.memory_space<vmem>>, vector<16xf32>,
    %get3A_337 = arith.constant 0 : index
    %get3A_338 = tpu.vector_load %arg8[%get3A_337] {strides = array<i32>} : memref<8224xf32, #tpu.memory_space<vmem>>, vector<16xf32>,
    %get3A_339 = arith.constant 0 : index
    %get3A_340 = tpu.vector_load %arg9[%get3A_339] {strides = array<i32>} : memref<8224xf32, #tpu.memory_space<vmem>>, vector<16xf32>,
    %masked_sort3A_341 = arith.constant dense<true> : vector<16xi1>
    %masked_sort3A_342, %masked_sort3A_343, %masked_sort3A_344 = tpu.sort %get3A_338, %get3A_340 masked %masked_sort3A_341 {descending = true} : (vector<16xf32>, vector<16xf32>, vector<16xi1>) -> (vector<16xi1>, vector<16xf32>, vector<16xf32>)
    %broadcast_in_dim3A_345 = arith.constant 0.000000e+00 : f32
    %broadcast_in_dim3A_346 = vector.broadcast %broadcast_in_dim3A_345 : f32 to vector<16xf32>
    %while3A_347 = arith.constant 1 : i32
    %while3A_348:5 = scf.while (%while3A_387 = %while3A_347, %while3A_388 = %masked_sort3A_343, %while3A_389 = %masked_sort3A_344, %while3A_390 = %broadcast_in_dim3A_323, %while3A_391 = %broadcast_in_dim3A_346) : (i32, vector<16xf32>, vector<16xf32>, vector<16xf32>, vector<16xf32>) -> (i32, vector<16xf32>, vector<16xf32>, vector<16xf32>, vector<16xf32>) {
      %mul3A_392 = arith.constant 16 : i32
      %mul3A_393 = arith.muli %while3A_387, %mul3A_392 : i32
      %lt3A_394 = arith.cmpi slt, %mul3A_393, %parallel_loop3A_330#0 : i32
      scf.condition(%lt3A_394) %while3A_387, %while3A_388, %while3A_389, %while3A_390, %while3A_391 : i32, vector<16xf32>, vector<16xf32>, vector<16xf32>, vector<16xf32>
    } do {
    ^bb0(%while3A_387: i32, %while3A_388: vector<16xf32>, %while3A_389: vector<16xf32>, %while3A_390: vector<16xf32>, %while3A_391: vector<16xf32>):
      %mul3A_392 = arith.constant 16 : i32
      %mul3A_393 = arith.muli %while3A_387, %mul3A_392 : i32
      %get3A_394 = arith.index_cast %mul3A_393 : i32 to index
      %get3A_395 = tpu.vector_load %arg8[%get3A_394] {strides = array<i32>} : memref<8224xf32, #tpu.memory_space<vmem>>, vector<16xf32>,
      %mul3A_396 = arith.constant 16 : i32
      %mul3A_397 = arith.muli %while3A_387, %mul3A_396 : i32
      %get3A_398 = arith.index_cast %mul3A_397 : i32 to index
      %get3A_399 = tpu.vector_load %arg9[%get3A_398] {strides = array<i32>} : memref<8224xf32, #tpu.memory_space<vmem>>, vector<16xf32>,
      %masked_sort3A_400 = arith.constant dense<true> : vector<16xi1>
      %masked_sort3A_401, %masked_sort3A_402, %masked_sort3A_403 = tpu.sort %get3A_395, %get3A_399 masked %masked_sort3A_400 : (vector<16xf32>, vector<16xf32>, vector<16xi1>) -> (vector<16xi1>, vector<16xf32>, vector<16xf32>)
      %ge3A = arith.cmpf oge, %while3A_388, %masked_sort3A_402 : vector<16xf32>
      %select_n3A_404 = arith.select %ge3A, %while3A_388, %masked_sort3A_402 : vector<16xi1>, vector<16xf32>
      %select_n3A_405 = arith.select %ge3A, %while3A_389, %masked_sort3A_403 : vector<16xi1>, vector<16xf32>
      %select_n3A_406 = arith.select %ge3A, %masked_sort3A_402, %while3A_388 : vector<16xi1>, vector<16xf32>
      %select_n3A_407 = arith.select %ge3A, %masked_sort3A_403, %while3A_389 : vector<16xi1>, vector<16xf32>
      %masked_sort3A_408 = arith.constant dense<true> : vector<16xi1>
      %masked_sort3A_409, %masked_sort3A_410, %masked_sort3A_411 = tpu.sort %select_n3A_404, %select_n3A_405 masked %masked_sort3A_408 {descending = true} : (vector<16xf32>, vector<16xf32>, vector<16xi1>) -> (vector<16xi1>, vector<16xf32>, vector<16xf32>)
      %masked_sort3A_412 = arith.constant dense<true> : vector<16xi1>
      %masked_sort3A_413, %masked_sort3A_414, %masked_sort3A_415 = tpu.sort %select_n3A_406, %select_n3A_407 masked %masked_sort3A_412 : (vector<16xf32>, vector<16xf32>, vector<16xi1>) -> (vector<16xi1>, vector<16xf32>, vector<16xf32>)
      %ge3A_416 = arith.cmpf oge, %while3A_390, %masked_sort3A_414 : vector<16xf32>
      %select_n3A_417 = arith.select %ge3A_416, %while3A_390, %masked_sort3A_414 : vector<16xi1>, vector<16xf32>
      %select_n3A_418 = arith.select %ge3A_416, %while3A_391, %masked_sort3A_415 : vector<16xi1>, vector<16xf32>
      %masked_sort3A_419 = arith.constant dense<true> : vector<16xi1>
      %masked_sort3A_420, %masked_sort3A_421, %masked_sort3A_422 = tpu.sort %select_n3A_417, %select_n3A_418 masked %masked_sort3A_419 {descending = true} : (vector<16xf32>, vector<16xf32>, vector<16xi1>) -> (vector<16xi1>, vector<16xf32>, vector<16xf32>)
      %add3A_423 = arith.constant 1 : i32
      %add3A_424 = arith.addi %while3A_387, %add3A_423 : i32
      scf.yield %add3A_424, %masked_sort3A_410, %masked_sort3A_411, %masked_sort3A_421, %masked_sort3A_422 : i32, vector<16xf32>, vector<16xf32>, vector<16xf32>, vector<16xf32>
    }
    %sub3A_349 = arith.constant 32 : i32
    %sub3A_350 = arith.subi %sub3A_349, %while3A_293#3 : i32
    %lt3A_351 = vector.broadcast %sub3A_350 : i32 to vector<16xi32>
    %lt3A_352 = arith.cmpi slt, %iota3A, %lt3A_351 : vector<16xi32>
    %jit3A_353 = arith.constant 0.000000e+00 : f32
    %broadcast_in_dim3A_354 = vector.broadcast %jit3A_353 : f32 to vector<16xf32>
    %select_n3A_355 = arith.select %lt3A_352, %while3A_348#2, %broadcast_in_dim3A_354 : vector<16xi1>, vector<16xf32>
    %reduce_sum3A_356 = arith.constant true
    %reduce_sum3A_357 = vector.broadcast %reduce_sum3A_356 : i1 to vector<16xi1>
    %reduce_sum3A_358 = tpu.scan <sum>, %select_n3A_355 masked %reduce_sum3A_357 : vector<16xf32>, vector<16xi1> -> vector<16xf32>
    %reduce_sum3A_359 = vector.extract %reduce_sum3A_358[15] : f32 from vector<16xf32>
    %add3A_360 = arith.constant 16 : i32
    %add3A_361 = vector.broadcast %add3A_360 : i32 to vector<16xi32>
    %add3A_362 = arith.addi %iota3A, %add3A_361 : vector<16xi32>
    %lt3A_363 = vector.broadcast %sub3A_350 : i32 to vector<16xi32>
    %lt3A_364 = arith.cmpi slt, %add3A_362, %lt3A_363 : vector<16xi32>
    %jit3A_365 = arith.constant 0.000000e+00 : f32
    %broadcast_in_dim3A_366 = vector.broadcast %jit3A_365 : f32 to vector<16xf32>
    %select_n3A_367 = arith.select %lt3A_364, %while3A_348#4, %broadcast_in_dim3A_366 : vector<16xi1>, vector<16xf32>
    %reduce_sum3A_368 = arith.constant true
    %reduce_sum3A_369 = vector.broadcast %reduce_sum3A_368 : i1 to vector<16xi1>
    %reduce_sum3A_370 = tpu.scan <sum>, %select_n3A_367 masked %reduce_sum3A_369 : vector<16xf32>, vector<16xi1> -> vector<16xf32>
    %reduce_sum3A_371 = vector.extract %reduce_sum3A_370[15] : f32 from vector<16xf32>
    %add3A_372 = arith.addf %reduce_sum3A_359, %reduce_sum3A_371 : f32
    %reduce_sum3A_373 = arith.constant true
    %reduce_sum3A_374 = vector.broadcast %reduce_sum3A_373 : i1 to vector<16xi1>
    %reduce_sum3A_375 = tpu.scan <sum>, %parallel_loop3A_330#1 masked %reduce_sum3A_374 : vector<16xf32>, vector<16xi1> -> vector<16xf32>
    %reduce_sum3A_376 = vector.extract %reduce_sum3A_375[15] : f32 from vector<16xf32>
    %add3A_377 = arith.addf %add3A_281, %reduce_sum3A_376 : f32
    %add3A_378 = arith.addf %add3A_377, %add3A_372 : f32
    %eq3A = arith.constant 0 : i32
    %eq3A_379 = vector.broadcast %eq3A : i32 to vector<16xi32>
    %eq3A_380 = arith.cmpi eq, %iota3A, %eq3A_379 : vector<16xi32>
    %jit3A_381 = arith.constant 0.000000e+00 : f32
    %broadcast_in_dim3A_382 = vector.broadcast %add3A_378 : f32 to vector<16xf32>
    %broadcast_in_dim3A_383 = vector.broadcast %jit3A_381 : f32 to vector<16xf32>
    %select_n3A_384 = arith.select %eq3A_380, %broadcast_in_dim3A_382, %broadcast_in_dim3A_383 : vector<16xi1>, vector<16xf32>
    %swap3A_385 = arith.constant 0 : index
    %swap3A_386 = tpu.vector_load %arg10[%swap3A_385] {strides = array<i32>} : memref<16xf32, #tpu.memory_space<vmem>>, vector<16xf32>,
    tpu.vector_store %arg10[%swap3A_385], %select_n3A_384 {strides = array<i32>} : memref<16xf32, #tpu.memory_space<vmem>>, vector<16xf32>,
    "tpu.region"() ({
      %run_scoped3A = tpu.sem_alloc : memref<!tpu.dma_semaphore, #tpu.memory_space<semaphore_mem>>
      %dma_start3A = arith.constant 0 : i32
      %dma_start3A_387 = tpu.memref_slice %arg4[%add3A, %dma_start3A] : memref<32x16xf32, #tpu.memory_space<hbm>> -> memref<1x16xf32, #tpu.memory_space<hbm>>
      %dma_start3A_388 = tpu.memref_squeeze %dma_start3A_387 : memref<1x16xf32, #tpu.memory_space<hbm>> -> memref<16xf32, #tpu.memory_space<hbm>>
      %dma_start3A_389 = arith.constant 0 : i32
      %dma_start3A_390 = tpu.memref_slice %arg4[%add3A, %dma_start3A_389] : memref<32x16xf32, #tpu.memory_space<hbm>> -> memref<1x16xf32, #tpu.memory_space<hbm>>
      %dma_start3A_391 = tpu.memref_squeeze %dma_start3A_390 : memref<1x16xf32, #tpu.memory_space<hbm>> -> memref<16xf32, #tpu.memory_space<hbm>>
      tpu.enqueue_dma source(%arg10 : memref<16xf32, #tpu.memory_space<vmem>>) target(%dma_start3A_391 : memref<16xf32, #tpu.memory_space<hbm>>) target_semaphore(%run_scoped3A : memref<!tpu.dma_semaphore, #tpu.memory_space<semaphore_mem>>)
      %dma_wait3A = arith.constant 0 : i32
      %dma_wait3A_392 = tpu.memref_slice %arg4[%add3A, %dma_wait3A] : memref<32x16xf32, #tpu.memory_space<hbm>> -> memref<1x16xf32, #tpu.memory_space<hbm>>
      %dma_wait3A_393 = tpu.memref_squeeze %dma_wait3A_392 : memref<1x16xf32, #tpu.memory_space<hbm>> -> memref<16xf32, #tpu.memory_space<hbm>>
      %dma_wait3A_394 = arith.constant 0 : i32
      %dma_wait3A_395 = tpu.memref_slice %arg4[%add3A, %dma_wait3A_394] : memref<32x16xf32, #tpu.memory_space<hbm>> -> memref<1x16xf32, #tpu.memory_space<hbm>>
      %dma_wait3A_396 = tpu.memref_squeeze %dma_wait3A_395 : memref<1x16xf32, #tpu.memory_space<hbm>> -> memref<16xf32, #tpu.memory_space<hbm>>
      tpu.wait_dma2 semaphore(%run_scoped3A : memref<!tpu.dma_semaphore, #tpu.memory_space<semaphore_mem>>) src(%arg10 : memref<16xf32, #tpu.memory_space<vmem>>) dst(%dma_wait3A_396 : memref<16xf32, #tpu.memory_space<hbm>>)
      tpu.yield
    }) : () -> ()
    return
  }
}

module attributes {stable_mosaic.version = 14 : i64} {
  func.func @_combine_body(%arg0: memref<32x16xf32, #tpu.memory_space<vmem>>, %arg1: memref<1x4xf32, #tpu.memory_space<vmem>>, %arg2: memref<1x1xf32, #tpu.memory_space<vmem>>) attributes {dimension_semantics = [], scalar_prefetch = 0 : i64, scratch_operands = 0 : i64, tpu.core_type = #tpu.core_type<tc>} {
    %get3A = arith.constant 0 : index
    %get3A_0 = arith.constant 0 : index
    %get3A_1 = vector.load %arg0[%get3A, %get3A_0] : memref<32x16xf32, #tpu.memory_space<vmem>>, vector<32x16xf32>
    %slice3A = vector.extract_strided_slice %get3A_1 {offsets = [0, 0], sizes = [32, 1], strides = [1, 1]} : vector<32x16xf32> to vector<32x1xf32>
    %reduce_sum3A = vector.shape_cast %slice3A : vector<32x1xf32> to vector<1x32x1xf32>
    %reduce_sum3A_2 = arith.constant dense<0.000000e+00> : vector<1xf32>
    %reduce_sum3A_3 = vector.multi_reduction <add>, %reduce_sum3A, %reduce_sum3A_2 [1, 2] : vector<1x32x1xf32> to vector<1xf32>
    %reduce_sum3A_4 = vector.shape_cast %reduce_sum3A_3 : vector<1xf32> to vector<1x1x1xf32>
    %reduce_sum3A_5 = vector.extract %reduce_sum3A_4[0, 0, 0] : f32 from vector<1x1x1xf32>
    %get3A_6 = arith.constant 0 : index
    %get3A_7 = arith.constant 0 : index
    %get3A_8 = vector.load %arg1[%get3A_6, %get3A_7] : memref<1x4xf32, #tpu.memory_space<vmem>>, vector<1x4xf32>
    %slice3A_9 = vector.extract_strided_slice %get3A_8 {offsets = [0, 0], sizes = [1, 1], strides = [1, 1]} : vector<1x4xf32> to vector<1x1xf32>
    %squeeze3A = vector.extract %slice3A_9[0, 0] : f32 from vector<1x1xf32>
    %slice3A_10 = vector.extract_strided_slice %get3A_8 {offsets = [0, 1], sizes = [1, 1], strides = [1, 1]} : vector<1x4xf32> to vector<1x1xf32>
    %squeeze3A_11 = vector.extract %slice3A_10[0, 0] : f32 from vector<1x1xf32>
    %div3A = arith.constant 4.096000e+03 : f32
    %div3A_12 = arith.divf %reduce_sum3A_5, %div3A : f32
    %mul3A = arith.constant 5.000000e-01 : f32
    %mul3A_13 = arith.mulf %mul3A, %squeeze3A : f32
    %div3A_14 = arith.constant 1.280000e+02 : f32
    %div3A_15 = arith.divf %mul3A_13, %div3A_14 : f32
    %add3A = arith.addf %div3A_12, %div3A_15 : f32
    %mul3A_16 = arith.constant 5.000000e-03 : f32
    %mul3A_17 = arith.mulf %mul3A_16, %squeeze3A_11 : f32
    %add3A_18 = arith.addf %add3A, %mul3A_17 : f32
    %reshape3A = vector.broadcast %add3A_18 : f32 to vector<1x1xf32>
    %swap3A = arith.constant 0 : index
    %swap3A_19 = arith.constant 0 : index
    %swap3A_20 = vector.load %arg2[%swap3A, %swap3A_19] : memref<1x1xf32, #tpu.memory_space<vmem>>, vector<1x1xf32>
    tpu.vector_store %arg2[%swap3A, %swap3A_19], %reshape3A {strides = array<i32>} : memref<1x1xf32, #tpu.memory_space<vmem>>, vector<1x1xf32>,
    return
  }
}

module attributes {stable_mosaic.version = 14 : i64} {
  func.func @_stats_body(%arg0: i32, %arg1: memref<32x8192xf32, #tpu.memory_space<vmem>>, %arg2: memref<32x1xf32, #tpu.memory_space<vmem>>, %arg3: memref<32x8192xf32, #tpu.memory_space<vmem>>, %arg4: memref<1x4xf32, #tpu.memory_space<vmem>>, %arg5: memref<2xf32, #tpu.memory_space<smem>>) attributes {dimension_semantics = [#tpu.dimension_semantics<arbitrary>], iteration_bounds = array<i64: 4>, scalar_prefetch = 0 : i64, scratch_operands = 1 : i64, tpu.core_type = #tpu.core_type<tc>, window_params = [{transform_indices = @transform_0, window_bounds = array<i64: 32, 8192>}, {transform_indices = @transform_1, window_bounds = array<i64: 32, 1>}, {transform_indices = @transform_2, window_bounds = array<i64: 32, 8192>}, {pipeline_mode = #tpu.pipeline_mode<synchronous>, transform_indices = @transform_3, window_bounds = array<i64: 1, 4>}]} {
    %eq3A = arith.constant 0 : i32
    %eq3A_0 = arith.cmpi eq, %arg0, %eq3A : i32
    %convert_element_type3A = arith.extui %eq3A_0 : i1 to i32
    %cond3A = arith.constant 0 : i32
    %cond3A_1 = arith.cmpi ne, %convert_element_type3A, %cond3A : i32
    scf.if %cond3A_1 {
      %swap3A_67 = arith.constant 0.000000e+00 : f32
      %swap3A_68 = arith.constant 0 : index
      %swap3A_69 = memref.load %arg5[%swap3A_68] : memref<2xf32, #tpu.memory_space<smem>>
      memref.store %swap3A_67, %arg5[%swap3A_68] : memref<2xf32, #tpu.memory_space<smem>>
      %swap3A_70 = arith.constant 0.000000e+00 : f32
      %swap3A_71 = arith.constant 1 : index
      %swap3A_72 = memref.load %arg5[%swap3A_71] : memref<2xf32, #tpu.memory_space<smem>>
      memref.store %swap3A_70, %arg5[%swap3A_71] : memref<2xf32, #tpu.memory_space<smem>>
    } else {
    }
    %get3A = arith.constant 0 : index
    %get3A_2 = arith.constant 0 : index
    %get3A_3 = vector.load %arg3[%get3A, %get3A_2] : memref<32x8192xf32, #tpu.memory_space<vmem>>, vector<32x8192xf32>
    %get3A_4 = arith.constant 0 : index
    %get3A_5 = arith.constant 0 : index
    %get3A_6 = vector.load %arg1[%get3A_4, %get3A_5] : memref<32x8192xf32, #tpu.memory_space<vmem>>, vector<32x8192xf32>
    %reduce_max3A = arith.constant dense<0xFF800000> : vector<32xf32>
    %reduce_max3A_7 = vector.multi_reduction <maximumf>, %get3A_3, %reduce_max3A [1] : vector<32x8192xf32> to vector<32xf32>
    %broadcast_in_dim3A = vector.shape_cast %reduce_max3A_7 : vector<32xf32> to vector<32x1xf32>
    %reduce_max3A_8 = arith.constant dense<0xFF800000> : vector<32xf32>
    %reduce_max3A_9 = vector.multi_reduction <maximumf>, %get3A_6, %reduce_max3A_8 [1] : vector<32x8192xf32> to vector<32xf32>
    %broadcast_in_dim3A_10 = vector.shape_cast %reduce_max3A_9 : vector<32xf32> to vector<32x1xf32>
    %sub3A = vector.broadcast %broadcast_in_dim3A : vector<32x1xf32> to vector<32x8192xf32>
    %sub3A_11 = arith.subf %get3A_3, %sub3A : vector<32x8192xf32>
    %mul3A = arith.constant 1.250000e+00 : f32
    %mul3A_12 = vector.broadcast %mul3A : f32 to vector<32x8192xf32>
    %mul3A_13 = arith.mulf %sub3A_11, %mul3A_12 : vector<32x8192xf32>
    %exp3A = math.exp %mul3A_13 : vector<32x8192xf32>
    %sub3A_14 = vector.broadcast %broadcast_in_dim3A_10 : vector<32x1xf32> to vector<32x8192xf32>
    %sub3A_15 = arith.subf %get3A_6, %sub3A_14 : vector<32x8192xf32>
    %mul3A_16 = arith.constant 1.250000e+00 : f32
    %mul3A_17 = vector.broadcast %mul3A_16 : f32 to vector<32x8192xf32>
    %mul3A_18 = arith.mulf %sub3A_15, %mul3A_17 : vector<32x8192xf32>
    %exp3A_19 = math.exp %mul3A_18 : vector<32x8192xf32>
    %reduce_sum3A = arith.constant dense<0.000000e+00> : vector<32xf32>
    %reduce_sum3A_20 = vector.multi_reduction <add>, %exp3A, %reduce_sum3A [1] : vector<32x8192xf32> to vector<32xf32>
    %broadcast_in_dim3A_21 = vector.shape_cast %reduce_sum3A_20 : vector<32xf32> to vector<32x1xf32>
    %reduce_sum3A_22 = arith.constant dense<0.000000e+00> : vector<32xf32>
    %reduce_sum3A_23 = vector.multi_reduction <add>, %exp3A_19, %reduce_sum3A_22 [1] : vector<32x8192xf32> to vector<32xf32>
    %broadcast_in_dim3A_24 = vector.shape_cast %reduce_sum3A_23 : vector<32xf32> to vector<32x1xf32>
    %sub3A_25 = arith.subf %get3A_3, %get3A_6 : vector<32x8192xf32>
    %mul3A_26 = arith.mulf %exp3A, %sub3A_25 : vector<32x8192xf32>
    %reduce_sum3A_27 = arith.constant dense<0.000000e+00> : vector<32xf32>
    %reduce_sum3A_28 = vector.multi_reduction <add>, %mul3A_26, %reduce_sum3A_27 [1] : vector<32x8192xf32> to vector<32xf32>
    %broadcast_in_dim3A_29 = vector.shape_cast %reduce_sum3A_28 : vector<32xf32> to vector<32x1xf32>
    %get3A_30 = arith.constant 0 : index
    %get3A_31 = arith.constant 0 : index
    %get3A_32 = vector.load %arg2[%get3A_30, %get3A_31] : memref<32x1xf32, #tpu.memory_space<vmem>>, vector<32x1xf32>
    %sub3A_33 = arith.subf %get3A_32, %broadcast_in_dim3A : vector<32x1xf32>
    %integer_pow3A = arith.mulf %sub3A_33, %sub3A_33 : vector<32x1xf32>
    %reduce_sum3A_34 = vector.shape_cast %integer_pow3A : vector<32x1xf32> to vector<1x32x1xf32>
    %reduce_sum3A_35 = arith.constant dense<0.000000e+00> : vector<1xf32>
    %reduce_sum3A_36 = vector.multi_reduction <add>, %reduce_sum3A_34, %reduce_sum3A_35 [1, 2] : vector<1x32x1xf32> to vector<1xf32>
    %reduce_sum3A_37 = vector.shape_cast %reduce_sum3A_36 : vector<1xf32> to vector<1x1x1xf32>
    %reduce_sum3A_38 = vector.extract %reduce_sum3A_37[0, 0, 0] : f32 from vector<1x1x1xf32>
    %mul3A_39 = arith.constant 8.000000e-01 : f32
    %mul3A_40 = vector.broadcast %mul3A_39 : f32 to vector<32x1xf32>
    %mul3A_41 = arith.mulf %broadcast_in_dim3A_21, %mul3A_40 : vector<32x1xf32>
    %div3A = arith.divf %broadcast_in_dim3A_29, %mul3A_41 : vector<32x1xf32>
    %sub3A_42 = arith.subf %broadcast_in_dim3A_10, %broadcast_in_dim3A : vector<32x1xf32>
    %mul3A_43 = arith.constant 1.250000e+00 : f32
    %mul3A_44 = vector.broadcast %mul3A_43 : f32 to vector<32x1xf32>
    %mul3A_45 = arith.mulf %sub3A_42, %mul3A_44 : vector<32x1xf32>
    %add3A = arith.addf %div3A, %mul3A_45 : vector<32x1xf32>
    %div3A_46 = arith.divf %broadcast_in_dim3A_24, %broadcast_in_dim3A_21 : vector<32x1xf32>
    %log3A = math.log %div3A_46 : vector<32x1xf32>
    %add3A_47 = arith.addf %add3A, %log3A : vector<32x1xf32>
    %reduce_sum3A_48 = vector.shape_cast %add3A_47 : vector<32x1xf32> to vector<1x32x1xf32>
    %reduce_sum3A_49 = arith.constant dense<0.000000e+00> : vector<1xf32>
    %reduce_sum3A_50 = vector.multi_reduction <add>, %reduce_sum3A_48, %reduce_sum3A_49 [1, 2] : vector<1x32x1xf32> to vector<1xf32>
    %reduce_sum3A_51 = vector.shape_cast %reduce_sum3A_50 : vector<1xf32> to vector<1x1x1xf32>
    %reduce_sum3A_52 = vector.extract %reduce_sum3A_51[0, 0, 0] : f32 from vector<1x1x1xf32>
    %get3A_53 = arith.constant 0 : index
    %get3A_54 = memref.load %arg5[%get3A_53] : memref<2xf32, #tpu.memory_space<smem>>
    %add3A_55 = arith.addf %get3A_54, %reduce_sum3A_38 : f32
    %swap3A = arith.constant 0 : index
    %swap3A_56 = memref.load %arg5[%swap3A] : memref<2xf32, #tpu.memory_space<smem>>
    memref.store %add3A_55, %arg5[%swap3A] : memref<2xf32, #tpu.memory_space<smem>>
    %get3A_57 = arith.constant 1 : index
    %get3A_58 = memref.load %arg5[%get3A_57] : memref<2xf32, #tpu.memory_space<smem>>
    %add3A_59 = arith.addf %get3A_58, %reduce_sum3A_52 : f32
    %swap3A_60 = arith.constant 1 : index
    %swap3A_61 = memref.load %arg5[%swap3A_60] : memref<2xf32, #tpu.memory_space<smem>>
    memref.store %add3A_59, %arg5[%swap3A_60] : memref<2xf32, #tpu.memory_space<smem>>
    %eq3A_62 = arith.constant 3 : i32
    %eq3A_63 = arith.cmpi eq, %arg0, %eq3A_62 : i32
    %convert_element_type3A_64 = arith.extui %eq3A_63 : i1 to i32
    %cond3A_65 = arith.constant 0 : i32
    %cond3A_66 = arith.cmpi ne, %convert_element_type3A_64, %cond3A_65 : i32
    scf.if %cond3A_66 {
      %iota3A = tpu.iota {dimensions = array<i32: 1>} : vector<1x4xi32>
      %eq3A_67 = arith.constant 0 : i32
      %eq3A_68 = vector.broadcast %eq3A_67 : i32 to vector<1x4xi32>
      %eq3A_69 = arith.cmpi eq, %iota3A, %eq3A_68 : vector<1x4xi32>
      %get3A_70 = arith.constant 0 : index
      %get3A_71 = memref.load %arg5[%get3A_70] : memref<2xf32, #tpu.memory_space<smem>>
      %eq3A_72 = arith.constant 1 : i32
      %eq3A_73 = vector.broadcast %eq3A_72 : i32 to vector<1x4xi32>
      %eq3A_74 = arith.cmpi eq, %iota3A, %eq3A_73 : vector<1x4xi32>
      %get3A_75 = arith.constant 1 : index
      %get3A_76 = memref.load %arg5[%get3A_75] : memref<2xf32, #tpu.memory_space<smem>>
      %jit3A = arith.constant 0.000000e+00 : f32
      %broadcast_in_dim3A_77 = vector.broadcast %get3A_76 : f32 to vector<1x4xf32>
      %broadcast_in_dim3A_78 = vector.broadcast %jit3A : f32 to vector<1x4xf32>
      %select_n3A = arith.select %eq3A_74, %broadcast_in_dim3A_77, %broadcast_in_dim3A_78 : vector<1x4xi1>, vector<1x4xf32>
      %broadcast_in_dim3A_79 = vector.broadcast %get3A_71 : f32 to vector<1x4xf32>
      %select_n3A_80 = arith.select %eq3A_69, %broadcast_in_dim3A_79, %select_n3A : vector<1x4xi1>, vector<1x4xf32>
      %swap3A_81 = arith.constant 0 : index
      %swap3A_82 = arith.constant 0 : index
      %swap3A_83 = vector.load %arg4[%swap3A_81, %swap3A_82] : memref<1x4xf32, #tpu.memory_space<vmem>>, vector<1x4xf32>
      tpu.vector_store %arg4[%swap3A_81, %swap3A_82], %select_n3A_80 {strides = array<i32>} : memref<1x4xf32, #tpu.memory_space<vmem>>, vector<1x4xf32>,
    } else {
    }
    return
  }
  func.func @transform_0(%arg0: i32) -> (i32, i32) {
    %c0_i32 = arith.constant 0 : i32
    %c0_i32_0 = arith.constant 0 : i32
    return %arg0, %c0_i32 : i32, i32
  }
  func.func @transform_1(%arg0: i32) -> (i32, i32) {
    %c0_i32 = arith.constant 0 : i32
    %c0_i32_0 = arith.constant 0 : i32
    return %arg0, %c0_i32 : i32, i32
  }
  func.func @transform_2(%arg0: i32) -> (i32, i32) {
    %c0_i32 = arith.constant 0 : i32
    %c0_i32_0 = arith.constant 0 : i32
    return %arg0, %c0_i32 : i32, i32
  }
  func.func @transform_3(%arg0: i32) -> (i32, i32) {
    %c0_i32 = arith.constant 0 : i32
    %c0_i32_0 = arith.constant 0 : i32
    %c0_i32_1 = arith.constant 0 : i32
    return %c0_i32, %c0_i32_0 : i32, i32
  }
}

</mosaic_0001>

<sc_bundles>
// kernel: kernel.5.cloned.1.call-start
scs
__scs_entry_jumppad:
0x0: {  	(pc) =	sbr.rel $0x88, $3  }
0x1: {  	(tag) =	ssettag $0x0;
	lr =	simm.s32 $0x1  }
0x2: {  	[smem:$0x3F9E] =	sst lr;
	_ =	strace $0xD0000000  }
0x3: {  	_ = 	snop  }
0x4: {  	_ = 	snop  }
0x5: {  	_ = 	snop  }
0x6: {  	_ = 	snop  }
0x7: {  	_ = 	snop  }
__scs_overlays_trampoline_lowered:
0x8: {  	[smem:$0x3FAD] =	sst s0  }
0x9: {  	[smem:$0x3FAE] =	sst s1  }
0xa: {  	[smem:$0x3FAF] =	sst s2  }
0xb: {  	[smem:$0x3FB0] =	sst s3  }
0xc: {  	[smem:$0x3FB1] =	sst s4  }
0xd: {  	[smem:$0x3FB2] =	sst s5  }
0xe: {  	[smem:$0x3FB3] =	sst s6  }
0xf: {  	[smem:$0x3FB4] =	sst s7  }
0x10: {  	[smem:$0x3FB5] =	sst s8  }
0x11: {  	[smem:$0x3FB6] =	sst s9;
	s0 =	simm.s32 @!p0 $0x0  }
0x12: {  	s1 =	sld [smem:$0x3F9C];
	s0 =	simm.s32 @p0 $0x1  }
0x13: {  	[smem:$0x3FB7] =	sst s0;
	s0 =	simm.s32 @!p1 $0x0  }
0x14: {  	s2 =	sld [smem:$0x3F9B];
	s0 =	simm.s32 @p1 $0x1  }
0x15: {  	[smem:$0x3FB8] =	sst s0;
	s0 =	simm.s32 @!p2 $0x0  }
0x16: {  	s3 =	sld [smem:$0x3FDB];
	s0 =	simm.s32 @p2 $0x1  }
0x17: {  	s4 =	simm.s32 $0x1BF5;
	[smem:$0x3FBA] =	sst s0  }
0x18: {  	s0 =	sld [smem:$0x3F9D];
	_ =	swait.ge [sflag:s4], $0x0  }
0x19: {  	s7 =	sld [smem:$0x3F9E]  }
0x1a: {  	s8 =	sadd.s32 $0xFFFFE003, lr  }
0x1b: {  	s9 =	sadd.s32 $0xFFFFFEF7, lr;
	s5 =	simm.s32 $0xFFFFFFFF;
	p2 =	slt.u32 s8, $0xFFFFF086  }
0x1c: {  	p1 =	slt.u32 s9, $0xF7A;
	s5 =	simm.s32 @!p2 $0x0  }
0x1d: {  	s5 =	simm.s32 @p1 $0x1;
	p0 =	seq.s32 s7, s2  }
0x1e: {  	s7 =	smul.u32 @!p0 $0xF7A, s2;
	p2 =	seq.s32 @!p0 s5, $0x0  }
0x1f: {  	s9 =	smul.u32 $0xF7A, s1;
	s8 =	simm.s32 @!p0 $0x1BF5;
	p2 =	por !p2, p0  }
0x20: {  	[sflag:s8] =	ssyncset.s32 @!p0 $0xFFFFF086;
	s6 =	sadd.s32 @!p0 s3, s7;
	s7 =	simm.s32 @!p0 $0x108  }
0x21: {  	s3 =	sadd.s32 s3, s9;
	s6 =	sadd.s32 @!p0 $0x88, s6;
	s7 =	simm.s32 @p2 $0x1082  }
0x22: {  	[simem:s7], [sflag:s8] =	dma.local @!p0 [hbm:s6], $0xF7A  }
0x23: {  	s9 =	sor.u32 $0xD0000000, s2;
	s6 =	simm.s32 $0x108;
	_ =	swait.ge @!p0 [sflag:s8], $0x0  }
0x24: {  	s3 =	sadd.s32 $0x88, s3;
	s6 =	simm.s32 @!p1 $0x1082;
	[sflag:s4] =	ssyncset.s32 $0xFFFFF086  }
0x25: {  	[simem:s6], [sflag:s4] =	dma.local [hbm:s3], $0xF7A  }
0x26: {  	[smem:$0x3F9E] =	sst s1;
	(tag) =	ssettag s2;
	_ =	strace s9  }
0x27: {  	s1 =	sld [smem:$0x3FAE]  }
0x28: {  	s2 =	sld [smem:$0x3FAF]  }
0x29: {  	s4 =	sld [smem:$0x3FB1]  }
0x2a: {  	p0 =	seq.s32 s5, $0x0;
	s5 =	sld [smem:$0x3FB2]  }
0x2b: {  	s6 =	sld [smem:$0x3FB3]  }
0x2c: {  	s7 =	sld [smem:$0x3FB4]  }
0x2d: {  	s3 =	simm.s32 $0x108;
	s8 =	sld [smem:$0x3FB5]  }
0x2e: {  	s3 =	simm.s32 @!p0 $0x1082;
	s9 =	sld [smem:$0x3FB6]  }
0x2f: {  	lr =	sadd.s32 s0, s3;
	s0 =	sld [smem:$0x3FAD]  }
0x30: {  	s3 =	sld [smem:$0x3FB0]  }
0x31: {  	[smem:$0x3FB9] =	sst s10  }
0x32: {  	s10 =	sld [smem:$0x3FB7];
	_ =	sdelay $0x3  }
0x33: {  	p0 =	seq.s32 s10, $0x1;
	s10 =	sld [smem:$0x3FB9];
	_ =	sdelay $0x3  }
0x34: {  	[smem:$0x3FB9] =	sst s10  }
0x35: {  	s10 =	sld [smem:$0x3FB8];
	_ =	sdelay $0x3  }
0x36: {  	p1 =	seq.s32 s10, $0x1;
	s10 =	sld [smem:$0x3FB9];
	_ =	sdelay $0x3  }
0x37: {  	[smem:$0x3FB9] =	sst s10  }
0x38: {  	s10 =	sld [smem:$0x3FBA]  }
0x39: {  	_ = 	snop;
	(pc) =	sbr.ind lr, $3  }
0x3a: {  	_ = 	snop  }
0x3b: {  	_ = 	snop  }
0x3c: {  	p2 =	seq.s32 s10, $0x1;
	s10 =	sld [smem:$0x3FB9]  }
0x3d: {  	_ =	shalt  }
0x3e: {  	_ =	shalt  }
0x3f: {  	_ =	shalt  }
0x40: {  	_ =	shalt  }
0x41: {  	_ =	shalt  }
0x42: {  	_ =	shalt  }
0x43: {  	_ =	shalt  }
0x44: {  	_ =	shalt  }
0x45: {  	_ =	shalt  }
0x46: {  	_ =	shalt  }
0x47: {  	_ =	shalt  }
0x48: {  	_ =	shalt  }
0x49: {  	_ =	shalt  }
0x4a: {  	_ =	shalt  }
0x4b: {  	_ =	shalt  }
0x4c: {  	_ =	shalt  }
0x4d: {  	_ =	shalt  }
0x4e: {  	_ =	shalt  }
0x4f: {  	_ =	shalt  }
0x50: {  	_ =	shalt  }
0x51: {  	_ =	shalt  }
0x52: {  	_ =	shalt  }
0x53: {  	_ =	shalt  }
0x54: {  	_ =	shalt  }
0x55: {  	_ =	shalt  }
0x56: {  	_ =	shalt  }
0x57: {  	_ =	shalt  }
0x58: {  	_ =	shalt  }
0x59: {  	_ =	shalt  }
0x5a: {  	_ =	shalt  }
0x5b: {  	_ =	shalt  }
0x5c: {  	_ =	shalt  }
0x5d: {  	_ =	shalt  }
0x5e: {  	_ =	shalt  }
0x5f: {  	_ =	shalt  }
0x60: {  	_ =	shalt  }
0x61: {  	_ =	shalt  }
0x62: {  	_ =	shalt  }
0x63: {  	_ =	shalt  }
0x64: {  	_ =	shalt  }
0x65: {  	_ =	shalt  }
0x66: {  	_ =	shalt  }
0x67: {  	_ =	shalt  }
0x68: {  	_ =	shalt  }
0x69: {  	_ =	shalt  }
0x6a: {  	_ =	shalt  }
0x6b: {  	_ =	shalt  }
0x6c: {  	_ =	shalt  }
0x6d: {  	_ =	shalt  }
0x6e: {  	_ =	shalt  }
0x6f: {  	_ =	shalt  }
0x70: {  	_ =	shalt  }
0x71: {  	_ =	shalt  }
0x72: {  	_ =	shalt  }
0x73: {  	_ =	shalt  }
0x74: {  	_ =	shalt  }
0x75: {  	_ =	shalt  }
0x76: {  	_ =	shalt  }
0x77: {  	_ =	shalt  }
0x78: {  	_ =	shalt  }
0x79: {  	_ =	shalt  }
0x7a: {  	_ =	shalt  }
0x7b: {  	_ =	shalt  }
0x7c: {  	_ =	shalt  }
0x7d: {  	_ =	shalt  }
0x7e: {  	_ =	shalt  }
0x7f: {  	_ =	shalt  }
0x80: {  	_ =	shalt  }
0x81: {  	_ =	shalt  }
0x82: {  	_ =	shalt  }
0x83: {  	_ =	shalt  }
0x84: {  	_ =	shalt  }
0x85: {  	_ =	shalt  }
0x86: {  	_ =	shalt  }
0x87: {  	_ =	shalt  }
.Lfunc_end0:
.L_simem_size_0:
called_computation_lowered:
.L_overlay_start_0:
0x88: {  	s2 =	sld [smem:$0x3FD9]  }
0x89: {  	s3 =	sld [smem:$0x3FFE];
	_ =	sdelay $0x1  }
0x8a: {  	s1 =	srdreg.scid  }
0x8b: {  	s0 =	sand.u32 $0x1, s1  }
0x8c: {  	s17 =	sshll.u32 s0, $0xA;
	s2 =	sadd.s32 s3, s2  }
0x8d: {  	s2 =	sadd.s32 s2, s17  }
0x8e: {  	[smem:$0x3FC5] =	sst s2  }
0x8f: {  	_ = 	snop  }
0x90: {  	s2 =	sld [smem:$0x3FC9]  }
0x91: {  	s18 =	sld [smem:$0x3FC7];
	(tm) =	ssettm $0x1  }
0x92: {  	s4 =	sld [smem:$0x3FFB];
	_ =	sdelay $0x3  }
0x93: {  	_ =	strace s4  }
0x94: {  	s4 =	sld [smem:$0x3FFC];
	_ =	sdelay $0x3  }
0x95: {  	_ =	strace s4  }
0x96: {  	s4 =	sld [smem:$0x3FFD];
	_ =	sdelay $0x3  }
0x97: {  	_ =	strace s4  }
0x98: {  	_ =	strace $0x8FFFFFFF  }
0x99: {  	s19 =	sld [smem:$0x3FDB];
	_ =	sdelay $0x1  }
0x9a: {  	s5 =	simm.s32 $_scs_section_size  }
0x9b: {  	s6 =	simm.s32 $_size__tile_overlayer_lowered;
	s7 =	simm.s32 $_tile_overlayer_lowered  }
0x9c: {  	s22 =	simm.s32 $0x1BFF;
	s21 =	sshll.u32 s7, $0x1;
	s4 =	sadd.s32 s5, s19  }
0x9d: {  	s8 =	simm.s32 $0x0;
	s20 =	sshll.u32 s6, $0x1;
	s6 =	sadd.s32 s21, s4  }
0x9e: {  	[timem:s8], [sflag:s22] =	dma.local [hbm:s6], s20  }
0x9f: {  	_ =	swait.ge [sflag:s22], s20  }
0xa0: {  	s5 =	ssub.s32 $0x0, s20;
	[sflag:s22] =	ssyncset.done $0x0  }
0xa1: {  	[sflag:s22] =	ssyncadd.s32 s5;
	_ =	sdelay $0x1  }
0xa2: {  	s23 =	simm.s32 $0x1B8B  }
0xa3: {  	_ =	swait.ge [sflag:s23], $0x1  }
0xa4: {  	[sflag:s23] =	ssyncset.done $0x0  }
0xa5: {  	s25 =	simm.s32 $0x1B8E;
	s24 =	sld [smem:$0x3FFE];
	[sflag:s23] =	ssyncadd.s32 $0xFFFFFFFF  }
0xa6: {  	s26 =	simm.s32 $execute0_lowered;
	[smem:$0x3FD2] =	sst s25  }
0xa7: {  	s6 =	sshll.u32 s26, $0x1;
	_ =	strace $0x80000046;
	[dreg:$0x1] =	wrdreg $0xFFFFFFFF  }
0xa8: {  	s28 =	simm.s32 $_size_execute0_lowered;
	s4 =	sadd.s32 s4, s6;
	[dreg:$0x0] =	wrdreg $0x0  }
0xa9: {  	s6 =	sshll.u32 s28, $0x1;
	[dreg:$0x2] =	wrdreg s4  }
0xaa: {  	[dreg:$0x3] =	wrdreg s6  }
0xab: {  	[dreg:$0x4] =	wrdreg $0xC0  }
0xac: {  	_ =	task [dreg:s8], $0x5FFFF  }
0xad: {  	[dreg:$0x1] =	wrdreg $0xFFFFFFFF  }
0xae: {  	[dreg:$0x0] =	wrdreg $0x60  }
0xaf: {  	[dreg:$0x2] =	wrdreg s18  }
0xb0: {  	[dreg:$0x3] =	wrdreg s2  }
0xb1: {  	[dreg:$0x4] =	wrdreg s24  }
0xb2: {  	[dreg:$0x5] =	wrdreg $0x9  }
0xb3: {  	_ =	task.clear_ibuf [dreg:s8], $0x6FFFF;
	_ =	strace $0x90000046  }
0xb4: {  	s29 =	simm.s32 $0x9;
	_ =	strace $0x80000048  }
0xb5: {  	_ =	swait.ge [sflag:s29], $0x1  }
0xb6: {  	[sflag:s29] =	ssyncadd.s32 $0xFFFFFFFF  }
0xb7: {  	_ =	strace $0x90000048  }
0xb8: {  	_ =	sfence  }
0xb9: {  	s30 =	sld [smem:$0x0];
	_ =	sdelay $0x2  }
0xba: {  	s31 =	sshll.u32 s1, $0xD;
	s1 =	sshrl.u32 s1, $0x2  }
0xbb: {  	s3 =	sand.u32 $0x4000, s31;
	s1 =	sadd.s32 s1, s30  }
0xbc: {  	s0 =	sor.u32 s3, s0;
	s1 =	sshll.u32 s1, $0x11  }
0xbd: {  	s0 =	sor.u32 s1, s0  }
0xbe: {  	s0 =	sadd.s32 $0x8F2B, s0  }
0xbf: {  	[sflag:s0] =	ssyncadd.remote.s32 $0x1  }
0xc0: {  	_ =	sfence.sel $0xFFFF  }
0xc1: {  	[dreg:$0x0] =	wrdreg $0xFFFFFFFF;
	(pc) =	sbr.abs _section_cstart, $3  }
0xc2: {  	[dreg:$0x1] =	wrdreg $0xFFFFFFFF  }
0xc3: {  	_ =	task.clear_ibuf [dreg:s8], $0x2FFFF;
	_ =	strace $0x9FFFFFFF  }
0xc4: {  	(tm) =	ssettm $0x7FFFFFFF  }
0xc5: {  	_ =	shalt  }
tec
execute0_lowered:
.L_overlay_start_1:
0x0: {  	(tag) =	ssettag $0x1  }
0x1: {  	s3 =	rddreg [dreg:$0x0]  }
0x2: {  	s4 =	rddreg [dreg:$0x1]  }
0x3: {  	s2 =	rddreg [dreg:$0x2]  }
0x4: {  	s0 =	rddreg [dreg:$0x3];
	s1 =	simm.s32 $0x0  }
0x5: {  	s5 =	srdreg.scid;
	s10 =	simm.s32 $0x8000;
	s11 =	simm.s32 $0x10000  }
0x6: {  	s12 =	simm.s32 $0x14900;
	[smem:$0x7FF] =	sst s1;
	s5 =	sand.u32 $0x1, s5  }
0x7: {  	s13 =	simm.s32 $0x0;
	_ =	strace $0x80000047;
	s6 =	sshll.u32 s5, $0x4  }
0x8: {  	s7 =	ssub.s32 $0x2, s5;
	s5 =	sshll.u32 s5, $0x6;
	s6 =	sadd.s32 s6, s2  }
.Ltmp0:
0x9: {  	s2 =	stileid.u32;
	s8 =	sshrl.u32 s7, $0x1;
	(pc) =	sbr.rel .LBB2_1-.Ltmp0, $4  }
0xa: {  	s9 =	sshll.u32 s2, $0xD;
	s7 =	ssub.s32 s7, s8;
	s30 =	sshll.u32 s2, $0x5  }
0xb: {  	s8 =	simm.s32 $0x400;
	s5 =	sor.u32 s5, s9;
	s31 =	sadd.s32 s30, s6  }
0xc: {  	v0 =	vimm.s32 $0x0;
	s6 =	smax.u32 s7, $0x1;
	s7 =	simm.s32 $0x200;
	s9 =	simm.s32 $0x1  }
0xd: {  	v1 =	vimm.s32 $0x1;
	v2 =	vlaneseq.u32;
	v3 =	vimm.s32 $0x80000000;
	s3 =	sadd.s32 s3, s5;
	s4 =	sadd.s32 s4, s5;
	s5 =	sadd.s32 $0xC00, s31  }
.LBB2_65:
0xe: {  	v8 =	vmov v12;
	v9 =	vmov v10  }
.LBB2_72:
0xf: {  	vm0 =	vge.f32 @p0 v12, v11;
	v16, v17, _ =	vpop @p1 (xrf1)  }
0x10: {  	(xrf1) =	vsort.ascd.msk.f32 $0xffff, v13, v15;
	v13 =	vsel @p0 vm0, v12, v11;
	v15 =	vsel @p0 vm0, v10, v14;
	v18, v19, _ =	vpop @p2 (xrf1)  }
0x11: {  	v10 =	vsel @p0 vm0, v14, v10;
	(xrf1) =	vsort.dscd.msk.f32 @p0 $0xffff, v13, v15;
	v13 =	vpsel p2, v18, v6  }
0x12: {  	v11 =	vsel @p0 vm0, v11, v12;
	v12 =	vpsel p2, v19, v5;
	vm0 =	vge.f32 @p1 v13, v16  }
0x13: {  	(xrf1) =	vsort.ascd.msk.f32 @p0 $0xffff, v11, v10;
	v10 =	vsel @p1 vm0, v13, v16;
	v11 =	vsel @p1 vm0, v12, v17  }
0x14: {  	(xrf1) =	vsort.dscd.msk.f32 @p1 $0xffff, v10, v11;
	_ =	sdelay $0x9  }
0x15: {  	v10, v11, _ =	vpop (xrf1)  }
0x16: {  	v12, v13, _ =	vpop @p0 (xrf1)  }
0x17: {  	v8 =	vpsel p0, v12, v8  }
0x18: {  	v9 =	vpsel p0, v13, v9;
	v12, v13, _ =	vpop @p0 (xrf1);
	vm14 =	vge.f32 v8, v10  }
0x19: {  	v62 =	vsel vm14, v8, v10;
	v63 =	vsel vm14, v9, v11;
	v16, v17, _ =	vpop @p1 (xrf1)  }
0x1a: {  	v9 =	vsel vm14, v11, v9;
	v8 =	vsel vm14, v10, v8;
	v10 =	vpsel p1, v16, v6  }
0x1b: {  	(xrf1) =	vsort.dscd.msk.f32 $0xffff, v62, v63;
	v11 =	vpsel p1, v17, v5;
	vm0 =	vge.f32 @p0 v10, v12  }
0x1c: {  	(xrf1) =	vsort.ascd.msk.f32 $0xffff, v8, v9;
	v8 =	vsel @p0 vm0, v10, v12;
	v9 =	vsel @p0 vm0, v11, v13  }
0x1d: {  	(xrf1) =	vsort.dscd.msk.f32 @p0 $0xffff, v8, v9;
	_ =	sdelay $0xb  }
0x1e: {  	v8, v10, _ =	vpop (xrf1)  }
0x1f: {  	v8, v9, _ =	vpop (xrf1)  }
0x20: {  	v11, v12, _ =	vpop @p0 (xrf1)  }
0x21: {  	v6 =	vpsel p0, v11, v6  }
0x22: {  	v5 =	vpsel p0, v12, v5;
	vm15 =	vge.f32 v6, v8  }
0x23: {  	v6 =	vsel vm15, v6, v8;
	v5 =	vsel vm15, v5, v9  }
0x24: {  	(xrf1) =	vsort.dscd.msk.f32 $0xffff, v6, v5;
	_ =	sdelay $0xd  }
0x25: {  	v6, v5, _ =	vpop (xrf1)  }
.LBB2_73:
0x26: {  	s16 =	sadd.s32 $0x20, s16  }
0x27: {  	v6 =	vmov s16  }
0x28: {  	vm0 =	vgt.s32 v6, v2  }
0x29: {  	vm14 =	vgt.s32 v6, v4;
	v8 =	vnsel vm0, $0x0, v10  }
0x2a: {  	v4 =	vnsel vm14, $0x0, v5;
	(xrf2) =	vadd.scan.msk.f32 $0xffff, v8  }
0x2b: {  	(xrf2) =	vadd.scan.msk.f32 $0xffff, v4  }
0x2c: {  	(xrf2) =	vadd.scan.msk.f32 $0xffff, v7;
	_ =	sdelay $0x7  }
0x2d: {  	v4, _, _ =	vpop (xrf2)  }
0x2e: {  	v5, _, _ =	vpop (xrf2);
	(v2sf) =	vpush v4, $0xF  }
0x2f: {  	(v2sf) =	vpush v5, $0xF;
	v4, _, _ =	vpop (xrf2)  }
0x30: {  	(v2sf) =	vpush v4, $0xF;
	_ =	sdelay $0xa  }
0x31: {  	s15 =	sadd.f32 s17, s15  }
0x32: {  	s14 =	sadd.f32 s18, s14  }
0x33: {  	s28 =	spop (v2sf)  }
0x34: {  	s14 =	sadd.f32 s15, s14;
	s29 =	spop (v2sf)  }
0x35: {  	s30 =	sadd.f32 s29, s28;
	s31 =	spop (v2sf)  }
0x36: {  	s14 =	sadd.f32 s31, s14;
	_ =	sdelay $0x1  }
0x37: {  	s14 =	sadd.f32 s30, s14;
	_ =	sdelay $0x1  }
0x38: {  	vm15 =	vcmask $0x300;
	s13 =	sadd.s32 $0x1, s13;
	v4 =	vmov s14  }
0x39: {  	p0 =	sne.s32 s13, s6;
	v4 =	vnsel vm15, $0x0, v4  }
.Ltmp1:
0x3a: {  	[tilespmem:$0x14900] =	vst v4;
	(pc) =	sbr.rel @!p0 .LBB2_74-.Ltmp1, $4  }
0x3b: {  	[hbm4b:s5+s1] =	stream.linear.scatter [tilespmem:s12], [sflag:$0x1], $0x80, $0x38;
	[tilespmem:$0x14980] =	vst v63  }
0x3c: {  	_ =	swait.ge [sflag:s9], $0x80  }
0x3d: {  	[sflag:s9] =	ssyncset.done $0x0  }
0x3e: {  	[sflag:s9] =	ssyncadd.s32 $0xFFFFFF80  }
.LBB2_1:
0x3f: {  	[tilespmem:s1], [sflag:$0x1] =	stream.strided.gather [hbm4b:s3+s7], $0x8000, s8, s7, $0x38;
	[tilespmem:$0x14980] =	vst v63  }
0x40: {  	_ =	swait.ge [sflag:s9], $0x8000  }
0x41: {  	[sflag:s9] =	ssyncset.done $0x0  }
0x42: {  	[sflag:s9] =	ssyncadd.s32 $0xFFFF8000  }
0x43: {  	[tilespmem:s10], [sflag:$0x1] =	stream.strided.gather [hbm4b:s4+s7], $0x8000, s8, s7, $0x38;
	[tilespmem:$0x14980] =	vst v63  }
0x44: {  	_ =	swait.ge [sflag:s9], $0x8000  }
0x45: {  	[sflag:s9] =	ssyncset.done $0x0  }
0x46: {  	s14 =	simm.s32 $0x10040;
	[sflag:s9] =	ssyncadd.s32 $0xFFFF8000  }
0x47: {  	[tilespmem:s14+$0xFFFFFFC0] =	vst v0  }
0x48: {  	[tilespmem:s14+$0x30] =	vst v0  }
0x49: {  	[tilespmem:s14+$0x20] =	vst v0  }
0x4a: {  	[tilespmem:s14+$0x10] =	vst v0  }
0x4b: {  	[tilespmem:s14+$0x0] =	vst v0  }
0x4c: {  	[tilespmem:s14+$0xFFFFFFF0] =	vst v0  }
0x4d: {  	s16 =	simm.s32 $0x0;
	[tilespmem:s14+$0xFFFFFFE0] =	vst v0  }
.LBB2_2:
0x4e: {  	s16 =	sadd.s32 $0x8, s16;
	[tilespmem:s14+$0xFFFFFFD0] =	vst v0;
	s14 =	sadd.s32 $0x80, s14;
	s15 =	simm.s32 $0x40  }
0x4f: {  	[tilespmem:s14+$0xFFFFFFC0] =	vst v0;
	p0 =	slt.u32 s16, $0x78  }
0x50: {  	[tilespmem:s14+$0x30] =	vst v0  }
.Ltmp2:
0x51: {  	[tilespmem:s14+$0x20] =	vst v0;
	(pc) =	sbr.rel @p0 .LBB2_2-.Ltmp2, $4  }
0x52: {  	[tilespmem:s14+$0x10] =	vst v0  }
0x53: {  	[tilespmem:s14+$0x0] =	vst v0  }
0x54: {  	[tilespmem:s14+$0xFFFFFFF0] =	vst v0  }
0x55: {  	[tilespmem:s14+$0xFFFFFFE0] =	vst v0  }
0x56: {  	[tilespmem:s14+$0xFFFFFFD0] =	vst v0  }
0x57: {  	v4 =	vld [tilespmem:s15+$0x30]  }
0x58: {  	v5 =	vld [tilespmem:s15+$0xFFFFFFD0]  }
0x59: {  	v6 =	vld [tilespmem:s15+$0xFFFFFFE0]  }
0x5a: {  	v7 =	vld [tilespmem:s15+$0xFFFFFFF0]  }
0x5b: {  	v8 =	vld [tilespmem:s15+$0x0]  }
0x5c: {  	v9 =	vld [tilespmem:s15+$0x10]  }
0x5d: {  	v12 =	vld [tilespmem:s15+$0x20]  }
0x5e: {  	v13 =	vld [tilespmem:s15+$0xFFFFFFC0];
	_ =	sdelay $0x2  }
0x5f: {  	v10 =	vshra.s32 v4, $0x1F;
	v11 =	vshra.s32 v5, $0x1F;
	v14 =	vshra.s32 v6, $0x1F  }
0x60: {  	v59 =	vshra.s32 v7, $0x1F;
	v60 =	vshra.s32 v8, $0x1F;
	v61 =	vshra.s32 v9, $0x1F  }
0x61: {  	v62 =	vshra.s32 v12, $0x1F;
	v15 =	vshra.s32 v13, $0x1F;
	v10 =	vor.u32 $0x80000000, v10  }
0x62: {  	v11 =	vor.u32 $0x80000000, v11;
	v63 =	vor.u32 $0x80000000, v15;
	v4 =	vxor.u32 v4, v10  }
0x63: {  	v10 =	vor.u32 $0x80000000, v14;
	v5 =	vxor.u32 v5, v11;
	v4 =	vshrl.u32 v4, $0x15  }
0x64: {  	v11 =	vor.u32 $0x80000000, v59;
	v6 =	vxor.u32 v6, v10;
	v10 =	vor.u32 $0x80000000, v60  }
0x65: {  	v11 =	vxor.u32 v7, v11;
	v7 =	vor.u32 $0x80000000, v61;
	v16 =	vxor.u32 v8, v10  }
0x66: {  	v8 =	vor.u32 $0x80000000, v62;
	v10 =	vxor.u32 v9, v7;
	v7 =	vshrl.u32 v5, $0x15  }
0x67: {  	s16 =	simm.s32 $0x0;
	v5 =	vshrl.u32 v6, $0x15;
	v9 =	vxor.u32 v12, v8;
	v8 =	vxor.u32 v13, v63  }
0x68: {  	s14 =	simm.s32 $0x107F0;
	s17 =	simm.s32 $0x240;
	s15 =	simm.s32 $0x7FF;
	v6 =	vshrl.u32 v11, $0x15;
	v8 =	vshrl.u32 v8, $0x15;
	[tilespmem:v4+s11+$0x0] =	vst.idx.add.s32.msk $0xffff, v1;
	v4 =	vshrl.u32 v16, $0x15  }
.LBB2_4:
0x69: {  	v11 =	vld [tilespmem:s17+$0x30];
	s16 =	sadd.s32 $0x8, s16;
	v12 =	vshrl.u32 v10, $0x15;
	v13 =	vshrl.u32 v9, $0x15  }
0x6a: {  	v9 =	vld [tilespmem:s17+$0xFFFFFFD0];
	p0 =	slt.u32 s16, $0x1F8  }
0x6b: {  	v10 =	vld [tilespmem:s17+$0xFFFFFFE0]  }
0x6c: {  	v14 =	vld [tilespmem:s17+$0xFFFFFFF0]  }
0x6d: {  	v15 =	vld [tilespmem:s17+$0x0]  }
0x6e: {  	v16 =	vld [tilespmem:s17+$0x10];
	v17 =	vshra.s32 v11, $0x1F  }
0x6f: {  	v18 =	vshra.s32 v9, $0x1F;
	v19 =	vld [tilespmem:s17+$0x20];
	v17 =	vor.u32 $0x80000000, v17  }
0x70: {  	v20 =	vld [tilespmem:s17+$0xFFFFFFC0];
	v18 =	vor.u32 $0x80000000, v18;
	v21 =	vshra.s32 v10, $0x1F;
	v11 =	vxor.u32 v11, v17  }
0x71: {  	v17 =	vor.u32 $0x80000000, v21;
	v21 =	vshra.s32 v14, $0x1F;
	v11 =	vshrl.u32 v11, $0x15;
	[tilespmem:v8+s11+$0x0] =	vst.idx.add.s32.msk $0xffff, v1  }
0x72: {  	v8 =	vxor.u32 v9, v18;
	v9 =	vor.u32 $0x80000000, v21;
	v18 =	vshra.s32 v15, $0x1F;
	[tilespmem:v7+s11+$0x0] =	vst.idx.add.s32.msk $0xffff, v1  }
0x73: {  	v17 =	vxor.u32 v10, v17;
	v7 =	vor.u32 $0x80000000, v18;
	v10 =	vshra.s32 v16, $0x1F;
	[tilespmem:v5+s11+$0x0] =	vst.idx.add.s32.msk $0xffff, v1  }
.Ltmp3:
0x74: {  	v14 =	vxor.u32 v14, v9;
	v5 =	vor.u32 $0x80000000, v10;
	v9 =	vshra.s32 v19, $0x1F;
	[tilespmem:v6+s11+$0x0] =	vst.idx.add.s32.msk $0xffff, v1;
	(pc) =	sbr.rel @p0 .LBB2_4-.Ltmp3, $4  }
0x75: {  	v15 =	vxor.u32 v15, v7;
	v6 =	vshra.s32 v20, $0x1F;
	v7 =	vor.u32 $0x80000000, v9;
	[tilespmem:v4+s11+$0x0] =	vst.idx.add.s32.msk $0xffff, v1  }
0x76: {  	s18 =	simm.s32 $0x0;
	v10 =	vxor.u32 v16, v5;
	v4 =	vor.u32 $0x80000000, v6;
	v9 =	vxor.u32 v19, v7;
	[tilespmem:v11+s11+$0x0] =	vst.idx.add.s32.msk $0xffff, v1  }
0x77: {  	v5 =	vshrl.u32 v17, $0x15;
	v7 =	vshrl.u32 v8, $0x15;
	v4 =	vxor.u32 v20, v4;
	[tilespmem:v12+s11+$0x0] =	vst.idx.add.s32.msk $0xffff, v1  }
0x78: {  	s17 =	sadd.s32 $0x200, s17;
	v6 =	vshrl.u32 v14, $0x15;
	v8 =	vshrl.u32 v4, $0x15;
	v4 =	vshrl.u32 v15, $0x15;
	[tilespmem:v13+s11+$0x0] =	vst.idx.add.s32.msk $0xffff, v1  }
0x79: {  	_ =	sdelay $0x3  }
0x7a: {  	v10 =	vshrl.u32 v10, $0x15;
	[tilespmem:v8+s11+$0x0] =	vst.idx.add.s32.msk $0xffff, v1  }
0x7b: {  	v63 =	vshrl.u32 v9, $0x15;
	[tilespmem:v7+s11+$0x0] =	vst.idx.add.s32.msk $0xffff, v1  }
0x7c: {  	[tilespmem:v5+s11+$0x0] =	vst.idx.add.s32.msk $0xffff, v1  }
0x7d: {  	[tilespmem:v6+s11+$0x0] =	vst.idx.add.s32.msk $0xffff, v1  }
0x7e: {  	[tilespmem:v4+s11+$0x0] =	vst.idx.add.s32.msk $0xffff, v1  }
0x7f: {  	[tilespmem:v10+s11+$0x0] =	vst.idx.add.s32.msk $0xffff, v1  }
0x80: {  	[tilespmem:v63+s11+$0x0] =	vst.idx.add.s32.msk $0xffff, v1  }
.LBB2_6:
0x81: {  	v4 =	vld [tilespmem:s14+$0x0];
	_ =	sdelay $0x4  }
0x82: {  	(xrf0) =	vadd.scan.msk.s32 $0xffff, v4;
	_ =	sdelay $0x5  }
0x83: {  	v5, _, _ =	vpop (xrf0)  }
0x84: {  	v6 =	vxor.u32 $0x80000000, v5  }
0x85: {  	(xrf0) =	vmax.scan.msk.u32 $0xffff, v6;
	_ =	sdelay $0x5  }
0x86: {  	v6, _, _ =	vpop (xrf0)  }
0x87: {  	(v2sf) =	vpush v6, $0xF;
	_ =	sdelay $0xe  }
0x88: {  	s16 =	spop (v2sf)  }
0x89: {  	s16 =	sadd.s32 s16, s18  }
0x8a: {  	s18 =	sadd.s32 $0x80000000, s16  }
0x8b: {  	v5 =	vsub.s32 s18, v5  }
0x8c: {  	v5 =	vadd.s32 v4, v5  }
0x8d: {  	vm0 =	vgt.s32 v5, $0x1F  }
0x8e: {  	v6 =	vmpcnt.ones.xlane vm0;
	_ =	sdelay $0x1  }
0x8f: {  	(v2sf) =	vpush v6, $0x0;
	_ =	sdelay $0xe  }
0x90: {  	s16 =	spop (v2sf)  }
0x91: {  	p0 =	slt.s32 s16, $0x1  }
.Ltmp4:
0x92: {  	_ = 	snop;
	(pc) =	sbr.rel @p0 .LBB2_6-.Ltmp4, $2  }
0x93: {  	_ =	sdelay $0x2  }
0x94: {  	s15 =	sadd.s32 $0xFFFFFFF0, s15;
	s14 =	sadd.s32 $0xFFFFFFF0, s14  }
0x95: {  	s14 =	sadd.s32 $0xFFFFFFFF, s16  }
0x96: {  	v6 =	vmov s14  }
0x97: {  	v5 =	vxor.u32 $0x80000000, v5;
	vm0 =	veq.s32 v6, v2  }
0x98: {  	v4 =	vxor.u32 $0x80000000, v4;
	v5 =	vnsel vm0, $0x80000000, v5  }
0x99: {  	s14 =	simm.s32 $0x40;
	v4 =	vnsel vm0, $0x80000000, v4;
	(xrf0) =	vmax.scan.msk.u32 $0xffff, v5  }
0x9a: {  	v16 =	vld [tilespmem:s14+$0xFFFFFFC0];
	(xrf0) =	vmax.scan.msk.u32 $0xffff, v4  }
0x9b: {  	v7 =	vld [tilespmem:s14+$0x10]  }
0x9c: {  	s15 =	sadd.s32 s15, s16;
	v6 =	vld [tilespmem:s14+$0x0]  }
0x9d: {  	s15 =	sshll.u32 s15, $0x15;
	v11 =	vld [tilespmem:s14+$0xFFFFFFE0]  }
0x9e: {  	s29 =	sadd.s32 $0x200000, s15;
	v4 =	vld [tilespmem:s14+$0x30]  }
0x9f: {  	v9 =	vmov s15;
	v12 =	vld [tilespmem:s14+$0xFFFFFFD0];
	v10 =	vmov s29;
	v8, _, _ =	vpop (xrf0)  }
0xa0: {  	vm0 =	vgt.s32 v9, $0xFFFFFFFF;
	v5 =	vld [tilespmem:s14+$0x20];
	vm1 =	vgt.s32 v10, $0xFFFFFFFF;
	(v2sf) =	vpush v8, $0xF;
	v8, _, _ =	vpop (xrf0)  }
0xa1: {  	v9 =	vsel vm1, $0xFFFFFFFF, v3;
	(v2sf) =	vpush v8, $0xF;
	v8 =	vsel vm0, $0xFFFFFFFF, v3  }
0xa2: {  	v15 =	vimm.s32 $0x0;
	v9 =	vxor.u32 s29, v9;
	v8 =	vxor.u32 s15, v8  }
0xa3: {  	v10 =	vld [tilespmem:s14+$0xFFFFFFF0];
	vm3 =	vge.f32 v7, v9;
	vm7 =	vge.f32 v6, v9;
	vm0 =	vge.f32 v4, v8  }
0xa4: {  	s17 =	simm.s32 $0x8040;
	vm13 =	vge.f32 v11, v9;
	vm15 =	vge.f32 v12, v9;
	v15 =	vsel vm0, $0xFFFFFFFF, v15  }
0xa5: {  	v14 =	vld [tilespmem:s17+$0xFFFFFFC0];
	vm12 =	vge.f32 v16, v9;
	vm0 =	vge.f32 v5, v8;
	[tilespmem:$0x1FFF0] =	vst v15;
	v15 =	vimm.s32 $0x0  }
0xa6: {  	vm12 =	vmneg vm12;
	vm5 =	vmneg vm3;
	v15 =	vsel vm0, $0xFFFFFFFF, v15  }
0xa7: {  	vm7 =	vmneg vm7;
	vm0 =	vge.f32 v7, v8;
	[tilespmem:$0x1FFD0] =	vst v15;
	v15 =	vimm.s32 $0x0  }
0xa8: {  	vm1 =	vge.f32 v5, v9;
	vm14 =	vge.f32 v10, v9;
	v15 =	vsel vm0, $0xFFFFFFFF, v15  }
0xa9: {  	vm13 =	vmneg vm13;
	vm3 =	vmneg vm1;
	vm2 =	vmneg vm14;
	[tilespmem:$0x1FFC0] =	vst v15  }
0xaa: {  	vm4 =	vge.f32 v6, v8;
	vm9 =	vge.f32 v10, v8;
	vm10 =	vge.f32 v11, v8;
	v22 =	vld [tilespmem:$0x1FFC0]  }
0xab: {  	vm8 =	vge.f32 v12, v8;
	vm11 =	vge.f32 v16, v8;
	vm0 =	vge.f32 v4, v9  }
0xac: {  	vm6 =	vmneg vm0;
	vm0 =	vmand vm11, vm12;
	vm11 =	vmneg vm15  }
0xad: {  	vm1 =	vmand vm10, vm13;
	v15 =	vmpcnt.ones.xlane vm0;
	vm8 =	vmand vm8, vm11  }
0xae: {  	vm14 =	vmand vm9, vm2;
	v21 =	vmpcnt.ones.xlane vm1;
	v19 =	vmpcnt.ones.xlane vm8  }
0xaf: {  	vm15 =	vmand vm4, vm7;
	(v2sf) =	vpush v15, $0x0;
	vm4 =	vnez.u8 v22;
	v22 =	vld [tilespmem:$0x1FFD0]  }
0xb0: {  	v63 =	vld [tilespmem:$0x1FFF0];
	v15 =	vmpcnt.ones.xlane vm14;
	(v2sf) =	vpush v19, $0x0  }
0xb1: {  	v20 =	vld [tilespmem:s17+$0x30];
	v23 =	vmpcnt.ones.xlane vm15;
	s30 =	spop (v2sf);
	(v2sf) =	vpush v21, $0x0;
	vm10 =	vmand vm4, vm5  }
0xb2: {  	v13 =	vimm.f32 $0.0e+00;
	v17 =	vld [tilespmem:s17+$0x20];
	s31 =	spop (v2sf);
	(v2sf) =	vpush v15, $0x0;
	v24 =	vmpcnt.ones.xlane vm10  }
0xb3: {  	v25 =	vimm.s32 $0x0;
	v14 =	vsub.f32 v14, v16;
	v18 =	vld [tilespmem:s17+$0xFFFFFFD0];
	(v2sf) =	vpush v23, $0x0  }
0xb4: {  	v25 =	vsel vm6, $0xFFFFFFFF, v25;
	v19 =	vld [tilespmem:s17+$0x10];
	(v2sf) =	vpush v24, $0x0;
	vm4 =	vnez.u8 v22  }
0xb5: {  	v21 =	vld [tilespmem:s17+$0xFFFFFFE0];
	vm9 =	vmand vm4, vm3;
	vm4 =	vmmov vm14;
	vm14 =	vnez.u8 v63  }
0xb6: {  	s18 =	simm.s32 $0x0;
	s15 =	sxor.u32 $0x80000000, s30;
	s16 =	sxor.u32 $0x80000000, s31;
	v22 =	vld [tilespmem:s17+$0x0];
	[tilespmem:$0x1FFE0] =	vst v25;
	v15 =	vmpcnt.ones.xlane vm9;
	vm14 =	vmand vm14, vm6;
	vm6 =	vmmov vm3  }
0xb7: {  	s15 =	ssub.s32 s16, s15;
	s16 =	simm.s32 $0x0;
	[tilespmem:s18+$0x10800] =	vst.msk vm0, v16;
	v23 =	vld [tilespmem:s17+$0xFFFFFFF0];
	s17 =	simm.s32 $0x8240;
	vm3 =	vmmov vm8;
	vm8 =	vmmov vm15;
	v16 =	vmpcnt.ones.xlane vm14  }
.LBB2_8:
0xb8: {  	_ =	sdelay $0x3  }
0xb9: {  	v24 =	vimm.s32 $0x0;
	v14 =	vmul.f32 v14, v14;
	v18 =	vsub.f32 v18, v12  }
0xba: {  	vm15 =	vmmov vm1;
	(v2sf) =	vpush v15, $0x0;
	v15 =	vimm.s32 $0x0  }
0xbb: {  	v52 =	vld [tilespmem:s17+$0xFFFFFFC0];
	s14 =	sadd.s32 $0x200, s14;
	v29 =	vimm.s32 $0x0;
	v57 =	vimm.s32 $0x0;
	v15 =	vsel vm15, $0xFFFFFFFF, v15  }
0xbc: {  	v30 =	vimm.s32 $0x0;
	v25 =	vld [tilespmem:s14+$0x30];
	(v2sf) =	vpush v16, $0x0;
	v26 =	vsel vm12, $0x0, v14;
	[tilespmem:$0x1FF70] =	vst v15  }
0xbd: {  	v16 =	vmul.f32 v18, v18;
	v15 =	vld [tilespmem:s14+$0xFFFFFFC0];
	[tilespmem:s18+$0x12880] =	vst.msk vm0, v14;
	v13 =	vadd.f32 v26, v13;
	v14 =	vsub.f32 v21, v11  }
0xbe: {  	s19 =	spop (v2sf);
	v60 =	vimm.s32 $0x0;
	v20 =	vsub.f32 v20, v4;
	v17 =	vsub.f32 v17, v5  }
0xbf: {  	s19 =	sadd.s32 s18, s19;
	s24 =	spop (v2sf);
	v18 =	vld [tilespmem:s14+$0x20];
	v53 =	vsel vm11, $0x0, v16;
	v27 =	vmul.f32 v14, v14;
	v14 =	vsub.f32 v23, v10  }
0xc0: {  	v31 =	vimm.s32 $0x0;
	s20 =	sadd.s32 s19, s24;
	s25 =	spop (v2sf);
	v21 =	vld [tilespmem:s14+$0x10];
	v22 =	vsub.f32 v22, v6;
	v13 =	vadd.f32 v53, v13  }
0xc1: {  	s21 =	sadd.s32 s20, s25;
	v19 =	vsub.f32 v19, v7;
	v54 =	vsel vm13, $0x0, v27;
	v28 =	vmul.f32 v14, v14;
	s26 =	spop (v2sf)  }
0xc2: {  	v23 =	vld [tilespmem:s14+$0x0];
	vm0 =	vge.f32 v25, v8;
	v22 =	vmul.f32 v22, v22;
	v13 =	vadd.f32 v54, v13;
	s22 =	sadd.s32 s21, s26;
	s28 =	spop (v2sf)  }
0xc3: {  	v59 =	vld [tilespmem:s14+$0xFFFFFFD0];
	[tilespmem:s19+$0x10800] =	vst.msk vm3, v12;
	v19 =	vmul.f32 v19, v19;
	v29 =	vsel vm0, $0xFFFFFFFF, v29;
	v58 =	vsel vm2, $0x0, v28;
	s23 =	sadd.s32 s22, s28;
	s29 =	spop (v2sf)  }
0xc4: {  	v55 =	vld [tilespmem:s14+$0xFFFFFFF0];
	v17 =	vmul.f32 v17, v17;
	vm0 =	vge.f32 v18, v8;
	[tilespmem:$0x1FFB0] =	vst v29;
	v13 =	vadd.f32 v58, v13;
	s24 =	sadd.s32 s23, s29  }
0xc5: {  	v29 =	vsel vm0, $0xFFFFFFFF, v57;
	v61 =	vsel vm7, $0x0, v22;
	vm0 =	vge.f32 v21, v8;
	[tilespmem:s24+$0x10800] =	vst.msk vm9, v5;
	v5 =	vld [tilespmem:$0x1FFE0]  }
0xc6: {  	v56 =	vld [tilespmem:s14+$0xFFFFFFE0];
	[tilespmem:s20+$0x10800] =	vst.msk vm15, v11;
	vm1 =	vge.f32 v18, v9;
	v30 =	vsel vm0, $0xFFFFFFFF, v30;
	v12 =	vadd.f32 v61, v13  }
0xc7: {  	v11 =	vsel vm5, $0x0, v19;
	[tilespmem:$0x1FF80] =	vst v30;
	v30 =	vsel vm1, $0xFFFFFFFF, v60;
	vm1 =	vge.f32 v23, v8  }
0xc8: {  	v24 =	vsel vm3, $0xFFFFFFFF, v24;
	[tilespmem:s21+$0x10800] =	vst.msk vm4, v10;
	v31 =	vsel vm1, $0xFFFFFFFF, v31;
	v10 =	vadd.f32 v11, v12  }
0xc9: {  	vm1 =	vge.f32 v55, v8;
	v11 =	vsel vm6, $0x0, v17;
	v12 =	vmul.f32 v20, v20  }
0xca: {  	v13 =	vimm.s32 $0x0;
	[tilespmem:s23+$0x10800] =	vst.msk vm10, v7;
	v7 =	vadd.f32 v11, v10;
	vm3 =	vnez.u8 v5  }
0xcb: {  	[tilespmem:$0x1FF30] =	vst v30;
	v13 =	vsel vm1, $0xFFFFFFFF, v13;
	v11 =	vsel vm3, $0x0, v12  }
0xcc: {  	v51 =	vimm.s32 $0x0;
	[tilespmem:$0x1FF50] =	vst v13;
	v13 =	vadd.f32 v11, v7;
	v7 =	vld [tilespmem:$0x1FF30]  }
0xcd: {  	[tilespmem:$0x1FF90] =	vst v24;
	v24 =	vsel vm4, $0xFFFFFFFF, v51  }
0xce: {  	vm15 =	vge.f32 v59, v8;
	vm11 =	vge.f32 v15, v8;
	vm12 =	vge.f32 v15, v9  }
0xcf: {  	vm7 =	vge.f32 v21, v9;
	vm12 =	vmneg vm12;
	vm0 =	vge.f32 v25, v9  }
0xd0: {  	[tilespmem:$0x1FF40] =	vst v24;
	vm2 =	vge.f32 v59, v9;
	vm5 =	vmneg vm7;
	vm13 =	vge.f32 v23, v9  }
0xd1: {  	[tilespmem:$0x1FF60] =	vst v31;
	vm1 =	vge.f32 v56, v8;
	s30 =	spop (v2sf);
	vm3 =	vmneg vm0;
	vm0 =	vnez.u8 v7  }
0xd2: {  	[tilespmem:s22+$0x10800] =	vst.msk vm8, v6;
	vm6 =	vmmov vm8;
	s25 =	sadd.s32 s24, s30;
	vm7 =	vmneg vm0;
	vm0 =	vmand vm11, vm12  }
0xd3: {  	vm8 =	vge.f32 v56, v9;
	[tilespmem:s25+$0x10800] =	vst.msk vm14, v4;
	v5 =	vmovc v18;
	vm11 =	vmneg vm2;
	v18 =	vmpcnt.ones.xlane vm0  }
0xd4: {  	[tilespmem:s25+$0x12880] =	vst.msk vm14, v12;
	vm14 =	vmmov vm7;
	vm7 =	vmneg vm13;
	vm15 =	vmand vm15, vm11  }
0xd5: {  	[tilespmem:s23+$0x12880] =	vst.msk vm10, v19;
	s31 =	spop (v2sf);
	vm13 =	vmneg vm8;
	v19 =	vmpcnt.ones.xlane vm15;
	(v2sf) =	vpush v18, $0x0;
	v18 =	vld [tilespmem:$0x1FF40]  }
0xd6: {  	v6 =	vmov v23;
	v23 =	vld [tilespmem:$0x1FF60];
	vm1 =	vmand vm1, vm13  }
0xd7: {  	v7 =	vmov v21;
	v21 =	vmpcnt.ones.xlane vm1;
	(v2sf) =	vpush v19, $0x0;
	v19 =	vld [tilespmem:$0x1FF70]  }
0xd8: {  	v62 =	vld [tilespmem:$0x1FF80]  }
0xd9: {  	vm4 =	vge.f32 v55, v9;
	(v2sf) =	vpush v21, $0x0;
	v21 =	vld [tilespmem:$0x1FF90]  }
0xda: {  	[tilespmem:$0x1FFA0] =	vst v29;
	vm2 =	vmneg vm4;
	vm4 =	vnez.u8 v18;
	v18 =	vld [tilespmem:$0x1FF50]  }
0xdb: {  	[tilespmem:s22+$0x12880] =	vst.msk vm6, v22;
	s18 =	sadd.s32 s25, s31;
	vm6 =	vnez.u8 v23  }
0xdc: {  	[tilespmem:s18+$0x10800] =	vst.msk vm0, v15;
	vm8 =	vmand vm6, vm7;
	vm6 =	vnez.u8 v19  }
0xdd: {  	[tilespmem:s20+$0x12880] =	vst.msk vm6, v27;
	vm6 =	vnez.u8 v62  }
0xde: {  	v14 =	vsub.f32 v52, v15;
	v15 =	vld [tilespmem:$0x1FFA0];
	[tilespmem:s21+$0x12880] =	vst.msk vm4, v28;
	vm10 =	vmand vm6, vm5;
	vm6 =	vnez.u8 v21  }
0xdf: {  	vm4 =	vnez.u8 v18;
	v18 =	vld [tilespmem:s17+$0xFFFFFFD0];
	[tilespmem:s19+$0x12880] =	vst.msk vm6, v16;
	v16 =	vimm.s32 $0x0  }
0xe0: {  	v16 =	vsel vm3, $0xFFFFFFFF, v16  }
0xe1: {  	[tilespmem:$0x1FFE0] =	vst v16;
	v16 =	vld [tilespmem:$0x1FFB0]  }
0xe2: {  	s16 =	sadd.s32 $0x8, s16;
	[tilespmem:s24+$0x12880] =	vst.msk vm9, v17  }
0xe3: {  	p0 =	slt.u32 s16, $0x1F8;
	v17 =	vld [tilespmem:s17+$0x20];
	vm4 =	vmand vm4, vm2  }
.Ltmp5:
0xe4: {  	v20 =	vld [tilespmem:s17+$0x30];
	vm9 =	vnez.u8 v15;
	v22 =	vmpcnt.ones.xlane vm4;
	(pc) =	sbr.rel @p0 .LBB2_8-.Ltmp5, $4  }
0xe5: {  	v23 =	vmpcnt.ones.xlane vm8;
	vm9 =	vmand vm9, vm14;
	v19 =	vld [tilespmem:s17+$0x10];
	v63 =	vmpcnt.ones.xlane vm10  }
0xe6: {  	v21 =	vld [tilespmem:s17+$0xFFFFFFE0];
	vm6 =	vmmov vm14;
	(v2sf) =	vpush v22, $0x0;
	vm14 =	vnez.u8 v16  }
0xe7: {  	v4 =	vmovc v25;
	v10 =	vmovc v55;
	v15 =	vmpcnt.ones.xlane vm9;
	v22 =	vld [tilespmem:s17+$0x0];
	(v2sf) =	vpush v23, $0x0;
	vm14 =	vmand vm14, vm3  }
0xe8: {  	v12 =	vmovc v59;
	v11 =	vmovc v56;
	v23 =	vld [tilespmem:s17+$0xFFFFFFF0];
	s17 =	sadd.s32 $0x200, s17;
	(v2sf) =	vpush v63, $0x0;
	vm3 =	vmmov vm15;
	v16 =	vmpcnt.ones.xlane vm14  }
0xe9: {  	(v2sf) =	vpush v15, $0x0;
	_ =	sdelay $0x7  }
0xea: {  	v8 =	vmul.f32 v14, v14;
	(v2sf) =	vpush v16, $0x0  }
0xeb: {  	s14 =	spop (v2sf)  }
0xec: {  	s16 =	sadd.s32 s18, s14;
	s29 =	spop (v2sf);
	[tilespmem:s18+$0x12880] =	vst.msk vm0, v8  }
0xed: {  	vm15 =	vmmov vm1;
	[tilespmem:s16+$0x10800] =	vst.msk vm3, v12;
	s14 =	sadd.s32 s16, s29;
	s17 =	spop (v2sf)  }
0xee: {  	[tilespmem:s14+$0x10800] =	vst.msk vm15, v11;
	s17 =	sadd.s32 s14, s17;
	s30 =	spop (v2sf)  }
0xef: {  	[tilespmem:s17+$0x10800] =	vst.msk vm4, v10;
	s18 =	sadd.s32 s17, s30;
	s19 =	spop (v2sf)  }
0xf0: {  	v9 =	vsub.f32 v20, v4;
	[tilespmem:s18+$0x10800] =	vst.msk vm8, v6;
	s19 =	sadd.s32 s18, s19;
	s20 =	spop (v2sf)  }
0xf1: {  	v58 =	vsub.f32 v17, v5;
	[tilespmem:s19+$0x10800] =	vst.msk vm10, v7;
	s20 =	sadd.s32 s19, s20;
	s21 =	spop (v2sf)  }
0xf2: {  	v9 =	vmul.f32 v9, v9;
	v7 =	vsub.f32 v19, v7;
	[tilespmem:s20+$0x10800] =	vst.msk vm9, v5;
	s21 =	sadd.s32 s20, s21  }
0xf3: {  	v5 =	vsub.f32 v22, v6;
	v6 =	vmul.f32 v58, v58;
	[tilespmem:s21+$0x10800] =	vst.msk vm14, v4  }
0xf4: {  	v4 =	vsub.f32 v23, v10;
	v7 =	vmul.f32 v7, v7;
	[tilespmem:s21+$0x12880] =	vst.msk vm14, v9  }
0xf5: {  	v10 =	vsub.f32 v21, v11;
	v11 =	vmul.f32 v5, v5;
	[tilespmem:s20+$0x12880] =	vst.msk vm9, v6  }
0xf6: {  	v5 =	vsub.f32 v18, v12;
	v59 =	vmul.f32 v4, v4;
	[tilespmem:s19+$0x12880] =	vst.msk vm10, v7  }
0xf7: {  	v10 =	vmul.f32 v10, v10;
	[tilespmem:s18+$0x12880] =	vst.msk vm8, v11  }
0xf8: {  	v60 =	vmul.f32 v5, v5;
	[tilespmem:s17+$0x12880] =	vst.msk vm4, v59  }
0xf9: {  	s31 =	spop (v2sf);
	[tilespmem:s14+$0x12880] =	vst.msk vm15, v10  }
0xfa: {  	v8 =	vsel vm12, $0x0, v8;
	v4 =	vimm.f32 $-Inf;
	s14 =	sadd.s32 s21, s31;
	[tilespmem:s16+$0x12880] =	vst.msk vm3, v60  }
0xfb: {  	v8 =	vadd.f32 v8, v13;
	v5 =	vimm.f32 $0.0e+00;
	[tilespmem:s14+$0x10800] =	vst v4  }
0xfc: {  	v63 =	vsel vm11, $0x0, v60;
	[tilespmem:s14+$0x12880] =	vst v5  }
0xfd: {  	v8 =	vadd.f32 v63, v8;
	v61 =	vld [tilespmem:$0x10800]  }
0xfe: {  	v10 =	vsel vm13, $0x0, v10;
	v62 =	vld [tilespmem:$0x12880]  }
0xff: {  	v8 =	vadd.f32 v10, v8  }
0x100: {  	v10 =	vsel vm2, $0x0, v59  }
0x101: {  	v8 =	vadd.f32 v10, v8  }
0x102: {  	v10 =	vsel vm7, $0x0, v11  }
0x103: {  	(xrf1) =	vsort.dscd.msk.f32 $0xffff, v61, v62;
	v8 =	vadd.f32 v10, v8  }
0x104: {  	v7 =	vsel vm5, $0x0, v7  }
0x105: {  	v7 =	vadd.f32 v7, v8  }
0x106: {  	v6 =	vsel vm6, $0x0, v6  }
0x107: {  	v6 =	vadd.f32 v6, v7;
	v7 =	vld [tilespmem:$0x1FFE0];
	_ =	sdelay $0x4  }
0x108: {  	p0 =	slt.s32 s14, $0x11;
	vm15 =	vnez.u8 v7  }
.Ltmp6:
0x109: {  	v7 =	vsel vm15, $0x0, v9;
	(pc) =	sbr.rel @p0 .LBB2_19-.Ltmp6, $2  }
0x10a: {  	_ =	sdelay $0x2  }
0x10b: {  	v6 =	vadd.f32 v7, v6;
	v11, v7, _ =	vpop (xrf1)  }
0x10c: {  	p3 =	sgt.s32 s14, $0x20  }
.Ltmp7:
0x10d: {  	_ = 	snop;
	(pc) =	sbr.rel @!p3 .LBB2_11-.Ltmp7, $4  }
0x10e: {  	_ = 	snop  }
0x10f: {  	s16 =	simm.s32 $0x10810  }
0x110: {  	s17 =	simm.s32 $0x12890;
	v12 =	vld [tilespmem:s16+$0x0]  }
0x111: {  	p0 =	por $0x0, $0x0;
	p1 =	por $0x0, $0x0;
	p2 =	por $0x0, $0x0;
	v14 =	vld [tilespmem:s17+$0x0]  }
0x112: {  	_ =	sdelay $0x3  }
0x113: {  	(xrf1) =	vsort.ascd.msk.f32 $0xffff, v12, v14;
	_ =	sdelay $0x8  }
0x114: {  	p3 =	sgt.s32 s14, $0x30  }
.Ltmp8:
0x115: {  	_ = 	snop;
	(pc) =	sbr.rel @!p3 .LBB2_13-.Ltmp8, $4  }
0x116: {  	_ = 	snop  }
0x117: {  	s16 =	simm.s32 $0x10820  }
0x118: {  	s31 =	simm.s32 $0x128A0;
	v12 =	vld [tilespmem:s16+$0x0]  }
0x119: {  	p0 =	por $0x1, $0x1;
	v14 =	vld [tilespmem:s31+$0x0];
	v10, v13, _ =	vpop (xrf1)  }
0x11a: {  	_ =	sdelay $0x2  }
0x11b: {  	vm0 =	vge.f32 v11, v10  }
0x11c: {  	v8 =	vsel vm0, v11, v10;
	v9 =	vsel vm0, v7, v13;
	(xrf1) =	vsort.ascd.msk.f32 $0xffff, v12, v14  }
0x11d: {  	(xrf1) =	vsort.dscd.msk.f32 $0xffff, v8, v9;
	_ =	sdelay $0x8  }
0x11e: {  	p3 =	sgt.s32 s14, $0x40  }
.Ltmp9:
0x11f: {  	_ = 	snop;
	(pc) =	sbr.rel @!p3 .LBB2_15-.Ltmp9, $4  }
0x120: {  	v8 =	vsel vm0, v10, v11  }
0x121: {  	s16 =	simm.s32 $0x10830  }
0x122: {  	s31 =	simm.s32 $0x128B0;
	v7 =	vsel vm0, v13, v7;
	v12 =	vld [tilespmem:s16+$0x0];
	v10, v13, _ =	vpop (xrf1)  }
0x123: {  	p1 =	por $0x1, $0x1;
	v14 =	vld [tilespmem:s31+$0x0];
	(xrf1) =	vsort.ascd.msk.f32 $0xffff, v8, v7;
	v8, v9, _ =	vpop (xrf1)  }
0x124: {  	_ =	sdelay $0x3  }
0x125: {  	(xrf1) =	vsort.ascd.msk.f32 $0xffff, v12, v14;
	_ =	sdelay $0x5  }
0x126: {  	vm0 =	vge.f32 v8, v10  }
0x127: {  	v11 =	vsel vm0, v9, v13  }
0x128: {  	v7 =	vsel vm0, v8, v10;
	_ =	sdelay $0x2  }
0x129: {  	v10 =	vsel vm0, v10, v8;
	(xrf1) =	vsort.dscd.msk.f32 $0xffff, v7, v11;
	v7, v11, _ =	vpop (xrf1)  }
0x12a: {  	v12 =	vsel vm0, v13, v9;
	vm15 =	vge.f32 v4, v7  }
0x12b: {  	(xrf1) =	vsort.ascd.msk.f32 $0xffff, v10, v12;
	v7 =	vsel vm15, v4, v7;
	v11 =	vsel vm15, v5, v11  }
0x12c: {  	v10, v13, _ =	vpop (xrf1);
	(xrf1) =	vsort.dscd.msk.f32 $0xffff, v7, v11;
	_ =	sdelay $0x5  }
0x12d: {  	s17 =	simm.s32 $0x128C0  }
0x12e: {  	s16 =	simm.s32 $0x10840;
	p3 =	sgt.s32 s14, $0x50;
	v14 =	vld [tilespmem:s17+$0x0]  }
.Ltmp10:
0x12f: {  	v12 =	vld [tilespmem:s16+$0x0];
	(pc) =	sbr.rel @!p3 .LBB2_18-.Ltmp10, $2  }
0x130: {  	_ =	sdelay $0x2  }
0x131: {  	s18 =	simm.s32 $0x50;
	p2 =	por $0x1, $0x1;
	v11, v7, _ =	vpop (xrf1)  }
.LBB2_17:
0x132: {  	s18 =	sadd.s32 $0x10, s18;
	(xrf1) =	vsort.ascd.msk.f32 $0xffff, v12, v14;
	vm0 =	vge.f32 v11, v10;
	v12, v14, _ =	vpop (xrf1)  }
0x133: {  	p3 =	slt.s32 s18, s14;
	v15 =	vsel vm0, v11, v10;
	v16 =	vsel vm0, v7, v13;
	v7 =	vsel vm0, v13, v7;
	v13, v17, _ =	vpop (xrf1)  }
0x134: {  	v10 =	vsel vm0, v10, v11;
	(xrf1) =	vsort.dscd.msk.f32 $0xffff, v15, v16;
	vm0 =	vge.f32 v13, v12  }
0x135: {  	(xrf1) =	vsort.ascd.msk.f32 $0xffff, v10, v7;
	v7 =	vsel vm0, v13, v12;
	v10 =	vsel vm0, v17, v14  }
0x136: {  	(xrf1) =	vsort.dscd.msk.f32 $0xffff, v7, v10;
	_ =	sdelay $0x5  }
0x137: {  	s16 =	sadd.s32 $0x10, s16  }
0x138: {  	s17 =	sadd.s32 $0x10, s17;
	v12 =	vld [tilespmem:s16+$0x0]  }
.Ltmp11:
0x139: {  	v14 =	vld [tilespmem:s17+$0x0];
	(pc) =	sbr.rel @p3 .LBB2_17-.Ltmp11, $3  }
0x13a: {  	_ = 	snop  }
0x13b: {  	v10, v13, _ =	vpop (xrf1);
	_ =	sdelay $0x1  }
0x13c: {  	v11, v7, _ =	vpop (xrf1)  }
.LBB2_18:
0x13d: {  	vm0 =	vge.f32 @p0 v11, v10;
	v15, v16, _ =	vpop @p1 (xrf1)  }
0x13e: {  	(xrf1) =	vsort.ascd.msk.f32 $0xffff, v12, v14;
	v12 =	vsel @p0 vm0, v11, v10;
	v14 =	vsel @p0 vm0, v7, v13;
	v17, v18, _ =	vpop @p2 (xrf1)  }
0x13f: {  	v7 =	vsel @p0 vm0, v13, v7;
	(xrf1) =	vsort.dscd.msk.f32 @p0 $0xffff, v12, v14;
	v12 =	vpsel p2, v17, v4  }
0x140: {  	v10 =	vsel @p0 vm0, v10, v11;
	v11 =	vpsel p2, v18, v5;
	vm0 =	vge.f32 @p1 v12, v15  }
0x141: {  	(xrf1) =	vsort.ascd.msk.f32 @p0 $0xffff, v10, v7;
	v7 =	vsel @p1 vm0, v12, v15;
	v10 =	vsel @p1 vm0, v11, v16  }
0x142: {  	(xrf1) =	vsort.dscd.msk.f32 @p1 $0xffff, v7, v10;
	_ =	sdelay $0x9  }
0x143: {  	v7, v10, _ =	vpop (xrf1)  }
0x144: {  	v11, v12, _ =	vpop @p0 (xrf1)  }
0x145: {  	v8 =	vpsel p0, v11, v8  }
0x146: {  	v9 =	vpsel p0, v12, v9;
	v11, v12, _ =	vpop @p0 (xrf1);
	vm14 =	vge.f32 v8, v7  }
0x147: {  	v62 =	vsel vm14, v8, v7;
	v63 =	vsel vm14, v9, v10;
	v15, v16, _ =	vpop @p1 (xrf1)  }
0x148: {  	v9 =	vsel vm14, v10, v9;
	v7 =	vsel vm14, v7, v8;
	v8 =	vpsel p1, v15, v4  }
0x149: {  	(xrf1) =	vsort.dscd.msk.f32 $0xffff, v62, v63;
	v10 =	vpsel p1, v16, v5;
	vm0 =	vge.f32 @p0 v8, v11  }
0x14a: {  	(xrf1) =	vsort.ascd.msk.f32 $0xffff, v7, v9;
	v7 =	vsel @p0 vm0, v8, v11;
	v8 =	vsel @p0 vm0, v10, v12  }
0x14b: {  	(xrf1) =	vsort.dscd.msk.f32 @p0 $0xffff, v7, v8;
	_ =	sdelay $0xb  }
0x14c: {  	v8, v7, _ =	vpop (xrf1)  }
0x14d: {  	v8, v9, _ =	vpop (xrf1)  }
0x14e: {  	v10, v11, _ =	vpop @p0 (xrf1)  }
0x14f: {  	v4 =	vpsel p0, v10, v4  }
0x150: {  	v5 =	vpsel p0, v11, v5;
	vm15 =	vge.f32 v4, v8  }
0x151: {  	v4 =	vsel vm15, v4, v8;
	v5 =	vsel vm15, v5, v9  }
0x152: {  	(xrf1) =	vsort.dscd.msk.f32 $0xffff, v4, v5;
	_ =	sdelay $0xd  }
0x153: {  	v4, v5, _ =	vpop (xrf1)  }
.LBB2_19:
0x154: {  	s14 =	simm.s32 $0x10040  }
0x155: {  	[tilespmem:s14+$0xFFFFFFC0] =	vst v0  }
0x156: {  	[tilespmem:s14+$0x30] =	vst v0  }
0x157: {  	[tilespmem:s14+$0x20] =	vst v0  }
0x158: {  	[tilespmem:s14+$0x10] =	vst v0  }
0x159: {  	[tilespmem:s14+$0x0] =	vst v0  }
0x15a: {  	[tilespmem:s14+$0xFFFFFFF0] =	vst v0  }
0x15b: {  	s17 =	simm.s32 $0x0;
	[tilespmem:s14+$0xFFFFFFE0] =	vst v0  }
.LBB2_20:
0x15c: {  	s17 =	sadd.s32 $0x8, s17;
	[tilespmem:s14+$0xFFFFFFD0] =	vst v0;
	s14 =	sadd.s32 $0x80, s14;
	s16 =	simm.s32 $0xF0  }
0x15d: {  	[tilespmem:s14+$0xFFFFFFC0] =	vst v0;
	p0 =	slt.u32 s17, $0x78  }
0x15e: {  	[tilespmem:s14+$0x30] =	vst v0  }
.Ltmp12:
0x15f: {  	[tilespmem:s14+$0x20] =	vst v0;
	(pc) =	sbr.rel @p0 .LBB2_20-.Ltmp12, $4  }
0x160: {  	[tilespmem:s14+$0x10] =	vst v0  }
0x161: {  	[tilespmem:s14+$0x0] =	vst v0  }
0x162: {  	[tilespmem:s14+$0xFFFFFFF0] =	vst v0  }
0x163: {  	[tilespmem:s14+$0xFFFFFFE0] =	vst v0  }
0x164: {  	[tilespmem:s14+$0xFFFFFFD0] =	vst v0  }
0x165: {  	v4 =	vld [tilespmem:s16+$0x0]  }
0x166: {  	v8 =	vld [tilespmem:s16+$0xFFFFFFA0]  }
0x167: {  	v9 =	vld [tilespmem:s16+$0xFFFFFFB0]  }
0x168: {  	v10 =	vld [tilespmem:s16+$0xFFFFFFC0]  }
0x169: {  	v11 =	vld [tilespmem:s16+$0xFFFFFFD0]  }
0x16a: {  	v12 =	vld [tilespmem:s16+$0xFFFFFFE0]  }
0x16b: {  	v15 =	vld [tilespmem:s16+$0xFFFFFFF0]  }
0x16c: {  	v16 =	vld [tilespmem:s16+$0xFFFFFF90];
	_ =	sdelay $0x2  }
0x16d: {  	v13 =	vshra.s32 v4, $0x1F;
	v14 =	vshra.s32 v8, $0x1F;
	v17 =	vshra.s32 v9, $0x1F  }
0x16e: {  	v59 =	vshra.s32 v10, $0x1F;
	v60 =	vshra.s32 v11, $0x1F;
	v61 =	vshra.s32 v12, $0x1F  }
0x16f: {  	v62 =	vshra.s32 v15, $0x1F;
	v18 =	vshra.s32 v16, $0x1F;
	v13 =	vor.u32 $0x80000000, v13  }
0x170: {  	v14 =	vor.u32 $0x80000000, v14;
	v63 =	vor.u32 $0x80000000, v18;
	v4 =	vxor.u32 v4, v13  }
0x171: {  	v13 =	vor.u32 $0x80000000, v17;
	v8 =	vxor.u32 v8, v14;
	v4 =	vshrl.u32 v4, $0x15  }
0x172: {  	v14 =	vor.u32 $0x80000000, v59;
	v9 =	vxor.u32 v9, v13;
	v13 =	vor.u32 $0x80000000, v60  }
0x173: {  	v14 =	vxor.u32 v10, v14;
	v10 =	vor.u32 $0x80000000, v61;
	v19 =	vxor.u32 v11, v13  }
0x174: {  	v11 =	vor.u32 $0x80000000, v62;
	v13 =	vxor.u32 v12, v10;
	v10 =	vshrl.u32 v8, $0x15  }
0x175: {  	v8 =	vshrl.u32 v9, $0x15;
	v12 =	vxor.u32 v15, v11;
	v11 =	vxor.u32 v16, v63  }
0x176: {  	s14 =	simm.s32 $0x0;
	s16 =	simm.s32 $0x2F0;
	v9 =	vshrl.u32 v14, $0x15;
	v11 =	vshrl.u32 v11, $0x15;
	[tilespmem:v4+s11+$0x0] =	vst.idx.add.s32.msk $0xffff, v1;
	v4 =	vshrl.u32 v19, $0x15  }
.LBB2_22:
0x177: {  	v14 =	vld [tilespmem:s16+$0x0];
	s14 =	sadd.s32 $0x8, s14;
	v15 =	vshrl.u32 v13, $0x15;
	v16 =	vshrl.u32 v12, $0x15  }
0x178: {  	v12 =	vld [tilespmem:s16+$0xFFFFFFA0];
	p0 =	slt.u32 s14, $0x1F8  }
0x179: {  	v13 =	vld [tilespmem:s16+$0xFFFFFFB0]  }
0x17a: {  	v17 =	vld [tilespmem:s16+$0xFFFFFFC0]  }
0x17b: {  	v18 =	vld [tilespmem:s16+$0xFFFFFFD0]  }
0x17c: {  	v19 =	vld [tilespmem:s16+$0xFFFFFFE0];
	v20 =	vshra.s32 v14, $0x1F  }
0x17d: {  	v21 =	vshra.s32 v12, $0x1F;
	v22 =	vld [tilespmem:s16+$0xFFFFFFF0];
	v20 =	vor.u32 $0x80000000, v20  }
0x17e: {  	v23 =	vld [tilespmem:s16+$0xFFFFFF90];
	v21 =	vor.u32 $0x80000000, v21;
	v24 =	vshra.s32 v13, $0x1F;
	v14 =	vxor.u32 v14, v20  }
0x17f: {  	v20 =	vor.u32 $0x80000000, v24;
	v24 =	vshra.s32 v17, $0x1F;
	v14 =	vshrl.u32 v14, $0x15;
	[tilespmem:v11+s11+$0x0] =	vst.idx.add.s32.msk $0xffff, v1  }
0x180: {  	v11 =	vxor.u32 v12, v21;
	v12 =	vor.u32 $0x80000000, v24;
	v21 =	vshra.s32 v18, $0x1F;
	[tilespmem:v10+s11+$0x0] =	vst.idx.add.s32.msk $0xffff, v1  }
0x181: {  	v20 =	vxor.u32 v13, v20;
	v10 =	vor.u32 $0x80000000, v21;
	v13 =	vshra.s32 v19, $0x1F;
	[tilespmem:v8+s11+$0x0] =	vst.idx.add.s32.msk $0xffff, v1  }
.Ltmp13:
0x182: {  	v17 =	vxor.u32 v17, v12;
	v8 =	vor.u32 $0x80000000, v13;
	v12 =	vshra.s32 v22, $0x1F;
	[tilespmem:v9+s11+$0x0] =	vst.idx.add.s32.msk $0xffff, v1;
	(pc) =	sbr.rel @p0 .LBB2_22-.Ltmp13, $4  }
0x183: {  	v18 =	vxor.u32 v18, v10;
	v9 =	vshra.s32 v23, $0x1F;
	v10 =	vor.u32 $0x80000000, v12;
	[tilespmem:v4+s11+$0x0] =	vst.idx.add.s32.msk $0xffff, v1  }
0x184: {  	s18 =	simm.s32 $0x0;
	s17 =	simm.s32 $0x7FF;
	s19 =	simm.s32 $0x107F0;
	v13 =	vxor.u32 v19, v8;
	v4 =	vor.u32 $0x80000000, v9;
	v12 =	vxor.u32 v22, v10;
	[tilespmem:v14+s11+$0x0] =	vst.idx.add.s32.msk $0xffff, v1  }
0x185: {  	v8 =	vshrl.u32 v20, $0x15;
	v10 =	vshrl.u32 v11, $0x15;
	v4 =	vxor.u32 v23, v4;
	[tilespmem:v15+s11+$0x0] =	vst.idx.add.s32.msk $0xffff, v1  }
0x186: {  	s16 =	sadd.s32 $0x200, s16;
	v9 =	vshrl.u32 v17, $0x15;
	v11 =	vshrl.u32 v4, $0x15;
	v4 =	vshrl.u32 v18, $0x15;
	[tilespmem:v16+s11+$0x0] =	vst.idx.add.s32.msk $0xffff, v1  }
0x187: {  	_ =	sdelay $0x3  }
0x188: {  	v13 =	vshrl.u32 v13, $0x15;
	[tilespmem:v11+s11+$0x0] =	vst.idx.add.s32.msk $0xffff, v1  }
0x189: {  	v63 =	vshrl.u32 v12, $0x15;
	[tilespmem:v10+s11+$0x0] =	vst.idx.add.s32.msk $0xffff, v1  }
0x18a: {  	[tilespmem:v8+s11+$0x0] =	vst.idx.add.s32.msk $0xffff, v1  }
0x18b: {  	[tilespmem:v9+s11+$0x0] =	vst.idx.add.s32.msk $0xffff, v1  }
0x18c: {  	[tilespmem:v4+s11+$0x0] =	vst.idx.add.s32.msk $0xffff, v1  }
0x18d: {  	[tilespmem:v13+s11+$0x0] =	vst.idx.add.s32.msk $0xffff, v1  }
0x18e: {  	[tilespmem:v63+s11+$0x0] =	vst.idx.add.s32.msk $0xffff, v1  }
.LBB2_24:
0x18f: {  	v4 =	vld [tilespmem:s19+$0x0];
	_ =	sdelay $0x4  }
0x190: {  	(xrf0) =	vadd.scan.msk.s32 $0xffff, v4;
	_ =	sdelay $0x5  }
0x191: {  	v8, _, _ =	vpop (xrf0)  }
0x192: {  	v9 =	vxor.u32 $0x80000000, v8  }
0x193: {  	(xrf0) =	vmax.scan.msk.u32 $0xffff, v9;
	_ =	sdelay $0x5  }
0x194: {  	v9, _, _ =	vpop (xrf0)  }
0x195: {  	(v2sf) =	vpush v9, $0xF;
	_ =	sdelay $0xe  }
0x196: {  	s14 =	spop (v2sf)  }
0x197: {  	s14 =	sadd.s32 s14, s18  }
0x198: {  	s18 =	sadd.s32 $0x80000000, s14  }
0x199: {  	v8 =	vsub.s32 s18, v8  }
0x19a: {  	v8 =	vadd.s32 v4, v8  }
0x19b: {  	vm0 =	vgt.s32 v8, $0x1F  }
0x19c: {  	v9 =	vmpcnt.ones.xlane vm0;
	_ =	sdelay $0x1  }
0x19d: {  	(v2sf) =	vpush v9, $0x0;
	_ =	sdelay $0xe  }
0x19e: {  	s14 =	spop (v2sf)  }
0x19f: {  	p0 =	slt.s32 s14, $0x1  }
.Ltmp14:
0x1a0: {  	_ = 	snop;
	(pc) =	sbr.rel @p0 .LBB2_24-.Ltmp14, $2  }
0x1a1: {  	_ =	sdelay $0x2  }
0x1a2: {  	s17 =	sadd.s32 $0xFFFFFFF0, s17;
	s19 =	sadd.s32 $0xFFFFFFF0, s19  }
0x1a3: {  	s16 =	sadd.s32 $0xFFFFFFFF, s14  }
0x1a4: {  	v9 =	vmov s16  }
0x1a5: {  	v8 =	vxor.u32 $0x80000000, v8;
	vm0 =	veq.s32 v9, v2  }
0x1a6: {  	v4 =	vxor.u32 $0x80000000, v4;
	v8 =	vnsel vm0, $0x80000000, v8  }
0x1a7: {  	v4 =	vnsel vm0, $0x80000000, v4;
	(xrf0) =	vmax.scan.msk.u32 $0xffff, v8  }
0x1a8: {  	(xrf0) =	vmax.scan.msk.u32 $0xffff, v4;
	_ =	sdelay $0x1  }
0x1a9: {  	s18 =	simm.s32 $0x80F0  }
0x1aa: {  	s28 =	sadd.s32 s17, s14;
	s16 =	simm.s32 $0xF0;
	v17 =	vld [tilespmem:s18+$0xFFFFFF90]  }
0x1ab: {  	s14 =	sshll.u32 s28, $0x15;
	v4 =	vld [tilespmem:s16+$0x0]  }
0x1ac: {  	v19 =	vld [tilespmem:s16+$0xFFFFFF90];
	v12 =	vmov s14;
	v11, _, _ =	vpop (xrf0)  }
0x1ad: {  	s29 =	sadd.s32 $0x200000, s14;
	vm0 =	vgt.s32 v12, $0xFFFFFFFF;
	v8 =	vld [tilespmem:s16+$0xFFFFFFF0];
	(v2sf) =	vpush v11, $0xF;
	v11, _, _ =	vpop (xrf0)  }
0x1ae: {  	v10 =	vld [tilespmem:s16+$0xFFFFFFE0];
	v13 =	vmov s29;
	(v2sf) =	vpush v11, $0xF;
	v11 =	vsel vm0, $0xFFFFFFFF, v3  }
0x1af: {  	v9 =	vld [tilespmem:s16+$0xFFFFFFD0];
	vm1 =	vgt.s32 v13, $0xFFFFFFFF;
	v11 =	vxor.u32 s14, v11  }
0x1b0: {  	v18 =	vimm.s32 $0x0;
	v16 =	vld [tilespmem:s16+$0xFFFFFFB0];
	v12 =	vsel vm1, $0xFFFFFFFF, v3;
	vm0 =	vge.f32 v4, v11  }
0x1b1: {  	v15 =	vld [tilespmem:s16+$0xFFFFFFA0];
	v12 =	vxor.u32 s29, v12;
	v18 =	vsel vm0, $0xFFFFFFFF, v18  }
0x1b2: {  	v13 =	vld [tilespmem:s16+$0xFFFFFFC0];
	vm12 =	vge.f32 v19, v12;
	vm0 =	vge.f32 v8, v11;
	[tilespmem:$0x1FF20] =	vst v18;
	v18 =	vimm.s32 $0x0  }
0x1b3: {  	vm3 =	vge.f32 v10, v12;
	vm12 =	vmneg vm12;
	v18 =	vsel vm0, $0xFFFFFFFF, v18  }
0x1b4: {  	vm1 =	vge.f32 v8, v12;
	vm0 =	vge.f32 v10, v11;
	[tilespmem:$0x1FF00] =	vst v18;
	v18 =	vimm.s32 $0x0  }
0x1b5: {  	vm5 =	vmneg vm3;
	vm3 =	vmneg vm1;
	v18 =	vsel vm0, $0xFFFFFFFF, v18  }
0x1b6: {  	vm11 =	vge.f32 v19, v11;
	vm0 =	vge.f32 v4, v12;
	[tilespmem:$0x1FEF0] =	vst v18;
	v18 =	vimm.s32 $0x0  }
0x1b7: {  	vm6 =	vmneg vm0;
	vm0 =	vmand vm11, vm12;
	v18 =	vsel vm3, $0xFFFFFFFF, v18  }
0x1b8: {  	vm14 =	vge.f32 v16, v12;
	vm15 =	vge.f32 v15, v12;
	[tilespmem:$0x1FEE0] =	vst v18;
	v18 =	vmpcnt.ones.xlane vm0  }
0x1b9: {  	vm2 =	vmneg vm15;
	vm9 =	vge.f32 v16, v11;
	vm13 =	vge.f32 v15, v11  }
0x1ba: {  	vm11 =	vmand vm13, vm2;
	vm13 =	vmneg vm14;
	(v2sf) =	vpush v18, $0x0  }
0x1bb: {  	vm8 =	vge.f32 v9, v12;
	v22 =	vmpcnt.ones.xlane vm11;
	vm1 =	vmand vm9, vm13;
	v25 =	vld [tilespmem:$0x1FEF0]  }
0x1bc: {  	vm8 =	vmneg vm8;
	v24 =	vmpcnt.ones.xlane vm1  }
0x1bd: {  	vm10 =	vge.f32 v13, v12;
	vm7 =	vge.f32 v13, v11;
	(v2sf) =	vpush v22, $0x0  }
0x1be: {  	vm9 =	vmmov vm8;
	vm8 =	vmneg vm10;
	s30 =	spop (v2sf);
	(v2sf) =	vpush v24, $0x0;
	v24 =	vld [tilespmem:$0x1FF00]  }
0x1bf: {  	v28 =	vimm.s32 $0x0;
	vm4 =	vge.f32 v9, v11;
	v63 =	vld [tilespmem:$0x1FF20];
	vm15 =	vmand vm7, vm8  }
0x1c0: {  	vm7 =	vmand vm4, vm9;
	v23 =	vld [tilespmem:s18+$0x0];
	v18 =	vmpcnt.ones.xlane vm15;
	vm4 =	vnez.u8 v25  }
0x1c1: {  	v14 =	vimm.f32 $0.0e+00;
	v28 =	vsel vm6, $0xFFFFFFFF, v28;
	v21 =	vld [tilespmem:s18+$0xFFFFFFF0];
	vm10 =	vmand vm4, vm5  }
0x1c2: {  	v20 =	vld [tilespmem:s18+$0xFFFFFFA0];
	v26 =	vmpcnt.ones.xlane vm7;
	s31 =	spop (v2sf);
	(v2sf) =	vpush v18, $0x0;
	vm4 =	vmmov vm10  }
0x1c3: {  	v22 =	vld [tilespmem:s18+$0xFFFFFFE0];
	v27 =	vmpcnt.ones.xlane vm10;
	vm10 =	vmmov vm2;
	vm2 =	vnez.u8 v24  }
0x1c4: {  	v25 =	vld [tilespmem:s18+$0xFFFFFFB0];
	(v2sf) =	vpush v26, $0x0;
	vm2 =	vmand vm2, vm3;
	vm3 =	vnez.u8 v63  }
0x1c5: {  	s19 =	simm.s32 $0x0;
	v17 =	vsub.f32 v17, v19;
	s14 =	sxor.u32 $0x80000000, s30;
	s17 =	sxor.u32 $0x80000000, s31;
	(v2sf) =	vpush v27, $0x0;
	v24 =	vld [tilespmem:s18+$0xFFFFFFD0];
	[tilespmem:$0x1FF10] =	vst v28;
	vm14 =	vmand vm3, vm6  }
0x1c6: {  	s14 =	ssub.s32 s17, s14;
	s17 =	simm.s32 $0x0;
	[tilespmem:s19+$0x10800] =	vst.msk vm0, v19;
	v26 =	vld [tilespmem:s18+$0xFFFFFFC0];
	s18 =	simm.s32 $0x82F0;
	v18 =	vmpcnt.ones.xlane vm2;
	vm3 =	vmmov vm11;
	v19 =	vmpcnt.ones.xlane vm14  }
.LBB2_26:
0x1c7: {  	v27 =	vimm.s32 $0x0;
	s16 =	sadd.s32 $0x200, s16  }
0x1c8: {  	v17 =	vmul.f32 v17, v17;
	v20 =	vsub.f32 v20, v15;
	vm11 =	vmmov vm1;
	v28 =	vld [tilespmem:s16+$0x0]  }
0x1c9: {  	v32 =	vimm.s32 $0x0;
	v58 =	vimm.s32 $0x0;
	s20 =	spop (v2sf);
	v27 =	vsel vm3, $0xFFFFFFFF, v27;
	v60 =	vld [tilespmem:s16+$0xFFFFFFA0]  }
0x1ca: {  	v33 =	vimm.s32 $0x0;
	(v2sf) =	vpush v18, $0x0;
	v18 =	vimm.s32 $0x0;
	s20 =	sadd.s32 s19, s20;
	[tilespmem:$0x1FEB0] =	vst v27;
	v27 =	vld [tilespmem:s18+$0xFFFFFF90]  }
0x1cb: {  	(v2sf) =	vpush v19, $0x0;
	v18 =	vsel vm11, $0xFFFFFFFF, v18;
	v19 =	vmul.f32 v20, v20;
	v20 =	vld [tilespmem:s16+$0xFFFFFFF0];
	[tilespmem:s20+$0x10800] =	vst.msk vm3, v15  }
0x1cc: {  	v61 =	vimm.s32 $0x0;
	v34 =	vimm.s32 $0x0;
	v29 =	vsel vm12, $0x0, v17;
	[tilespmem:$0x1FE90] =	vst v18;
	v18 =	vld [tilespmem:s16+$0xFFFFFF90]  }
0x1cd: {  	v15 =	vimm.s32 $0x0;
	[tilespmem:s19+$0x12880] =	vst.msk vm0, v17;
	v14 =	vadd.f32 v29, v14;
	v17 =	vsub.f32 v25, v16;
	v25 =	vld [tilespmem:s16+$0xFFFFFFE0]  }
0x1ce: {  	v21 =	vsub.f32 v21, v8;
	v55 =	vsel vm10, $0x0, v19;
	v22 =	vsub.f32 v22, v10  }
0x1cf: {  	v30 =	vmul.f32 v17, v17;
	v17 =	vsub.f32 v26, v13;
	vm0 =	vge.f32 v28, v11  }
0x1d0: {  	v24 =	vsub.f32 v24, v9;
	v14 =	vadd.f32 v55, v14;
	v26 =	vld [tilespmem:s16+$0xFFFFFFD0];
	v32 =	vsel vm0, $0xFFFFFFFF, v32  }
0x1d1: {  	s24 =	spop (v2sf);
	vm0 =	vge.f32 v20, v11;
	v31 =	vmul.f32 v17, v17;
	v17 =	vsub.f32 v27, v18;
	v27 =	vld [tilespmem:s16+$0xFFFFFFC0]  }
0x1d2: {  	s21 =	sadd.s32 s20, s24;
	s25 =	spop (v2sf);
	v56 =	vsel vm13, $0x0, v30;
	[tilespmem:$0x1FED0] =	vst v32;
	v32 =	vsel vm0, $0xFFFFFFFF, v58;
	vm0 =	vge.f32 v25, v11  }
0x1d3: {  	s22 =	sadd.s32 s21, s25;
	v24 =	vmul.f32 v24, v24;
	v14 =	vadd.f32 v56, v14;
	v33 =	vsel vm0, $0xFFFFFFFF, v33;
	s26 =	spop (v2sf)  }
0x1d4: {  	v22 =	vmul.f32 v22, v22;
	vm1 =	vge.f32 v20, v12;
	v59 =	vsel vm8, $0x0, v31;
	[tilespmem:$0x1FEA0] =	vst v33;
	s23 =	sadd.s32 s22, s26;
	s28 =	spop (v2sf)  }
0x1d5: {  	v14 =	vadd.f32 v59, v14;
	v33 =	vsel vm1, $0xFFFFFFFF, v61;
	vm1 =	vge.f32 v26, v11;
	[tilespmem:s23+$0x10800] =	vst.msk vm7, v9;
	s24 =	sadd.s32 s23, s28;
	v9 =	vld [tilespmem:$0x1FEE0];
	s29 =	spop (v2sf)  }
0x1d6: {  	v57 =	vld [tilespmem:s16+$0xFFFFFFB0];
	[tilespmem:s21+$0x10800] =	vst.msk vm11, v16;
	v62 =	vsel vm9, $0x0, v24;
	v34 =	vsel vm1, $0xFFFFFFFF, v34;
	vm1 =	vge.f32 v27, v11;
	s25 =	sadd.s32 s24, s29  }
0x1d7: {  	v14 =	vadd.f32 v62, v14;
	v15 =	vsel vm1, $0xFFFFFFFF, v15;
	[tilespmem:s25+$0x10800] =	vst.msk vm2, v8;
	v8 =	vld [tilespmem:$0x1FF10]  }
0x1d8: {  	v23 =	vsub.f32 v23, v4;
	v16 =	vmul.f32 v21, v21;
	[tilespmem:$0x1FE70] =	vst v15;
	v15 =	vsel vm5, $0x0, v22  }
0x1d9: {  	[tilespmem:s22+$0x10800] =	vst.msk vm15, v13;
	vm3 =	vge.f32 v27, v12;
	v13 =	vadd.f32 v15, v14;
	v14 =	vimm.s32 $0x0  }
0x1da: {  	v14 =	vsel vm3, $0xFFFFFFFF, v14;
	vm3 =	vnez.u8 v9  }
0x1db: {  	v15 =	vmul.f32 v23, v23;
	[tilespmem:$0x1FE60] =	vst v14;
	v14 =	vsel vm3, $0x0, v16  }
0x1dc: {  	[tilespmem:s24+$0x10800] =	vst.msk vm4, v10;
	v10 =	vadd.f32 v14, v13;
	vm3 =	vnez.u8 v8  }
0x1dd: {  	[tilespmem:$0x1FE50] =	vst v33;
	v21 =	vsel vm3, $0x0, v15  }
0x1de: {  	vm10 =	vge.f32 v60, v12;
	v14 =	vadd.f32 v21, v10;
	v10 =	vld [tilespmem:$0x1FE50]  }
0x1df: {  	vm10 =	vmneg vm10;
	vm9 =	vmmov vm15  }
0x1e0: {  	vm15 =	vge.f32 v60, v11;
	vm11 =	vge.f32 v18, v11;
	vm12 =	vge.f32 v18, v12  }
0x1e1: {  	vm6 =	vge.f32 v25, v12;
	vm12 =	vmneg vm12;
	vm0 =	vge.f32 v28, v12;
	s30 =	spop (v2sf)  }
0x1e2: {  	vm8 =	vge.f32 v57, v12;
	vm13 =	vge.f32 v26, v12;
	vm1 =	vge.f32 v57, v11;
	s26 =	sadd.s32 s25, s30  }
0x1e3: {  	vm5 =	vmneg vm6;
	[tilespmem:s26+$0x10800] =	vst.msk vm14, v4;
	vm3 =	vmneg vm0;
	vm0 =	vnez.u8 v10  }
0x1e4: {  	[tilespmem:s26+$0x12880] =	vst.msk vm14, v15;
	vm14 =	vmneg vm13;
	vm6 =	vmneg vm0;
	vm0 =	vmand vm11, vm12  }
0x1e5: {  	[tilespmem:$0x1FE80] =	vst v34;
	vm13 =	vmneg vm8;
	v8 =	vmovc v20;
	vm11 =	vmand vm15, vm10;
	v20 =	vmpcnt.ones.xlane vm0  }
0x1e6: {  	[tilespmem:s24+$0x12880] =	vst.msk vm4, v22;
	vm1 =	vmand vm1, vm13;
	v21 =	vld [tilespmem:$0x1FE60];
	v22 =	vmpcnt.ones.xlane vm11  }
0x1e7: {  	[tilespmem:s23+$0x12880] =	vst.msk vm7, v24;
	s31 =	spop (v2sf);
	v24 =	vmpcnt.ones.xlane vm1;
	v10 =	vmov v25;
	v25 =	vld [tilespmem:$0x1FE80];
	(v2sf) =	vpush v20, $0x0  }
0x1e8: {  	v20 =	vld [tilespmem:$0x1FE70];
	(v2sf) =	vpush v22, $0x0  }
0x1e9: {  	(v2sf) =	vpush v24, $0x0;
	v24 =	vld [tilespmem:$0x1FEB0];
	_ =	sdelay $0x2  }
0x1ea: {  	[tilespmem:s25+$0x12880] =	vst.msk vm2, v16;
	s19 =	sadd.s32 s26, s31;
	vm2 =	vnez.u8 v21  }
0x1eb: {  	vm8 =	vmneg vm2;
	[tilespmem:s19+$0x10800] =	vst.msk vm0, v18;
	v18 =	vimm.s32 $0x0;
	v22 =	vld [tilespmem:$0x1FE90];
	vm2 =	vnez.u8 v20  }
0x1ec: {  	[tilespmem:$0x1FEC0] =	vst v32;
	vm15 =	vmand vm2, vm8;
	vm2 =	vnez.u8 v25;
	v25 =	vld [tilespmem:$0x1FEA0];
	vm4 =	vnez.u8 v24  }
0x1ed: {  	v18 =	vsel vm6, $0xFFFFFFFF, v18;
	v20 =	vld [tilespmem:s18+$0xFFFFFFA0];
	[tilespmem:s20+$0x12880] =	vst.msk vm4, v19;
	v19 =	vimm.s32 $0x0  }
0x1ee: {  	[tilespmem:$0x1FEE0] =	vst v18;
	v18 =	vld [tilespmem:$0x1FEC0];
	v19 =	vsel vm3, $0xFFFFFFFF, v19  }
0x1ef: {  	[tilespmem:$0x1FF10] =	vst v19;
	v19 =	vld [tilespmem:$0x1FED0]  }
0x1f0: {  	s17 =	sadd.s32 $0x8, s17;
	[tilespmem:s22+$0x12880] =	vst.msk vm9, v31;
	vm7 =	vmand vm2, vm14;
	vm2 =	vnez.u8 v22  }
0x1f1: {  	p0 =	slt.u32 s17, $0x1F8;
	v23 =	vld [tilespmem:s18+$0x0];
	vm9 =	vmmov vm14;
	[tilespmem:s21+$0x12880] =	vst.msk vm2, v30;
	vm2 =	vnez.u8 v25  }
.Ltmp15:
0x1f2: {  	v9 =	vmovc v26;
	v13 =	vmovc v27;
	v21 =	vld [tilespmem:s18+$0xFFFFFFF0];
	v26 =	vmpcnt.ones.xlane vm15;
	v27 =	vmpcnt.ones.xlane vm7;
	vm2 =	vmand vm2, vm5;
	(pc) =	sbr.rel @p0 .LBB2_26-.Ltmp15, $4  }
0x1f3: {  	v22 =	vld [tilespmem:s18+$0xFFFFFFE0];
	vm4 =	vmmov vm2;
	v63 =	vmpcnt.ones.xlane vm2;
	vm2 =	vnez.u8 v18  }
0x1f4: {  	v24 =	vld [tilespmem:s18+$0xFFFFFFD0];
	(v2sf) =	vpush v26, $0x0;
	vm2 =	vmand vm2, vm6;
	vm6 =	vnez.u8 v19  }
0x1f5: {  	v4 =	vmovc v28;
	v26 =	vld [tilespmem:s18+$0xFFFFFFC0];
	(v2sf) =	vpush v27, $0x0;
	v18 =	vmpcnt.ones.xlane vm2;
	vm14 =	vmand vm6, vm3  }
0x1f6: {  	v16 =	vmovc v57;
	v15 =	vmovc v60;
	v25 =	vld [tilespmem:s18+$0xFFFFFFB0];
	s18 =	sadd.s32 $0x200, s18;
	(v2sf) =	vpush v63, $0x0;
	vm3 =	vmmov vm11;
	v19 =	vmpcnt.ones.xlane vm14  }
0x1f7: {  	(v2sf) =	vpush v18, $0x0;
	_ =	sdelay $0x4  }
0x1f8: {  	s16 =	spop (v2sf)  }
0x1f9: {  	s16 =	sadd.s32 s19, s16;
	s17 =	spop (v2sf)  }
0x1fa: {  	(v2sf) =	vpush v19, $0x0;
	s17 =	sadd.s32 s16, s17;
	s18 =	spop (v2sf)  }
0x1fb: {  	v11 =	vmul.f32 v17, v17;
	s18 =	sadd.s32 s17, s18  }
0x1fc: {  	[tilespmem:s18+$0x10800] =	vst.msk vm15, v13;
	v13 =	vsub.f32 v26, v13  }
0x1fd: {  	[tilespmem:s19+$0x12880] =	vst.msk vm0, v11  }
0x1fe: {  	vm0 =	vmmov vm1;
	[tilespmem:s16+$0x10800] =	vst.msk vm3, v15;
	v13 =	vmul.f32 v13, v13  }
0x1ff: {  	[tilespmem:s17+$0x10800] =	vst.msk vm0, v16;
	s30 =	spop (v2sf)  }
0x200: {  	v58 =	vsub.f32 v22, v10;
	[tilespmem:s18+$0x12880] =	vst.msk vm15, v13;
	s19 =	sadd.s32 s18, s30;
	s20 =	spop (v2sf)  }
0x201: {  	v12 =	vsub.f32 v23, v4;
	[tilespmem:s19+$0x10800] =	vst.msk vm7, v9;
	s20 =	sadd.s32 s19, s20;
	s21 =	spop (v2sf)  }
0x202: {  	v57 =	vsub.f32 v21, v8;
	s15 =	sadd.s32 $0x20, s15;
	v59 =	vmul.f32 v58, v58;
	v56 =	vsub.f32 v25, v16;
	[tilespmem:s20+$0x10800] =	vst.msk vm4, v10;
	s21 =	sadd.s32 s20, s21;
	s22 =	spop (v2sf)  }
0x203: {  	v9 =	vsub.f32 v24, v9;
	v10 =	vmul.f32 v12, v12;
	[tilespmem:s21+$0x10800] =	vst.msk vm2, v8;
	s22 =	sadd.s32 s21, s22;
	v8 =	vmov s15  }
0x204: {  	v12 =	vmul.f32 v57, v57;
	[tilespmem:s22+$0x10800] =	vst.msk vm14, v4;
	vm6 =	vgt.s32 v8, v2;
	v4 =	vor.u32 $0x10, v2  }
0x205: {  	v9 =	vmul.f32 v9, v9;
	[tilespmem:s20+$0x12880] =	vst.msk vm4, v59;
	v7 =	vnsel vm6, $0x0, v7;
	vm11 =	vgt.s32 v8, v4  }
0x206: {  	[tilespmem:s21+$0x12880] =	vst.msk vm2, v12;
	(xrf2) =	vadd.scan.msk.f32 $0xffff, v7;
	v5 =	vnsel vm11, $0x0, v5;
	v7 =	vsub.f32 v20, v15  }
0x207: {  	[tilespmem:s22+$0x12880] =	vst.msk vm14, v10;
	v15 =	vmul.f32 v56, v56;
	(xrf2) =	vadd.scan.msk.f32 $0xffff, v5  }
0x208: {  	[tilespmem:s19+$0x12880] =	vst.msk vm7, v9;
	(xrf2) =	vadd.scan.msk.f32 $0xffff, v6;
	v6 =	vmul.f32 v7, v7  }
0x209: {  	s31 =	spop (v2sf);
	[tilespmem:s17+$0x12880] =	vst.msk vm0, v15  }
0x20a: {  	s18 =	sadd.s32 s22, s31;
	v8 =	vimm.f32 $-Inf;
	[tilespmem:s16+$0x12880] =	vst.msk vm3, v6  }
0x20b: {  	v5 =	vimm.f32 $0.0e+00;
	[tilespmem:s18+$0x10800] =	vst v8  }
0x20c: {  	[tilespmem:s18+$0x12880] =	vst v5  }
0x20d: {  	v7 =	vld [tilespmem:$0x10800]  }
0x20e: {  	v60 =	vld [tilespmem:$0x12880]  }
0x20f: {  	v11 =	vsel vm12, $0x0, v11  }
0x210: {  	v11 =	vadd.f32 v11, v14  }
0x211: {  	v6 =	vsel vm10, $0x0, v6  }
0x212: {  	v6 =	vadd.f32 v6, v11  }
0x213: {  	(xrf1) =	vsort.dscd.msk.f32 $0xffff, v7, v60;
	v7 =	vsel vm13, $0x0, v15  }
0x214: {  	v6 =	vadd.f32 v7, v6  }
0x215: {  	v7 =	vsel vm8, $0x0, v13  }
0x216: {  	v6 =	vadd.f32 v7, v6  }
0x217: {  	v7 =	vsel vm9, $0x0, v9  }
0x218: {  	v6 =	vadd.f32 v7, v6  }
0x219: {  	v61, _, _ =	vpop (xrf2);
	v7 =	vsel vm5, $0x0, v59  }
0x21a: {  	v62, _, _ =	vpop (xrf2);
	(v2sf) =	vpush v61, $0xF;
	v6 =	vadd.f32 v7, v6;
	v7 =	vld [tilespmem:$0x1FEE0]  }
0x21b: {  	(v2sf) =	vpush v62, $0xF;
	v63, _, _ =	vpop (xrf2)  }
0x21c: {  	(v2sf) =	vpush v63, $0xF;
	_ =	sdelay $0x2  }
0x21d: {  	vm14 =	vnez.u8 v7  }
0x21e: {  	v7 =	vsel vm14, $0x0, v12  }
0x21f: {  	v6 =	vadd.f32 v7, v6;
	v7 =	vld [tilespmem:$0x1FF10];
	_ =	sdelay $0x4  }
0x220: {  	p0 =	slt.s32 s18, $0x11;
	vm15 =	vnez.u8 v7  }
.Ltmp16:
0x221: {  	v7 =	vsel vm15, $0x0, v10;
	(pc) =	sbr.rel @p0 .LBB2_37-.Ltmp16, $4  }
0x222: {  	_ = 	snop  }
0x223: {  	s15 =	spop (v2sf)  }
0x224: {  	s16 =	spop (v2sf)  }
0x225: {  	s17 =	spop (v2sf);
	v6 =	vadd.f32 v7, v6;
	v12, v7, _ =	vpop (xrf1)  }
0x226: {  	p3 =	sgt.s32 s18, $0x20  }
.Ltmp17:
0x227: {  	_ = 	snop;
	(pc) =	sbr.rel @!p3 .LBB2_29-.Ltmp17, $4  }
0x228: {  	_ = 	snop  }
0x229: {  	s19 =	simm.s32 $0x10810  }
0x22a: {  	s20 =	simm.s32 $0x12890;
	v13 =	vld [tilespmem:s19+$0x0]  }
0x22b: {  	p0 =	por $0x0, $0x0;
	p1 =	por $0x0, $0x0;
	p2 =	por $0x0, $0x0;
	v15 =	vld [tilespmem:s20+$0x0]  }
0x22c: {  	_ =	sdelay $0x3  }
0x22d: {  	(xrf1) =	vsort.ascd.msk.f32 $0xffff, v13, v15;
	_ =	sdelay $0x8  }
0x22e: {  	p3 =	sgt.s32 s18, $0x30  }
.Ltmp18:
0x22f: {  	_ = 	snop;
	(pc) =	sbr.rel @!p3 .LBB2_31-.Ltmp18, $4  }
0x230: {  	_ = 	snop  }
0x231: {  	s19 =	simm.s32 $0x10820  }
0x232: {  	s31 =	simm.s32 $0x128A0;
	v13 =	vld [tilespmem:s19+$0x0]  }
0x233: {  	p0 =	por $0x1, $0x1;
	v15 =	vld [tilespmem:s31+$0x0];
	v11, v14, _ =	vpop (xrf1)  }
0x234: {  	_ =	sdelay $0x2  }
0x235: {  	vm0 =	vge.f32 v12, v11  }
0x236: {  	v9 =	vsel vm0, v12, v11;
	v10 =	vsel vm0, v7, v14;
	(xrf1) =	vsort.ascd.msk.f32 $0xffff, v13, v15  }
0x237: {  	(xrf1) =	vsort.dscd.msk.f32 $0xffff, v9, v10;
	_ =	sdelay $0x8  }
0x238: {  	p3 =	sgt.s32 s18, $0x40  }
.Ltmp19:
0x239: {  	_ = 	snop;
	(pc) =	sbr.rel @!p3 .LBB2_33-.Ltmp19, $4  }
0x23a: {  	v9 =	vsel vm0, v11, v12  }
0x23b: {  	s19 =	simm.s32 $0x10830  }
0x23c: {  	s31 =	simm.s32 $0x128B0;
	v7 =	vsel vm0, v14, v7;
	v13 =	vld [tilespmem:s19+$0x0];
	v11, v14, _ =	vpop (xrf1)  }
0x23d: {  	p1 =	por $0x1, $0x1;
	v15 =	vld [tilespmem:s31+$0x0];
	(xrf1) =	vsort.ascd.msk.f32 $0xffff, v9, v7;
	v9, v10, _ =	vpop (xrf1)  }
0x23e: {  	_ =	sdelay $0x3  }
0x23f: {  	(xrf1) =	vsort.ascd.msk.f32 $0xffff, v13, v15;
	_ =	sdelay $0x5  }
0x240: {  	vm0 =	vge.f32 v9, v11  }
0x241: {  	v12 =	vsel vm0, v10, v14  }
0x242: {  	v7 =	vsel vm0, v9, v11;
	_ =	sdelay $0x2  }
0x243: {  	v11 =	vsel vm0, v11, v9;
	(xrf1) =	vsort.dscd.msk.f32 $0xffff, v7, v12;
	v7, v12, _ =	vpop (xrf1)  }
0x244: {  	v13 =	vsel vm0, v14, v10;
	vm15 =	vge.f32 v8, v7  }
0x245: {  	(xrf1) =	vsort.ascd.msk.f32 $0xffff, v11, v13;
	v7 =	vsel vm15, v8, v7;
	v12 =	vsel vm15, v5, v12  }
0x246: {  	v11, v14, _ =	vpop (xrf1);
	(xrf1) =	vsort.dscd.msk.f32 $0xffff, v7, v12;
	_ =	sdelay $0x5  }
0x247: {  	s20 =	simm.s32 $0x128C0  }
0x248: {  	s19 =	simm.s32 $0x10840;
	p3 =	sgt.s32 s18, $0x50;
	v15 =	vld [tilespmem:s20+$0x0]  }
.Ltmp20:
0x249: {  	v13 =	vld [tilespmem:s19+$0x0];
	(pc) =	sbr.rel @!p3 .LBB2_36-.Ltmp20, $2  }
0x24a: {  	_ =	sdelay $0x2  }
0x24b: {  	s21 =	simm.s32 $0x50;
	p2 =	por $0x1, $0x1;
	v12, v7, _ =	vpop (xrf1)  }
.LBB2_35:
0x24c: {  	s21 =	sadd.s32 $0x10, s21;
	(xrf1) =	vsort.ascd.msk.f32 $0xffff, v13, v15;
	vm0 =	vge.f32 v12, v11;
	v13, v15, _ =	vpop (xrf1)  }
0x24d: {  	p3 =	slt.s32 s21, s18;
	v16 =	vsel vm0, v12, v11;
	v17 =	vsel vm0, v7, v14;
	v7 =	vsel vm0, v14, v7;
	v14, v18, _ =	vpop (xrf1)  }
0x24e: {  	v11 =	vsel vm0, v11, v12;
	(xrf1) =	vsort.dscd.msk.f32 $0xffff, v16, v17;
	vm0 =	vge.f32 v14, v13  }
0x24f: {  	(xrf1) =	vsort.ascd.msk.f32 $0xffff, v11, v7;
	v7 =	vsel vm0, v14, v13;
	v11 =	vsel vm0, v18, v15  }
0x250: {  	(xrf1) =	vsort.dscd.msk.f32 $0xffff, v7, v11;
	_ =	sdelay $0x5  }
0x251: {  	s19 =	sadd.s32 $0x10, s19  }
0x252: {  	s20 =	sadd.s32 $0x10, s20;
	v13 =	vld [tilespmem:s19+$0x0]  }
.Ltmp21:
0x253: {  	v15 =	vld [tilespmem:s20+$0x0];
	(pc) =	sbr.rel @p3 .LBB2_35-.Ltmp21, $3  }
0x254: {  	_ = 	snop  }
0x255: {  	v11, v14, _ =	vpop (xrf1);
	_ =	sdelay $0x1  }
0x256: {  	v12, v7, _ =	vpop (xrf1)  }
.LBB2_36:
0x257: {  	vm0 =	vge.f32 @p0 v12, v11;
	v16, v17, _ =	vpop @p1 (xrf1)  }
0x258: {  	(xrf1) =	vsort.ascd.msk.f32 $0xffff, v13, v15;
	v13 =	vsel @p0 vm0, v12, v11;
	v15 =	vsel @p0 vm0, v7, v14;
	v18, v19, _ =	vpop @p2 (xrf1)  }
0x259: {  	v7 =	vsel @p0 vm0, v14, v7;
	(xrf1) =	vsort.dscd.msk.f32 @p0 $0xffff, v13, v15;
	v13 =	vpsel p2, v18, v8  }
0x25a: {  	v11 =	vsel @p0 vm0, v11, v12;
	v12 =	vpsel p2, v19, v5;
	vm0 =	vge.f32 @p1 v13, v16  }
0x25b: {  	(xrf1) =	vsort.ascd.msk.f32 @p0 $0xffff, v11, v7;
	v7 =	vsel @p1 vm0, v13, v16;
	v11 =	vsel @p1 vm0, v12, v17  }
0x25c: {  	(xrf1) =	vsort.dscd.msk.f32 @p1 $0xffff, v7, v11;
	_ =	sdelay $0x9  }
0x25d: {  	v7, v11, _ =	vpop (xrf1)  }
0x25e: {  	v12, v13, _ =	vpop @p0 (xrf1)  }
0x25f: {  	v9 =	vpsel p0, v12, v9  }
0x260: {  	v10 =	vpsel p0, v13, v10;
	v12, v13, _ =	vpop @p0 (xrf1);
	vm14 =	vge.f32 v9, v7  }
0x261: {  	v62 =	vsel vm14, v9, v7;
	v63 =	vsel vm14, v10, v11;
	v16, v17, _ =	vpop @p1 (xrf1)  }
0x262: {  	v10 =	vsel vm14, v11, v10;
	v7 =	vsel vm14, v7, v9;
	v9 =	vpsel p1, v16, v8  }
0x263: {  	(xrf1) =	vsort.dscd.msk.f32 $0xffff, v62, v63;
	v11 =	vpsel p1, v17, v5;
	vm0 =	vge.f32 @p0 v9, v12  }
0x264: {  	(xrf1) =	vsort.ascd.msk.f32 $0xffff, v7, v10;
	v7 =	vsel @p0 vm0, v9, v12;
	v9 =	vsel @p0 vm0, v11, v13  }
0x265: {  	(xrf1) =	vsort.dscd.msk.f32 @p0 $0xffff, v7, v9;
	_ =	sdelay $0xb  }
0x266: {  	v9, v7, _ =	vpop (xrf1)  }
0x267: {  	v9, v10, _ =	vpop (xrf1)  }
0x268: {  	v11, v12, _ =	vpop @p0 (xrf1)  }
0x269: {  	v8 =	vpsel p0, v11, v8  }
0x26a: {  	v5 =	vpsel p0, v12, v5;
	vm15 =	vge.f32 v8, v9  }
0x26b: {  	v8 =	vsel vm15, v8, v9;
	v5 =	vsel vm15, v5, v10  }
0x26c: {  	(xrf1) =	vsort.dscd.msk.f32 $0xffff, v8, v5;
	_ =	sdelay $0xd  }
0x26d: {  	v8, v5, _ =	vpop (xrf1)  }
.LBB2_37:
0x26e: {  	s18 =	simm.s32 $0x10040  }
0x26f: {  	[tilespmem:s18+$0xFFFFFFC0] =	vst v0  }
0x270: {  	[tilespmem:s18+$0x30] =	vst v0  }
0x271: {  	[tilespmem:s18+$0x20] =	vst v0  }
0x272: {  	s15 =	sadd.f32 s16, s15;
	[tilespmem:s18+$0x10] =	vst v0  }
0x273: {  	s31 =	sadd.f32 $0.0e+00, s17;
	[tilespmem:s18+$0x0] =	vst v0  }
0x274: {  	[tilespmem:s18+$0xFFFFFFF0] =	vst v0  }
0x275: {  	s17 =	simm.s32 $0x0;
	[tilespmem:s18+$0xFFFFFFE0] =	vst v0;
	s16 =	sadd.f32 s15, s31  }
.LBB2_38:
0x276: {  	s17 =	sadd.s32 $0x8, s17;
	[tilespmem:s18+$0xFFFFFFD0] =	vst v0;
	s18 =	sadd.s32 $0x80, s18;
	s15 =	simm.s32 $0x170  }
0x277: {  	[tilespmem:s18+$0xFFFFFFC0] =	vst v0;
	p0 =	slt.u32 s17, $0x78  }
0x278: {  	[tilespmem:s18+$0x30] =	vst v0  }
.Ltmp22:
0x279: {  	[tilespmem:s18+$0x20] =	vst v0;
	(pc) =	sbr.rel @p0 .LBB2_38-.Ltmp22, $4  }
0x27a: {  	[tilespmem:s18+$0x10] =	vst v0  }
0x27b: {  	[tilespmem:s18+$0x0] =	vst v0  }
0x27c: {  	[tilespmem:s18+$0xFFFFFFF0] =	vst v0  }
0x27d: {  	[tilespmem:s18+$0xFFFFFFE0] =	vst v0  }
0x27e: {  	[tilespmem:s18+$0xFFFFFFD0] =	vst v0  }
0x27f: {  	v8 =	vld [tilespmem:s15+$0x0]  }
0x280: {  	v9 =	vld [tilespmem:s15+$0xFFFFFFA0]  }
0x281: {  	v10 =	vld [tilespmem:s15+$0xFFFFFFB0]  }
0x282: {  	v11 =	vld [tilespmem:s15+$0xFFFFFFC0]  }
0x283: {  	v12 =	vld [tilespmem:s15+$0xFFFFFFD0]  }
0x284: {  	v13 =	vld [tilespmem:s15+$0xFFFFFFE0]  }
0x285: {  	v16 =	vld [tilespmem:s15+$0xFFFFFFF0]  }
0x286: {  	v17 =	vld [tilespmem:s15+$0xFFFFFF90];
	_ =	sdelay $0x2  }
0x287: {  	v14 =	vshra.s32 v8, $0x1F;
	v15 =	vshra.s32 v9, $0x1F;
	v18 =	vshra.s32 v10, $0x1F  }
0x288: {  	v59 =	vshra.s32 v11, $0x1F;
	v60 =	vshra.s32 v12, $0x1F;
	v61 =	vshra.s32 v13, $0x1F  }
0x289: {  	v62 =	vshra.s32 v16, $0x1F;
	v19 =	vshra.s32 v17, $0x1F;
	v14 =	vor.u32 $0x80000000, v14  }
0x28a: {  	v15 =	vor.u32 $0x80000000, v15;
	v63 =	vor.u32 $0x80000000, v19;
	v8 =	vxor.u32 v8, v14  }
0x28b: {  	v14 =	vor.u32 $0x80000000, v18;
	v9 =	vxor.u32 v9, v15;
	v8 =	vshrl.u32 v8, $0x15  }
0x28c: {  	v15 =	vor.u32 $0x80000000, v59;
	v10 =	vxor.u32 v10, v14;
	v14 =	vor.u32 $0x80000000, v60  }
0x28d: {  	v15 =	vxor.u32 v11, v15;
	v11 =	vor.u32 $0x80000000, v61;
	v20 =	vxor.u32 v12, v14  }
0x28e: {  	v12 =	vor.u32 $0x80000000, v62;
	v14 =	vxor.u32 v13, v11;
	v11 =	vshrl.u32 v9, $0x15  }
0x28f: {  	v9 =	vshrl.u32 v10, $0x15;
	v13 =	vxor.u32 v16, v12;
	v12 =	vxor.u32 v17, v63  }
0x290: {  	s17 =	simm.s32 $0x370;
	s15 =	simm.s32 $0x0;
	v10 =	vshrl.u32 v15, $0x15;
	v12 =	vshrl.u32 v12, $0x15;
	[tilespmem:v8+s11+$0x0] =	vst.idx.add.s32.msk $0xffff, v1;
	v8 =	vshrl.u32 v20, $0x15  }
.LBB2_40:
0x291: {  	v15 =	vld [tilespmem:s17+$0x0];
	s15 =	sadd.s32 $0x8, s15;
	v16 =	vshrl.u32 v14, $0x15;
	v17 =	vshrl.u32 v13, $0x15  }
0x292: {  	v13 =	vld [tilespmem:s17+$0xFFFFFFA0];
	p0 =	slt.u32 s15, $0x1F8  }
0x293: {  	v14 =	vld [tilespmem:s17+$0xFFFFFFB0]  }
0x294: {  	v18 =	vld [tilespmem:s17+$0xFFFFFFC0]  }
0x295: {  	v19 =	vld [tilespmem:s17+$0xFFFFFFD0]  }
0x296: {  	v20 =	vld [tilespmem:s17+$0xFFFFFFE0];
	v21 =	vshra.s32 v15, $0x1F  }
0x297: {  	v22 =	vshra.s32 v13, $0x1F;
	v23 =	vld [tilespmem:s17+$0xFFFFFFF0];
	v21 =	vor.u32 $0x80000000, v21  }
0x298: {  	v24 =	vld [tilespmem:s17+$0xFFFFFF90];
	v22 =	vor.u32 $0x80000000, v22;
	v25 =	vshra.s32 v14, $0x1F;
	v15 =	vxor.u32 v15, v21  }
0x299: {  	v21 =	vor.u32 $0x80000000, v25;
	v25 =	vshra.s32 v18, $0x1F;
	v15 =	vshrl.u32 v15, $0x15;
	[tilespmem:v12+s11+$0x0] =	vst.idx.add.s32.msk $0xffff, v1  }
0x29a: {  	v12 =	vxor.u32 v13, v22;
	v13 =	vor.u32 $0x80000000, v25;
	v22 =	vshra.s32 v19, $0x1F;
	[tilespmem:v11+s11+$0x0] =	vst.idx.add.s32.msk $0xffff, v1  }
0x29b: {  	v21 =	vxor.u32 v14, v21;
	v11 =	vor.u32 $0x80000000, v22;
	v14 =	vshra.s32 v20, $0x1F;
	[tilespmem:v9+s11+$0x0] =	vst.idx.add.s32.msk $0xffff, v1  }
.Ltmp23:
0x29c: {  	v18 =	vxor.u32 v18, v13;
	v9 =	vor.u32 $0x80000000, v14;
	v13 =	vshra.s32 v23, $0x1F;
	[tilespmem:v10+s11+$0x0] =	vst.idx.add.s32.msk $0xffff, v1;
	(pc) =	sbr.rel @p0 .LBB2_40-.Ltmp23, $4  }
0x29d: {  	v19 =	vxor.u32 v19, v11;
	v10 =	vshra.s32 v24, $0x1F;
	v11 =	vor.u32 $0x80000000, v13;
	[tilespmem:v8+s11+$0x0] =	vst.idx.add.s32.msk $0xffff, v1  }
0x29e: {  	s19 =	simm.s32 $0x0;
	s18 =	simm.s32 $0x7FF;
	s20 =	simm.s32 $0x107F0;
	v14 =	vxor.u32 v20, v9;
	v8 =	vor.u32 $0x80000000, v10;
	v13 =	vxor.u32 v23, v11;
	[tilespmem:v15+s11+$0x0] =	vst.idx.add.s32.msk $0xffff, v1  }
0x29f: {  	v9 =	vshrl.u32 v21, $0x15;
	v11 =	vshrl.u32 v12, $0x15;
	v8 =	vxor.u32 v24, v8;
	[tilespmem:v16+s11+$0x0] =	vst.idx.add.s32.msk $0xffff, v1  }
0x2a0: {  	s17 =	sadd.s32 $0x200, s17;
	v10 =	vshrl.u32 v18, $0x15;
	v12 =	vshrl.u32 v8, $0x15;
	v8 =	vshrl.u32 v19, $0x15;
	[tilespmem:v17+s11+$0x0] =	vst.idx.add.s32.msk $0xffff, v1  }
0x2a1: {  	_ =	sdelay $0x3  }
0x2a2: {  	v14 =	vshrl.u32 v14, $0x15;
	[tilespmem:v12+s11+$0x0] =	vst.idx.add.s32.msk $0xffff, v1  }
0x2a3: {  	v63 =	vshrl.u32 v13, $0x15;
	[tilespmem:v11+s11+$0x0] =	vst.idx.add.s32.msk $0xffff, v1  }
0x2a4: {  	[tilespmem:v9+s11+$0x0] =	vst.idx.add.s32.msk $0xffff, v1  }
0x2a5: {  	[tilespmem:v10+s11+$0x0] =	vst.idx.add.s32.msk $0xffff, v1  }
0x2a6: {  	[tilespmem:v8+s11+$0x0] =	vst.idx.add.s32.msk $0xffff, v1  }
0x2a7: {  	[tilespmem:v14+s11+$0x0] =	vst.idx.add.s32.msk $0xffff, v1  }
0x2a8: {  	[tilespmem:v63+s11+$0x0] =	vst.idx.add.s32.msk $0xffff, v1  }
.LBB2_42:
0x2a9: {  	v8 =	vld [tilespmem:s20+$0x0];
	_ =	sdelay $0x4  }
0x2aa: {  	(xrf0) =	vadd.scan.msk.s32 $0xffff, v8;
	_ =	sdelay $0x5  }
0x2ab: {  	v9, _, _ =	vpop (xrf0)  }
0x2ac: {  	v10 =	vxor.u32 $0x80000000, v9  }
0x2ad: {  	(xrf0) =	vmax.scan.msk.u32 $0xffff, v10;
	_ =	sdelay $0x5  }
0x2ae: {  	v10, _, _ =	vpop (xrf0)  }
0x2af: {  	(v2sf) =	vpush v10, $0xF;
	_ =	sdelay $0xe  }
0x2b0: {  	s15 =	spop (v2sf)  }
0x2b1: {  	s15 =	sadd.s32 s15, s19  }
0x2b2: {  	s19 =	sadd.s32 $0x80000000, s15  }
0x2b3: {  	v9 =	vsub.s32 s19, v9  }
0x2b4: {  	v9 =	vadd.s32 v8, v9  }
0x2b5: {  	vm0 =	vgt.s32 v9, $0x1F  }
0x2b6: {  	v10 =	vmpcnt.ones.xlane vm0;
	_ =	sdelay $0x1  }
0x2b7: {  	(v2sf) =	vpush v10, $0x0;
	_ =	sdelay $0xe  }
0x2b8: {  	s15 =	spop (v2sf)  }
0x2b9: {  	p0 =	slt.s32 s15, $0x1  }
.Ltmp24:
0x2ba: {  	_ = 	snop;
	(pc) =	sbr.rel @p0 .LBB2_42-.Ltmp24, $2  }
0x2bb: {  	_ =	sdelay $0x2  }
0x2bc: {  	s18 =	sadd.s32 $0xFFFFFFF0, s18;
	s20 =	sadd.s32 $0xFFFFFFF0, s20  }
0x2bd: {  	s17 =	sadd.s32 $0xFFFFFFFF, s15  }
0x2be: {  	v10 =	vmov s17  }
0x2bf: {  	v9 =	vxor.u32 $0x80000000, v9;
	vm0 =	veq.s32 v10, v2  }
0x2c0: {  	v8 =	vxor.u32 $0x80000000, v8;
	v9 =	vnsel vm0, $0x80000000, v9  }
0x2c1: {  	v8 =	vnsel vm0, $0x80000000, v8;
	(xrf0) =	vmax.scan.msk.u32 $0xffff, v9  }
0x2c2: {  	s17 =	simm.s32 $0x170;
	(xrf0) =	vmax.scan.msk.u32 $0xffff, v8  }
0x2c3: {  	s28 =	sadd.s32 s18, s15;
	v20 =	vld [tilespmem:s17+$0xFFFFFF90]  }
0x2c4: {  	s15 =	sshll.u32 s28, $0x15;
	v11 =	vld [tilespmem:s17+$0xFFFFFFE0]  }
0x2c5: {  	s29 =	sadd.s32 $0x200000, s15;
	v17 =	vld [tilespmem:s17+$0xFFFFFFB0]  }
0x2c6: {  	v14 =	vmov s29;
	v8 =	vld [tilespmem:s17+$0x0]  }
0x2c7: {  	v13 =	vmov s15;
	v16 =	vld [tilespmem:s17+$0xFFFFFFA0];
	vm1 =	vgt.s32 v14, $0xFFFFFFFF;
	v12, _, _ =	vpop (xrf0)  }
0x2c8: {  	vm0 =	vgt.s32 v13, $0xFFFFFFFF;
	v9 =	vld [tilespmem:s17+$0xFFFFFFF0];
	v13 =	vsel vm1, $0xFFFFFFFF, v3;
	(v2sf) =	vpush v12, $0xF;
	v12, _, _ =	vpop (xrf0)  }
0x2c9: {  	v13 =	vxor.u32 s29, v13;
	(v2sf) =	vpush v12, $0xF;
	v12 =	vsel vm0, $0xFFFFFFFF, v3  }
0x2ca: {  	s19 =	simm.s32 $0x8170;
	v19 =	vimm.s32 $0x0;
	vm3 =	vge.f32 v11, v13;
	v12 =	vxor.u32 s15, v12  }
0x2cb: {  	v18 =	vld [tilespmem:s19+$0xFFFFFF90];
	vm14 =	vge.f32 v17, v13;
	vm12 =	vge.f32 v20, v13;
	vm0 =	vge.f32 v8, v12  }
0x2cc: {  	v10 =	vld [tilespmem:s17+$0xFFFFFFD0];
	vm15 =	vge.f32 v16, v13;
	vm12 =	vmneg vm12;
	v19 =	vsel vm0, $0xFFFFFFFF, v19  }
0x2cd: {  	v14 =	vld [tilespmem:s17+$0xFFFFFFC0];
	vm5 =	vmneg vm3;
	vm0 =	vge.f32 v9, v12;
	[tilespmem:$0x1FE40] =	vst v19;
	v19 =	vimm.s32 $0x0  }
0x2ce: {  	vm2 =	vmneg vm15;
	vm1 =	vge.f32 v9, v13;
	v19 =	vsel vm0, $0xFFFFFFFF, v19  }
0x2cf: {  	vm3 =	vmneg vm1;
	vm0 =	vge.f32 v11, v12;
	[tilespmem:$0x1FE20] =	vst v19;
	v19 =	vimm.s32 $0x0  }
0x2d0: {  	vm9 =	vge.f32 v17, v12;
	vm13 =	vge.f32 v16, v12;
	v19 =	vsel vm0, $0xFFFFFFFF, v19  }
0x2d1: {  	vm11 =	vge.f32 v20, v12;
	vm0 =	vge.f32 v8, v13;
	[tilespmem:$0x1FE10] =	vst v19;
	v19 =	vimm.s32 $0x0  }
0x2d2: {  	vm6 =	vmneg vm0;
	vm0 =	vmand vm11, vm12;
	v19 =	vsel vm3, $0xFFFFFFFF, v19  }
0x2d3: {  	vm11 =	vmand vm13, vm2;
	vm13 =	vmneg vm14;
	[tilespmem:$0x1FE00] =	vst v19;
	v19 =	vmpcnt.ones.xlane vm0  }
0x2d4: {  	v23 =	vmpcnt.ones.xlane vm11;
	vm1 =	vmand vm9, vm13;
	v26 =	vld [tilespmem:$0x1FE10]  }
0x2d5: {  	vm8 =	vge.f32 v10, v13;
	v25 =	vmpcnt.ones.xlane vm1;
	(v2sf) =	vpush v19, $0x0  }
0x2d6: {  	vm8 =	vmneg vm8;
	v24 =	vld [tilespmem:s19+$0x0];
	(v2sf) =	vpush v23, $0x0  }
0x2d7: {  	vm10 =	vge.f32 v14, v13;
	vm4 =	vge.f32 v10, v12;
	s30 =	spop (v2sf);
	(v2sf) =	vpush v25, $0x0;
	v25 =	vld [tilespmem:$0x1FE20]  }
0x2d8: {  	vm7 =	vge.f32 v14, v12;
	vm9 =	vmmov vm8;
	vm8 =	vmneg vm10;
	v21 =	vld [tilespmem:s19+$0xFFFFFFF0]  }
0x2d9: {  	vm15 =	vmand vm7, vm8;
	vm7 =	vmand vm4, vm9;
	v22 =	vld [tilespmem:s19+$0xFFFFFFA0];
	vm4 =	vnez.u8 v26  }
0x2da: {  	v29 =	vimm.s32 $0x0;
	v23 =	vld [tilespmem:s19+$0xFFFFFFE0];
	vm10 =	vmand vm4, vm5  }
0x2db: {  	v29 =	vsel vm6, $0xFFFFFFFF, v29;
	v26 =	vld [tilespmem:s19+$0xFFFFFFB0];
	vm4 =	vmmov vm10  }
0x2dc: {  	v28 =	vmpcnt.ones.xlane vm10;
	vm10 =	vmmov vm2;
	vm2 =	vnez.u8 v25;
	v25 =	vld [tilespmem:s19+$0xFFFFFFD0]  }
0x2dd: {  	[tilespmem:$0x1FE30] =	vst v29;
	v29 =	vld [tilespmem:$0x1FE40];
	_ =	sdelay $0x1  }
0x2de: {  	v19 =	vmpcnt.ones.xlane vm15  }
0x2df: {  	v27 =	vmpcnt.ones.xlane vm7  }
0x2e0: {  	v15 =	vimm.f32 $0.0e+00;
	s31 =	spop (v2sf);
	(v2sf) =	vpush v19, $0x0  }
0x2e1: {  	(v2sf) =	vpush v27, $0x0;
	vm2 =	vmand vm2, vm3;
	vm3 =	vnez.u8 v29  }
0x2e2: {  	s20 =	simm.s32 $0x0;
	v18 =	vsub.f32 v18, v20;
	s15 =	sxor.u32 $0x80000000, s30;
	s18 =	sxor.u32 $0x80000000, s31;
	(v2sf) =	vpush v28, $0x0;
	vm14 =	vmand vm3, vm6  }
0x2e3: {  	s15 =	ssub.s32 s18, s15;
	s18 =	simm.s32 $0x0;
	[tilespmem:s20+$0x10800] =	vst.msk vm0, v20;
	v27 =	vld [tilespmem:s19+$0xFFFFFFC0];
	s19 =	simm.s32 $0x8370;
	v19 =	vmpcnt.ones.xlane vm2;
	vm3 =	vmmov vm11;
	v20 =	vmpcnt.ones.xlane vm14  }
.LBB2_44:
0x2e4: {  	v28 =	vimm.s32 $0x0;
	s17 =	sadd.s32 $0x200, s17  }
0x2e5: {  	v18 =	vmul.f32 v18, v18;
	v22 =	vsub.f32 v22, v16;
	vm11 =	vmmov vm1;
	v29 =	vld [tilespmem:s17+$0x0]  }
0x2e6: {  	v33 =	vimm.s32 $0x0;
	v59 =	vimm.s32 $0x0;
	s21 =	spop (v2sf);
	v28 =	vsel vm3, $0xFFFFFFFF, v28;
	v61 =	vld [tilespmem:s17+$0xFFFFFFA0]  }
0x2e7: {  	v34 =	vimm.s32 $0x0;
	(v2sf) =	vpush v19, $0x0;
	v19 =	vimm.s32 $0x0;
	s21 =	sadd.s32 s20, s21;
	[tilespmem:$0x1FDD0] =	vst v28;
	v28 =	vld [tilespmem:s19+$0xFFFFFF90]  }
0x2e8: {  	(v2sf) =	vpush v20, $0x0;
	v19 =	vsel vm11, $0xFFFFFFFF, v19;
	v20 =	vmul.f32 v22, v22;
	v22 =	vld [tilespmem:s17+$0xFFFFFFF0];
	[tilespmem:s21+$0x10800] =	vst.msk vm3, v16  }
0x2e9: {  	v62 =	vimm.s32 $0x0;
	v35 =	vimm.s32 $0x0;
	v30 =	vsel vm12, $0x0, v18;
	[tilespmem:$0x1FDB0] =	vst v19;
	v19 =	vld [tilespmem:s17+$0xFFFFFF90]  }
0x2ea: {  	v16 =	vimm.s32 $0x0;
	[tilespmem:s20+$0x12880] =	vst.msk vm0, v18;
	v15 =	vadd.f32 v30, v15;
	v18 =	vsub.f32 v26, v17;
	v26 =	vld [tilespmem:s17+$0xFFFFFFE0]  }
0x2eb: {  	v21 =	vsub.f32 v21, v9;
	v56 =	vsel vm10, $0x0, v20;
	v23 =	vsub.f32 v23, v11  }
0x2ec: {  	v31 =	vmul.f32 v18, v18;
	v18 =	vsub.f32 v27, v14;
	vm0 =	vge.f32 v29, v12  }
0x2ed: {  	v25 =	vsub.f32 v25, v10;
	v15 =	vadd.f32 v56, v15;
	v27 =	vld [tilespmem:s17+$0xFFFFFFD0];
	v33 =	vsel vm0, $0xFFFFFFFF, v33  }
0x2ee: {  	s24 =	spop (v2sf);
	vm0 =	vge.f32 v22, v12;
	v32 =	vmul.f32 v18, v18;
	v18 =	vsub.f32 v28, v19;
	v28 =	vld [tilespmem:s17+$0xFFFFFFC0]  }
0x2ef: {  	s22 =	sadd.s32 s21, s24;
	s25 =	spop (v2sf);
	v57 =	vsel vm13, $0x0, v31;
	[tilespmem:$0x1FDF0] =	vst v33;
	v33 =	vsel vm0, $0xFFFFFFFF, v59;
	vm0 =	vge.f32 v26, v12  }
0x2f0: {  	s23 =	sadd.s32 s22, s25;
	v25 =	vmul.f32 v25, v25;
	v15 =	vadd.f32 v57, v15;
	v34 =	vsel vm0, $0xFFFFFFFF, v34;
	s26 =	spop (v2sf)  }
0x2f1: {  	v23 =	vmul.f32 v23, v23;
	vm1 =	vge.f32 v22, v13;
	v60 =	vsel vm8, $0x0, v32;
	[tilespmem:$0x1FDC0] =	vst v34;
	s24 =	sadd.s32 s23, s26;
	s28 =	spop (v2sf)  }
0x2f2: {  	v15 =	vadd.f32 v60, v15;
	v34 =	vsel vm1, $0xFFFFFFFF, v62;
	vm1 =	vge.f32 v27, v12;
	[tilespmem:s24+$0x10800] =	vst.msk vm7, v10;
	s25 =	sadd.s32 s24, s28;
	v10 =	vld [tilespmem:$0x1FE00];
	s29 =	spop (v2sf)  }
0x2f3: {  	v58 =	vld [tilespmem:s17+$0xFFFFFFB0];
	[tilespmem:s22+$0x10800] =	vst.msk vm11, v17;
	v63 =	vsel vm9, $0x0, v25;
	v35 =	vsel vm1, $0xFFFFFFFF, v35;
	vm1 =	vge.f32 v28, v12;
	s26 =	sadd.s32 s25, s29  }
0x2f4: {  	v15 =	vadd.f32 v63, v15;
	v16 =	vsel vm1, $0xFFFFFFFF, v16;
	[tilespmem:s26+$0x10800] =	vst.msk vm2, v9;
	v9 =	vld [tilespmem:$0x1FE30]  }
0x2f5: {  	v24 =	vsub.f32 v24, v8;
	v17 =	vmul.f32 v21, v21;
	[tilespmem:$0x1FD90] =	vst v16;
	v16 =	vsel vm5, $0x0, v23  }
0x2f6: {  	[tilespmem:s23+$0x10800] =	vst.msk vm15, v14;
	vm3 =	vge.f32 v28, v13;
	v14 =	vadd.f32 v16, v15;
	v15 =	vimm.s32 $0x0  }
0x2f7: {  	v15 =	vsel vm3, $0xFFFFFFFF, v15;
	vm3 =	vnez.u8 v10  }
0x2f8: {  	v16 =	vmul.f32 v24, v24;
	[tilespmem:$0x1FD80] =	vst v15;
	v15 =	vsel vm3, $0x0, v17  }
0x2f9: {  	[tilespmem:s25+$0x10800] =	vst.msk vm4, v11;
	v11 =	vadd.f32 v15, v14;
	vm3 =	vnez.u8 v9  }
0x2fa: {  	[tilespmem:$0x1FD70] =	vst v34;
	v21 =	vsel vm3, $0x0, v16  }
0x2fb: {  	vm10 =	vge.f32 v61, v13;
	v15 =	vadd.f32 v21, v11;
	v11 =	vld [tilespmem:$0x1FD70]  }
0x2fc: {  	vm10 =	vmneg vm10;
	vm9 =	vmmov vm15  }
0x2fd: {  	vm15 =	vge.f32 v61, v12;
	vm11 =	vge.f32 v19, v12;
	vm12 =	vge.f32 v19, v13  }
0x2fe: {  	vm6 =	vge.f32 v26, v13;
	vm12 =	vmneg vm12;
	vm0 =	vge.f32 v29, v13;
	s30 =	spop (v2sf)  }
0x2ff: {  	vm8 =	vge.f32 v58, v13;
	vm13 =	vge.f32 v27, v13;
	vm1 =	vge.f32 v58, v12;
	s28 =	sadd.s32 s26, s30  }
0x300: {  	vm5 =	vmneg vm6;
	[tilespmem:s28+$0x10800] =	vst.msk vm14, v8;
	vm3 =	vmneg vm0;
	vm0 =	vnez.u8 v11  }
0x301: {  	[tilespmem:s28+$0x12880] =	vst.msk vm14, v16;
	vm14 =	vmneg vm13;
	vm6 =	vmneg vm0;
	vm0 =	vmand vm11, vm12  }
0x302: {  	[tilespmem:$0x1FDA0] =	vst v35;
	vm13 =	vmneg vm8;
	v9 =	vmovc v22;
	vm11 =	vmand vm15, vm10;
	v22 =	vmpcnt.ones.xlane vm0  }
0x303: {  	[tilespmem:s25+$0x12880] =	vst.msk vm4, v23;
	vm1 =	vmand vm1, vm13;
	v21 =	vld [tilespmem:$0x1FD80];
	v23 =	vmpcnt.ones.xlane vm11  }
0x304: {  	[tilespmem:s24+$0x12880] =	vst.msk vm7, v25;
	s31 =	spop (v2sf);
	v25 =	vmpcnt.ones.xlane vm1;
	v11 =	vmov v26;
	v26 =	vld [tilespmem:$0x1FDA0];
	(v2sf) =	vpush v22, $0x0  }
0x305: {  	v22 =	vld [tilespmem:$0x1FD90];
	(v2sf) =	vpush v23, $0x0  }
0x306: {  	(v2sf) =	vpush v25, $0x0;
	v25 =	vld [tilespmem:$0x1FDD0];
	_ =	sdelay $0x2  }
0x307: {  	[tilespmem:s26+$0x12880] =	vst.msk vm2, v17;
	s20 =	sadd.s32 s28, s31;
	vm2 =	vnez.u8 v21  }
0x308: {  	vm8 =	vmneg vm2;
	[tilespmem:s20+$0x10800] =	vst.msk vm0, v19;
	v19 =	vimm.s32 $0x0;
	v23 =	vld [tilespmem:$0x1FDB0];
	vm2 =	vnez.u8 v22  }
0x309: {  	[tilespmem:$0x1FDE0] =	vst v33;
	vm15 =	vmand vm2, vm8;
	vm2 =	vnez.u8 v26;
	v26 =	vld [tilespmem:$0x1FDC0];
	vm4 =	vnez.u8 v25  }
0x30a: {  	v19 =	vsel vm6, $0xFFFFFFFF, v19;
	v22 =	vld [tilespmem:s19+$0xFFFFFFA0];
	[tilespmem:s21+$0x12880] =	vst.msk vm4, v20;
	v20 =	vimm.s32 $0x0  }
0x30b: {  	[tilespmem:$0x1FE00] =	vst v19;
	v19 =	vld [tilespmem:$0x1FDE0];
	v20 =	vsel vm3, $0xFFFFFFFF, v20  }
0x30c: {  	[tilespmem:$0x1FE30] =	vst v20;
	v20 =	vld [tilespmem:$0x1FDF0]  }
0x30d: {  	s18 =	sadd.s32 $0x8, s18;
	[tilespmem:s23+$0x12880] =	vst.msk vm9, v32;
	vm7 =	vmand vm2, vm14;
	vm2 =	vnez.u8 v23  }
0x30e: {  	p0 =	slt.u32 s18, $0x1F8;
	v24 =	vld [tilespmem:s19+$0x0];
	vm9 =	vmmov vm14;
	[tilespmem:s22+$0x12880] =	vst.msk vm2, v31;
	vm2 =	vnez.u8 v26  }
.Ltmp25:
0x30f: {  	v10 =	vmovc v27;
	v14 =	vmovc v28;
	v21 =	vld [tilespmem:s19+$0xFFFFFFF0];
	v27 =	vmpcnt.ones.xlane vm15;
	v28 =	vmpcnt.ones.xlane vm7;
	vm2 =	vmand vm2, vm5;
	(pc) =	sbr.rel @p0 .LBB2_44-.Ltmp25, $4  }
0x310: {  	v8 =	vmovc v29;
	v23 =	vld [tilespmem:s19+$0xFFFFFFE0];
	vm4 =	vmmov vm2;
	v29 =	vmpcnt.ones.xlane vm2;
	vm2 =	vnez.u8 v19  }
0x311: {  	v25 =	vld [tilespmem:s19+$0xFFFFFFD0];
	(v2sf) =	vpush v27, $0x0;
	vm2 =	vmand vm2, vm6;
	vm6 =	vnez.u8 v20  }
0x312: {  	v27 =	vld [tilespmem:s19+$0xFFFFFFC0];
	(v2sf) =	vpush v28, $0x0;
	v19 =	vmpcnt.ones.xlane vm2;
	vm14 =	vmand vm6, vm3  }
0x313: {  	v17 =	vmovc v58;
	v16 =	vmovc v61;
	v26 =	vld [tilespmem:s19+$0xFFFFFFB0];
	s19 =	sadd.s32 $0x200, s19;
	(v2sf) =	vpush v29, $0x0;
	vm3 =	vmmov vm11;
	v20 =	vmpcnt.ones.xlane vm14  }
0x314: {  	(v2sf) =	vpush v19, $0x0;
	_ =	sdelay $0x7  }
0x315: {  	v12 =	vmul.f32 v18, v18;
	(v2sf) =	vpush v20, $0x0  }
0x316: {  	s17 =	spop (v2sf)  }
0x317: {  	s17 =	sadd.s32 s20, s17;
	s18 =	spop (v2sf);
	[tilespmem:s20+$0x12880] =	vst.msk vm0, v12  }
0x318: {  	vm0 =	vmmov vm1;
	[tilespmem:s17+$0x10800] =	vst.msk vm3, v16;
	s18 =	sadd.s32 s17, s18;
	s19 =	spop (v2sf)  }
0x319: {  	[tilespmem:s18+$0x10800] =	vst.msk vm0, v17;
	s19 =	sadd.s32 s18, s19;
	s30 =	spop (v2sf)  }
0x31a: {  	v13 =	vsub.f32 v24, v8;
	[tilespmem:s19+$0x10800] =	vst.msk vm15, v14;
	s20 =	sadd.s32 s19, s30;
	s21 =	spop (v2sf)  }
0x31b: {  	v59 =	vsub.f32 v21, v9;
	[tilespmem:s20+$0x10800] =	vst.msk vm7, v10;
	s21 =	sadd.s32 s20, s21;
	s22 =	spop (v2sf)  }
0x31c: {  	v13 =	vmul.f32 v13, v13;
	[tilespmem:s21+$0x10800] =	vst.msk vm4, v11;
	s22 =	sadd.s32 s21, s22;
	s23 =	spop (v2sf)  }
0x31d: {  	s14 =	sadd.s32 $0x20, s14;
	v18 =	vmul.f32 v59, v59;
	v58 =	vsub.f32 v26, v17;
	v11 =	vsub.f32 v23, v11;
	[tilespmem:s22+$0x10800] =	vst.msk vm2, v9;
	s23 =	sadd.s32 s22, s23  }
0x31e: {  	v14 =	vsub.f32 v27, v14;
	v10 =	vsub.f32 v25, v10;
	v9 =	vmov s14;
	[tilespmem:s23+$0x10800] =	vst.msk vm14, v8  }
0x31f: {  	vm6 =	vgt.s32 v9, v2;
	v11 =	vmul.f32 v11, v11;
	vm11 =	vgt.s32 v9, v4;
	[tilespmem:s22+$0x12880] =	vst.msk vm2, v18  }
0x320: {  	v9 =	vmul.f32 v10, v10;
	v10 =	vmul.f32 v14, v14;
	[tilespmem:s23+$0x12880] =	vst.msk vm14, v13;
	v7 =	vnsel vm6, $0x0, v7  }
0x321: {  	v5 =	vnsel vm11, $0x0, v5;
	(xrf2) =	vadd.scan.msk.f32 $0xffff, v7;
	v7 =	vsub.f32 v22, v16;
	[tilespmem:s21+$0x12880] =	vst.msk vm4, v11  }
0x322: {  	v14 =	vmul.f32 v58, v58;
	[tilespmem:s20+$0x12880] =	vst.msk vm7, v9;
	(xrf2) =	vadd.scan.msk.f32 $0xffff, v5  }
0x323: {  	[tilespmem:s19+$0x12880] =	vst.msk vm15, v10;
	(xrf2) =	vadd.scan.msk.f32 $0xffff, v6;
	v6 =	vmul.f32 v7, v7  }
0x324: {  	s31 =	spop (v2sf);
	[tilespmem:s18+$0x12880] =	vst.msk vm0, v14  }
0x325: {  	v8 =	vimm.f32 $-Inf;
	s19 =	sadd.s32 s23, s31;
	[tilespmem:s17+$0x12880] =	vst.msk vm3, v6  }
0x326: {  	v5 =	vimm.f32 $0.0e+00;
	[tilespmem:s19+$0x10800] =	vst v8  }
0x327: {  	[tilespmem:s19+$0x12880] =	vst v5  }
0x328: {  	v7 =	vld [tilespmem:$0x10800]  }
0x329: {  	v60 =	vld [tilespmem:$0x12880]  }
0x32a: {  	v12 =	vsel vm12, $0x0, v12  }
0x32b: {  	v12 =	vadd.f32 v12, v15  }
0x32c: {  	v6 =	vsel vm10, $0x0, v6  }
0x32d: {  	v6 =	vadd.f32 v6, v12  }
0x32e: {  	(xrf1) =	vsort.dscd.msk.f32 $0xffff, v7, v60;
	v7 =	vsel vm13, $0x0, v14  }
0x32f: {  	v6 =	vadd.f32 v7, v6  }
0x330: {  	v7 =	vsel vm8, $0x0, v10  }
0x331: {  	v6 =	vadd.f32 v7, v6  }
0x332: {  	v7 =	vsel vm9, $0x0, v9  }
0x333: {  	v6 =	vadd.f32 v7, v6  }
0x334: {  	v61, _, _ =	vpop (xrf2);
	v7 =	vsel vm5, $0x0, v11  }
0x335: {  	v62, _, _ =	vpop (xrf2);
	(v2sf) =	vpush v61, $0xF;
	v6 =	vadd.f32 v7, v6;
	v7 =	vld [tilespmem:$0x1FE00]  }
0x336: {  	(v2sf) =	vpush v62, $0xF;
	v63, _, _ =	vpop (xrf2)  }
0x337: {  	(v2sf) =	vpush v63, $0xF;
	_ =	sdelay $0x2  }
0x338: {  	vm14 =	vnez.u8 v7  }
0x339: {  	v7 =	vsel vm14, $0x0, v18  }
0x33a: {  	v6 =	vadd.f32 v7, v6;
	v7 =	vld [tilespmem:$0x1FE30];
	_ =	sdelay $0x4  }
0x33b: {  	p0 =	slt.s32 s19, $0x11;
	vm15 =	vnez.u8 v7  }
.Ltmp26:
0x33c: {  	v7 =	vsel vm15, $0x0, v13;
	(pc) =	sbr.rel @p0 .LBB2_55-.Ltmp26, $4  }
0x33d: {  	_ = 	snop  }
0x33e: {  	s14 =	spop (v2sf)  }
0x33f: {  	s17 =	spop (v2sf)  }
0x340: {  	s18 =	spop (v2sf);
	v6 =	vadd.f32 v7, v6;
	v12, v7, _ =	vpop (xrf1)  }
0x341: {  	p3 =	sgt.s32 s19, $0x20  }
.Ltmp27:
0x342: {  	_ = 	snop;
	(pc) =	sbr.rel @!p3 .LBB2_47-.Ltmp27, $4  }
0x343: {  	_ = 	snop  }
0x344: {  	s20 =	simm.s32 $0x10810  }
0x345: {  	s21 =	simm.s32 $0x12890;
	v13 =	vld [tilespmem:s20+$0x0]  }
0x346: {  	p0 =	por $0x0, $0x0;
	p1 =	por $0x0, $0x0;
	p2 =	por $0x0, $0x0;
	v15 =	vld [tilespmem:s21+$0x0]  }
0x347: {  	_ =	sdelay $0x3  }
0x348: {  	(xrf1) =	vsort.ascd.msk.f32 $0xffff, v13, v15;
	_ =	sdelay $0x8  }
0x349: {  	p3 =	sgt.s32 s19, $0x30  }
.Ltmp28:
0x34a: {  	_ = 	snop;
	(pc) =	sbr.rel @!p3 .LBB2_49-.Ltmp28, $4  }
0x34b: {  	_ = 	snop  }
0x34c: {  	s20 =	simm.s32 $0x10820  }
0x34d: {  	s31 =	simm.s32 $0x128A0;
	v13 =	vld [tilespmem:s20+$0x0]  }
0x34e: {  	p0 =	por $0x1, $0x1;
	v15 =	vld [tilespmem:s31+$0x0];
	v11, v14, _ =	vpop (xrf1)  }
0x34f: {  	_ =	sdelay $0x2  }
0x350: {  	vm0 =	vge.f32 v12, v11  }
0x351: {  	v9 =	vsel vm0, v12, v11;
	v10 =	vsel vm0, v7, v14;
	(xrf1) =	vsort.ascd.msk.f32 $0xffff, v13, v15  }
0x352: {  	(xrf1) =	vsort.dscd.msk.f32 $0xffff, v9, v10;
	_ =	sdelay $0x8  }
0x353: {  	p3 =	sgt.s32 s19, $0x40  }
.Ltmp29:
0x354: {  	_ = 	snop;
	(pc) =	sbr.rel @!p3 .LBB2_51-.Ltmp29, $4  }
0x355: {  	v9 =	vsel vm0, v11, v12  }
0x356: {  	s20 =	simm.s32 $0x10830  }
0x357: {  	s31 =	simm.s32 $0x128B0;
	v7 =	vsel vm0, v14, v7;
	v13 =	vld [tilespmem:s20+$0x0];
	v11, v14, _ =	vpop (xrf1)  }
0x358: {  	p1 =	por $0x1, $0x1;
	v15 =	vld [tilespmem:s31+$0x0];
	(xrf1) =	vsort.ascd.msk.f32 $0xffff, v9, v7;
	v9, v10, _ =	vpop (xrf1)  }
0x359: {  	_ =	sdelay $0x3  }
0x35a: {  	(xrf1) =	vsort.ascd.msk.f32 $0xffff, v13, v15;
	_ =	sdelay $0x5  }
0x35b: {  	vm0 =	vge.f32 v9, v11  }
0x35c: {  	v12 =	vsel vm0, v10, v14  }
0x35d: {  	v7 =	vsel vm0, v9, v11;
	_ =	sdelay $0x2  }
0x35e: {  	v11 =	vsel vm0, v11, v9;
	(xrf1) =	vsort.dscd.msk.f32 $0xffff, v7, v12;
	v7, v12, _ =	vpop (xrf1)  }
0x35f: {  	v13 =	vsel vm0, v14, v10;
	vm15 =	vge.f32 v8, v7  }
0x360: {  	(xrf1) =	vsort.ascd.msk.f32 $0xffff, v11, v13;
	v7 =	vsel vm15, v8, v7;
	v12 =	vsel vm15, v5, v12  }
0x361: {  	v11, v14, _ =	vpop (xrf1);
	(xrf1) =	vsort.dscd.msk.f32 $0xffff, v7, v12;
	_ =	sdelay $0x5  }
0x362: {  	s21 =	simm.s32 $0x128C0  }
0x363: {  	s20 =	simm.s32 $0x10840;
	p3 =	sgt.s32 s19, $0x50;
	v15 =	vld [tilespmem:s21+$0x0]  }
.Ltmp30:
0x364: {  	v13 =	vld [tilespmem:s20+$0x0];
	(pc) =	sbr.rel @!p3 .LBB2_54-.Ltmp30, $2  }
0x365: {  	_ =	sdelay $0x2  }
0x366: {  	s22 =	simm.s32 $0x50;
	p2 =	por $0x1, $0x1;
	v12, v7, _ =	vpop (xrf1)  }
.LBB2_53:
0x367: {  	s22 =	sadd.s32 $0x10, s22;
	(xrf1) =	vsort.ascd.msk.f32 $0xffff, v13, v15;
	vm0 =	vge.f32 v12, v11;
	v13, v15, _ =	vpop (xrf1)  }
0x368: {  	p3 =	slt.s32 s22, s19;
	v16 =	vsel vm0, v12, v11;
	v17 =	vsel vm0, v7, v14;
	v7 =	vsel vm0, v14, v7;
	v14, v18, _ =	vpop (xrf1)  }
0x369: {  	v11 =	vsel vm0, v11, v12;
	(xrf1) =	vsort.dscd.msk.f32 $0xffff, v16, v17;
	vm0 =	vge.f32 v14, v13  }
0x36a: {  	(xrf1) =	vsort.ascd.msk.f32 $0xffff, v11, v7;
	v7 =	vsel vm0, v14, v13;
	v11 =	vsel vm0, v18, v15  }
0x36b: {  	(xrf1) =	vsort.dscd.msk.f32 $0xffff, v7, v11;
	_ =	sdelay $0x5  }
0x36c: {  	s20 =	sadd.s32 $0x10, s20  }
0x36d: {  	s21 =	sadd.s32 $0x10, s21;
	v13 =	vld [tilespmem:s20+$0x0]  }
.Ltmp31:
0x36e: {  	v15 =	vld [tilespmem:s21+$0x0];
	(pc) =	sbr.rel @p3 .LBB2_53-.Ltmp31, $3  }
0x36f: {  	_ = 	snop  }
0x370: {  	v11, v14, _ =	vpop (xrf1);
	_ =	sdelay $0x1  }
0x371: {  	v12, v7, _ =	vpop (xrf1)  }
.LBB2_54:
0x372: {  	vm0 =	vge.f32 @p0 v12, v11;
	v16, v17, _ =	vpop @p1 (xrf1)  }
0x373: {  	(xrf1) =	vsort.ascd.msk.f32 $0xffff, v13, v15;
	v13 =	vsel @p0 vm0, v12, v11;
	v15 =	vsel @p0 vm0, v7, v14;
	v18, v19, _ =	vpop @p2 (xrf1)  }
0x374: {  	v7 =	vsel @p0 vm0, v14, v7;
	(xrf1) =	vsort.dscd.msk.f32 @p0 $0xffff, v13, v15;
	v13 =	vpsel p2, v18, v8  }
0x375: {  	v11 =	vsel @p0 vm0, v11, v12;
	v12 =	vpsel p2, v19, v5;
	vm0 =	vge.f32 @p1 v13, v16  }
0x376: {  	(xrf1) =	vsort.ascd.msk.f32 @p0 $0xffff, v11, v7;
	v7 =	vsel @p1 vm0, v13, v16;
	v11 =	vsel @p1 vm0, v12, v17  }
0x377: {  	(xrf1) =	vsort.dscd.msk.f32 @p1 $0xffff, v7, v11;
	_ =	sdelay $0x9  }
0x378: {  	v7, v11, _ =	vpop (xrf1)  }
0x379: {  	v12, v13, _ =	vpop @p0 (xrf1)  }
0x37a: {  	v9 =	vpsel p0, v12, v9  }
0x37b: {  	v10 =	vpsel p0, v13, v10;
	v12, v13, _ =	vpop @p0 (xrf1);
	vm14 =	vge.f32 v9, v7  }
0x37c: {  	v62 =	vsel vm14, v9, v7;
	v63 =	vsel vm14, v10, v11;
	v16, v17, _ =	vpop @p1 (xrf1)  }
0x37d: {  	v10 =	vsel vm14, v11, v10;
	v7 =	vsel vm14, v7, v9;
	v9 =	vpsel p1, v16, v8  }
0x37e: {  	(xrf1) =	vsort.dscd.msk.f32 $0xffff, v62, v63;
	v11 =	vpsel p1, v17, v5;
	vm0 =	vge.f32 @p0 v9, v12  }
0x37f: {  	(xrf1) =	vsort.ascd.msk.f32 $0xffff, v7, v10;
	v7 =	vsel @p0 vm0, v9, v12;
	v9 =	vsel @p0 vm0, v11, v13  }
0x380: {  	(xrf1) =	vsort.dscd.msk.f32 @p0 $0xffff, v7, v9;
	_ =	sdelay $0xb  }
0x381: {  	v9, v7, _ =	vpop (xrf1)  }
0x382: {  	v9, v10, _ =	vpop (xrf1)  }
0x383: {  	v11, v12, _ =	vpop @p0 (xrf1)  }
0x384: {  	v8 =	vpsel p0, v11, v8  }
0x385: {  	v5 =	vpsel p0, v12, v5;
	vm15 =	vge.f32 v8, v9  }
0x386: {  	v8 =	vsel vm15, v8, v9;
	v5 =	vsel vm15, v5, v10  }
0x387: {  	(xrf1) =	vsort.dscd.msk.f32 $0xffff, v8, v5;
	_ =	sdelay $0xd  }
0x388: {  	v8, v5, _ =	vpop (xrf1)  }
.LBB2_55:
0x389: {  	s19 =	simm.s32 $0x10040  }
0x38a: {  	[tilespmem:s19+$0xFFFFFFC0] =	vst v0  }
0x38b: {  	[tilespmem:s19+$0x30] =	vst v0  }
0x38c: {  	[tilespmem:s19+$0x20] =	vst v0  }
0x38d: {  	s14 =	sadd.f32 s17, s14;
	[tilespmem:s19+$0x10] =	vst v0  }
0x38e: {  	s16 =	sadd.f32 s18, s16;
	[tilespmem:s19+$0x0] =	vst v0  }
0x38f: {  	[tilespmem:s19+$0xFFFFFFF0] =	vst v0  }
0x390: {  	s17 =	simm.s32 $0x0;
	[tilespmem:s19+$0xFFFFFFE0] =	vst v0;
	s14 =	sadd.f32 s14, s16  }
.LBB2_56:
0x391: {  	s17 =	sadd.s32 $0x8, s17;
	[tilespmem:s19+$0xFFFFFFD0] =	vst v0;
	s19 =	sadd.s32 $0x80, s19;
	s16 =	simm.s32 $0x1F0  }
0x392: {  	[tilespmem:s19+$0xFFFFFFC0] =	vst v0;
	p0 =	slt.u32 s17, $0x78  }
0x393: {  	[tilespmem:s19+$0x30] =	vst v0  }
.Ltmp32:
0x394: {  	[tilespmem:s19+$0x20] =	vst v0;
	(pc) =	sbr.rel @p0 .LBB2_56-.Ltmp32, $4  }
0x395: {  	[tilespmem:s19+$0x10] =	vst v0  }
0x396: {  	[tilespmem:s19+$0x0] =	vst v0  }
0x397: {  	[tilespmem:s19+$0xFFFFFFF0] =	vst v0  }
0x398: {  	[tilespmem:s19+$0xFFFFFFE0] =	vst v0  }
0x399: {  	[tilespmem:s19+$0xFFFFFFD0] =	vst v0  }
0x39a: {  	v8 =	vld [tilespmem:s16+$0x0]  }
0x39b: {  	v9 =	vld [tilespmem:s16+$0xFFFFFFA0]  }
0x39c: {  	v10 =	vld [tilespmem:s16+$0xFFFFFFB0]  }
0x39d: {  	v11 =	vld [tilespmem:s16+$0xFFFFFFC0]  }
0x39e: {  	v12 =	vld [tilespmem:s16+$0xFFFFFFD0]  }
0x39f: {  	v13 =	vld [tilespmem:s16+$0xFFFFFFE0]  }
0x3a0: {  	v16 =	vld [tilespmem:s16+$0xFFFFFFF0]  }
0x3a1: {  	v17 =	vld [tilespmem:s16+$0xFFFFFF90];
	_ =	sdelay $0x2  }
0x3a2: {  	v14 =	vshra.s32 v8, $0x1F;
	v15 =	vshra.s32 v9, $0x1F;
	v18 =	vshra.s32 v10, $0x1F  }
0x3a3: {  	v59 =	vshra.s32 v11, $0x1F;
	v60 =	vshra.s32 v12, $0x1F;
	v61 =	vshra.s32 v13, $0x1F  }
0x3a4: {  	v62 =	vshra.s32 v16, $0x1F;
	v19 =	vshra.s32 v17, $0x1F;
	v14 =	vor.u32 $0x80000000, v14  }
0x3a5: {  	v15 =	vor.u32 $0x80000000, v15;
	v63 =	vor.u32 $0x80000000, v19;
	v8 =	vxor.u32 v8, v14  }
0x3a6: {  	v14 =	vor.u32 $0x80000000, v18;
	v9 =	vxor.u32 v9, v15;
	v8 =	vshrl.u32 v8, $0x15  }
0x3a7: {  	v15 =	vor.u32 $0x80000000, v59;
	v10 =	vxor.u32 v10, v14;
	v14 =	vor.u32 $0x80000000, v60  }
0x3a8: {  	v15 =	vxor.u32 v11, v15;
	v11 =	vor.u32 $0x80000000, v61;
	v20 =	vxor.u32 v12, v14  }
0x3a9: {  	v12 =	vor.u32 $0x80000000, v62;
	v14 =	vxor.u32 v13, v11;
	v11 =	vshrl.u32 v9, $0x15  }
0x3aa: {  	v9 =	vshrl.u32 v10, $0x15;
	v13 =	vxor.u32 v16, v12;
	v12 =	vxor.u32 v17, v63  }
0x3ab: {  	s17 =	simm.s32 $0x3F0;
	s16 =	simm.s32 $0x0;
	v10 =	vshrl.u32 v15, $0x15;
	v12 =	vshrl.u32 v12, $0x15;
	[tilespmem:v8+s11+$0x0] =	vst.idx.add.s32.msk $0xffff, v1;
	v8 =	vshrl.u32 v20, $0x15  }
.LBB2_58:
0x3ac: {  	v15 =	vld [tilespmem:s17+$0x0];
	s16 =	sadd.s32 $0x8, s16;
	v16 =	vshrl.u32 v14, $0x15;
	v17 =	vshrl.u32 v13, $0x15  }
0x3ad: {  	v13 =	vld [tilespmem:s17+$0xFFFFFFA0];
	p0 =	slt.u32 s16, $0x1F8  }
0x3ae: {  	v14 =	vld [tilespmem:s17+$0xFFFFFFB0]  }
0x3af: {  	v18 =	vld [tilespmem:s17+$0xFFFFFFC0]  }
0x3b0: {  	v19 =	vld [tilespmem:s17+$0xFFFFFFD0]  }
0x3b1: {  	v20 =	vld [tilespmem:s17+$0xFFFFFFE0];
	v21 =	vshra.s32 v15, $0x1F  }
0x3b2: {  	v22 =	vshra.s32 v13, $0x1F;
	v23 =	vld [tilespmem:s17+$0xFFFFFFF0];
	v21 =	vor.u32 $0x80000000, v21  }
0x3b3: {  	v24 =	vld [tilespmem:s17+$0xFFFFFF90];
	v22 =	vor.u32 $0x80000000, v22;
	v25 =	vshra.s32 v14, $0x1F;
	v15 =	vxor.u32 v15, v21  }
0x3b4: {  	v21 =	vor.u32 $0x80000000, v25;
	v25 =	vshra.s32 v18, $0x1F;
	v15 =	vshrl.u32 v15, $0x15;
	[tilespmem:v12+s11+$0x0] =	vst.idx.add.s32.msk $0xffff, v1  }
0x3b5: {  	v12 =	vxor.u32 v13, v22;
	v13 =	vor.u32 $0x80000000, v25;
	v22 =	vshra.s32 v19, $0x1F;
	[tilespmem:v11+s11+$0x0] =	vst.idx.add.s32.msk $0xffff, v1  }
0x3b6: {  	v21 =	vxor.u32 v14, v21;
	v11 =	vor.u32 $0x80000000, v22;
	v14 =	vshra.s32 v20, $0x1F;
	[tilespmem:v9+s11+$0x0] =	vst.idx.add.s32.msk $0xffff, v1  }
.Ltmp33:
0x3b7: {  	v18 =	vxor.u32 v18, v13;
	v9 =	vor.u32 $0x80000000, v14;
	v13 =	vshra.s32 v23, $0x1F;
	[tilespmem:v10+s11+$0x0] =	vst.idx.add.s32.msk $0xffff, v1;
	(pc) =	sbr.rel @p0 .LBB2_58-.Ltmp33, $4  }
0x3b8: {  	v19 =	vxor.u32 v19, v11;
	v10 =	vshra.s32 v24, $0x1F;
	v11 =	vor.u32 $0x80000000, v13;
	[tilespmem:v8+s11+$0x0] =	vst.idx.add.s32.msk $0xffff, v1  }
0x3b9: {  	s19 =	simm.s32 $0x0;
	s18 =	simm.s32 $0x7FF;
	s20 =	simm.s32 $0x107F0;
	v14 =	vxor.u32 v20, v9;
	v8 =	vor.u32 $0x80000000, v10;
	v13 =	vxor.u32 v23, v11;
	[tilespmem:v15+s11+$0x0] =	vst.idx.add.s32.msk $0xffff, v1  }
0x3ba: {  	v9 =	vshrl.u32 v21, $0x15;
	v11 =	vshrl.u32 v12, $0x15;
	v8 =	vxor.u32 v24, v8;
	[tilespmem:v16+s11+$0x0] =	vst.idx.add.s32.msk $0xffff, v1  }
0x3bb: {  	s17 =	sadd.s32 $0x200, s17;
	v10 =	vshrl.u32 v18, $0x15;
	v12 =	vshrl.u32 v8, $0x15;
	v8 =	vshrl.u32 v19, $0x15;
	[tilespmem:v17+s11+$0x0] =	vst.idx.add.s32.msk $0xffff, v1  }
0x3bc: {  	_ =	sdelay $0x3  }
0x3bd: {  	v14 =	vshrl.u32 v14, $0x15;
	[tilespmem:v12+s11+$0x0] =	vst.idx.add.s32.msk $0xffff, v1  }
0x3be: {  	v63 =	vshrl.u32 v13, $0x15;
	[tilespmem:v11+s11+$0x0] =	vst.idx.add.s32.msk $0xffff, v1  }
0x3bf: {  	[tilespmem:v9+s11+$0x0] =	vst.idx.add.s32.msk $0xffff, v1  }
0x3c0: {  	[tilespmem:v10+s11+$0x0] =	vst.idx.add.s32.msk $0xffff, v1  }
0x3c1: {  	[tilespmem:v8+s11+$0x0] =	vst.idx.add.s32.msk $0xffff, v1  }
0x3c2: {  	[tilespmem:v14+s11+$0x0] =	vst.idx.add.s32.msk $0xffff, v1  }
0x3c3: {  	[tilespmem:v63+s11+$0x0] =	vst.idx.add.s32.msk $0xffff, v1  }
.LBB2_60:
0x3c4: {  	v8 =	vld [tilespmem:s20+$0x0];
	_ =	sdelay $0x4  }
0x3c5: {  	(xrf0) =	vadd.scan.msk.s32 $0xffff, v8;
	_ =	sdelay $0x5  }
0x3c6: {  	v9, _, _ =	vpop (xrf0)  }
0x3c7: {  	v10 =	vxor.u32 $0x80000000, v9  }
0x3c8: {  	(xrf0) =	vmax.scan.msk.u32 $0xffff, v10;
	_ =	sdelay $0x5  }
0x3c9: {  	v10, _, _ =	vpop (xrf0)  }
0x3ca: {  	(v2sf) =	vpush v10, $0xF;
	_ =	sdelay $0xe  }
0x3cb: {  	s16 =	spop (v2sf)  }
0x3cc: {  	s16 =	sadd.s32 s16, s19  }
0x3cd: {  	s19 =	sadd.s32 $0x80000000, s16  }
0x3ce: {  	v9 =	vsub.s32 s19, v9  }
0x3cf: {  	v9 =	vadd.s32 v8, v9  }
0x3d0: {  	vm0 =	vgt.s32 v9, $0x1F  }
0x3d1: {  	v10 =	vmpcnt.ones.xlane vm0;
	_ =	sdelay $0x1  }
0x3d2: {  	(v2sf) =	vpush v10, $0x0;
	_ =	sdelay $0xe  }
0x3d3: {  	s16 =	spop (v2sf)  }
0x3d4: {  	p0 =	slt.s32 s16, $0x1  }
.Ltmp34:
0x3d5: {  	_ = 	snop;
	(pc) =	sbr.rel @p0 .LBB2_60-.Ltmp34, $2  }
0x3d6: {  	_ =	sdelay $0x2  }
0x3d7: {  	s18 =	sadd.s32 $0xFFFFFFF0, s18;
	s20 =	sadd.s32 $0xFFFFFFF0, s20  }
0x3d8: {  	s17 =	sadd.s32 $0xFFFFFFFF, s16  }
0x3d9: {  	v10 =	vmov s17  }
0x3da: {  	v9 =	vxor.u32 $0x80000000, v9;
	vm0 =	veq.s32 v10, v2  }
0x3db: {  	v8 =	vxor.u32 $0x80000000, v8;
	v9 =	vnsel vm0, $0x80000000, v9  }
0x3dc: {  	v8 =	vnsel vm0, $0x80000000, v8;
	(xrf0) =	vmax.scan.msk.u32 $0xffff, v9  }
0x3dd: {  	s17 =	simm.s32 $0x1F0;
	(xrf0) =	vmax.scan.msk.u32 $0xffff, v8  }
0x3de: {  	s28 =	sadd.s32 s18, s16;
	v20 =	vld [tilespmem:s17+$0xFFFFFF90]  }
0x3df: {  	s16 =	sshll.u32 s28, $0x15;
	v11 =	vld [tilespmem:s17+$0xFFFFFFE0]  }
0x3e0: {  	s29 =	sadd.s32 $0x200000, s16;
	v17 =	vld [tilespmem:s17+$0xFFFFFFB0]  }
0x3e1: {  	v14 =	vmov s29;
	v8 =	vld [tilespmem:s17+$0x0]  }
0x3e2: {  	v13 =	vmov s16;
	v16 =	vld [tilespmem:s17+$0xFFFFFFA0];
	vm1 =	vgt.s32 v14, $0xFFFFFFFF;
	v12, _, _ =	vpop (xrf0)  }
0x3e3: {  	vm0 =	vgt.s32 v13, $0xFFFFFFFF;
	v9 =	vld [tilespmem:s17+$0xFFFFFFF0];
	v13 =	vsel vm1, $0xFFFFFFFF, v3;
	(v2sf) =	vpush v12, $0xF;
	v12, _, _ =	vpop (xrf0)  }
0x3e4: {  	v13 =	vxor.u32 s29, v13;
	(v2sf) =	vpush v12, $0xF;
	v12 =	vsel vm0, $0xFFFFFFFF, v3  }
0x3e5: {  	s19 =	simm.s32 $0x81F0;
	v19 =	vimm.s32 $0x0;
	vm3 =	vge.f32 v11, v13;
	v12 =	vxor.u32 s16, v12  }
0x3e6: {  	v18 =	vld [tilespmem:s19+$0xFFFFFF90];
	vm14 =	vge.f32 v17, v13;
	vm12 =	vge.f32 v20, v13;
	vm0 =	vge.f32 v8, v12  }
0x3e7: {  	v10 =	vld [tilespmem:s17+$0xFFFFFFD0];
	vm15 =	vge.f32 v16, v13;
	vm12 =	vmneg vm12;
	v19 =	vsel vm0, $0xFFFFFFFF, v19  }
0x3e8: {  	v14 =	vld [tilespmem:s17+$0xFFFFFFC0];
	vm5 =	vmneg vm3;
	vm0 =	vge.f32 v9, v12;
	[tilespmem:$0x1FD60] =	vst v19;
	v19 =	vimm.s32 $0x0  }
0x3e9: {  	vm2 =	vmneg vm15;
	vm1 =	vge.f32 v9, v13;
	v19 =	vsel vm0, $0xFFFFFFFF, v19  }
0x3ea: {  	vm3 =	vmneg vm1;
	vm0 =	vge.f32 v11, v12;
	[tilespmem:$0x1FD40] =	vst v19;
	v19 =	vimm.s32 $0x0  }
0x3eb: {  	vm9 =	vge.f32 v17, v12;
	vm13 =	vge.f32 v16, v12;
	v19 =	vsel vm0, $0xFFFFFFFF, v19  }
0x3ec: {  	vm11 =	vge.f32 v20, v12;
	vm0 =	vge.f32 v8, v13;
	[tilespmem:$0x1FD30] =	vst v19;
	v19 =	vimm.s32 $0x0  }
0x3ed: {  	vm6 =	vmneg vm0;
	vm0 =	vmand vm11, vm12;
	v19 =	vsel vm3, $0xFFFFFFFF, v19  }
0x3ee: {  	vm11 =	vmand vm13, vm2;
	vm13 =	vmneg vm14;
	[tilespmem:$0x1FD20] =	vst v19;
	v19 =	vmpcnt.ones.xlane vm0  }
0x3ef: {  	v23 =	vmpcnt.ones.xlane vm11;
	vm1 =	vmand vm9, vm13;
	v26 =	vld [tilespmem:$0x1FD30]  }
0x3f0: {  	vm8 =	vge.f32 v10, v13;
	v25 =	vmpcnt.ones.xlane vm1;
	(v2sf) =	vpush v19, $0x0  }
0x3f1: {  	vm8 =	vmneg vm8;
	v24 =	vld [tilespmem:s19+$0x0];
	(v2sf) =	vpush v23, $0x0  }
0x3f2: {  	vm10 =	vge.f32 v14, v13;
	vm4 =	vge.f32 v10, v12;
	s30 =	spop (v2sf);
	(v2sf) =	vpush v25, $0x0;
	v25 =	vld [tilespmem:$0x1FD40]  }
0x3f3: {  	vm7 =	vge.f32 v14, v12;
	vm9 =	vmmov vm8;
	vm8 =	vmneg vm10;
	v21 =	vld [tilespmem:s19+$0xFFFFFFF0]  }
0x3f4: {  	vm15 =	vmand vm7, vm8;
	vm7 =	vmand vm4, vm9;
	v22 =	vld [tilespmem:s19+$0xFFFFFFA0];
	vm4 =	vnez.u8 v26  }
0x3f5: {  	v29 =	vimm.s32 $0x0;
	v23 =	vld [tilespmem:s19+$0xFFFFFFE0];
	vm10 =	vmand vm4, vm5  }
0x3f6: {  	v29 =	vsel vm6, $0xFFFFFFFF, v29;
	v26 =	vld [tilespmem:s19+$0xFFFFFFB0];
	vm4 =	vmmov vm10  }
0x3f7: {  	v28 =	vmpcnt.ones.xlane vm10;
	vm10 =	vmmov vm2;
	vm2 =	vnez.u8 v25;
	v25 =	vld [tilespmem:s19+$0xFFFFFFD0]  }
0x3f8: {  	[tilespmem:$0x1FD50] =	vst v29;
	v29 =	vld [tilespmem:$0x1FD60];
	_ =	sdelay $0x1  }
0x3f9: {  	v19 =	vmpcnt.ones.xlane vm15  }
0x3fa: {  	v27 =	vmpcnt.ones.xlane vm7  }
0x3fb: {  	v15 =	vimm.f32 $0.0e+00;
	s31 =	spop (v2sf);
	(v2sf) =	vpush v19, $0x0  }
0x3fc: {  	(v2sf) =	vpush v27, $0x0;
	vm2 =	vmand vm2, vm3;
	vm3 =	vnez.u8 v29  }
0x3fd: {  	s20 =	simm.s32 $0x0;
	v18 =	vsub.f32 v18, v20;
	s16 =	sxor.u32 $0x80000000, s30;
	s18 =	sxor.u32 $0x80000000, s31;
	(v2sf) =	vpush v28, $0x0;
	vm14 =	vmand vm3, vm6  }
0x3fe: {  	s16 =	ssub.s32 s18, s16;
	s18 =	simm.s32 $0x0;
	[tilespmem:s20+$0x10800] =	vst.msk vm0, v20;
	v27 =	vld [tilespmem:s19+$0xFFFFFFC0];
	s19 =	simm.s32 $0x83F0;
	v19 =	vmpcnt.ones.xlane vm2;
	vm3 =	vmmov vm11;
	v20 =	vmpcnt.ones.xlane vm14  }
.LBB2_62:
0x3ff: {  	v28 =	vimm.s32 $0x0;
	s17 =	sadd.s32 $0x200, s17  }
0x400: {  	v18 =	vmul.f32 v18, v18;
	v22 =	vsub.f32 v22, v16;
	vm11 =	vmmov vm1;
	v29 =	vld [tilespmem:s17+$0x0]  }
0x401: {  	v33 =	vimm.s32 $0x0;
	v59 =	vimm.s32 $0x0;
	s21 =	spop (v2sf);
	v28 =	vsel vm3, $0xFFFFFFFF, v28;
	v61 =	vld [tilespmem:s17+$0xFFFFFFA0]  }
0x402: {  	v34 =	vimm.s32 $0x0;
	(v2sf) =	vpush v19, $0x0;
	v19 =	vimm.s32 $0x0;
	s21 =	sadd.s32 s20, s21;
	[tilespmem:$0x1FCF0] =	vst v28;
	v28 =	vld [tilespmem:s19+$0xFFFFFF90]  }
0x403: {  	(v2sf) =	vpush v20, $0x0;
	v19 =	vsel vm11, $0xFFFFFFFF, v19;
	v20 =	vmul.f32 v22, v22;
	v22 =	vld [tilespmem:s17+$0xFFFFFFF0];
	[tilespmem:s21+$0x10800] =	vst.msk vm3, v16  }
0x404: {  	v62 =	vimm.s32 $0x0;
	v35 =	vimm.s32 $0x0;
	v30 =	vsel vm12, $0x0, v18;
	[tilespmem:$0x1FCD0] =	vst v19;
	v19 =	vld [tilespmem:s17+$0xFFFFFF90]  }
0x405: {  	v16 =	vimm.s32 $0x0;
	[tilespmem:s20+$0x12880] =	vst.msk vm0, v18;
	v15 =	vadd.f32 v30, v15;
	v18 =	vsub.f32 v26, v17;
	v26 =	vld [tilespmem:s17+$0xFFFFFFE0]  }
0x406: {  	v21 =	vsub.f32 v21, v9;
	v56 =	vsel vm10, $0x0, v20;
	v23 =	vsub.f32 v23, v11  }
0x407: {  	v31 =	vmul.f32 v18, v18;
	v18 =	vsub.f32 v27, v14;
	vm0 =	vge.f32 v29, v12  }
0x408: {  	v25 =	vsub.f32 v25, v10;
	v15 =	vadd.f32 v56, v15;
	v27 =	vld [tilespmem:s17+$0xFFFFFFD0];
	v33 =	vsel vm0, $0xFFFFFFFF, v33  }
0x409: {  	s24 =	spop (v2sf);
	vm0 =	vge.f32 v22, v12;
	v32 =	vmul.f32 v18, v18;
	v18 =	vsub.f32 v28, v19;
	v28 =	vld [tilespmem:s17+$0xFFFFFFC0]  }
0x40a: {  	s22 =	sadd.s32 s21, s24;
	s25 =	spop (v2sf);
	v57 =	vsel vm13, $0x0, v31;
	[tilespmem:$0x1FD10] =	vst v33;
	v33 =	vsel vm0, $0xFFFFFFFF, v59;
	vm0 =	vge.f32 v26, v12  }
0x40b: {  	s23 =	sadd.s32 s22, s25;
	v25 =	vmul.f32 v25, v25;
	v15 =	vadd.f32 v57, v15;
	v34 =	vsel vm0, $0xFFFFFFFF, v34;
	s26 =	spop (v2sf)  }
0x40c: {  	v23 =	vmul.f32 v23, v23;
	vm1 =	vge.f32 v22, v13;
	v60 =	vsel vm8, $0x0, v32;
	[tilespmem:$0x1FCE0] =	vst v34;
	s24 =	sadd.s32 s23, s26;
	s28 =	spop (v2sf)  }
0x40d: {  	v15 =	vadd.f32 v60, v15;
	v34 =	vsel vm1, $0xFFFFFFFF, v62;
	vm1 =	vge.f32 v27, v12;
	[tilespmem:s24+$0x10800] =	vst.msk vm7, v10;
	s25 =	sadd.s32 s24, s28;
	v10 =	vld [tilespmem:$0x1FD20];
	s29 =	spop (v2sf)  }
0x40e: {  	v58 =	vld [tilespmem:s17+$0xFFFFFFB0];
	[tilespmem:s22+$0x10800] =	vst.msk vm11, v17;
	v63 =	vsel vm9, $0x0, v25;
	v35 =	vsel vm1, $0xFFFFFFFF, v35;
	vm1 =	vge.f32 v28, v12;
	s26 =	sadd.s32 s25, s29  }
0x40f: {  	v15 =	vadd.f32 v63, v15;
	v16 =	vsel vm1, $0xFFFFFFFF, v16;
	[tilespmem:s26+$0x10800] =	vst.msk vm2, v9;
	v9 =	vld [tilespmem:$0x1FD50]  }
0x410: {  	v24 =	vsub.f32 v24, v8;
	v17 =	vmul.f32 v21, v21;
	[tilespmem:$0x1FCB0] =	vst v16;
	v16 =	vsel vm5, $0x0, v23  }
0x411: {  	[tilespmem:s23+$0x10800] =	vst.msk vm15, v14;
	vm3 =	vge.f32 v28, v13;
	v14 =	vadd.f32 v16, v15;
	v15 =	vimm.s32 $0x0  }
0x412: {  	v15 =	vsel vm3, $0xFFFFFFFF, v15;
	vm3 =	vnez.u8 v10  }
0x413: {  	v16 =	vmul.f32 v24, v24;
	[tilespmem:$0x1FCA0] =	vst v15;
	v15 =	vsel vm3, $0x0, v17  }
0x414: {  	[tilespmem:s25+$0x10800] =	vst.msk vm4, v11;
	v11 =	vadd.f32 v15, v14;
	vm3 =	vnez.u8 v9  }
0x415: {  	[tilespmem:$0x1FC90] =	vst v34;
	v21 =	vsel vm3, $0x0, v16  }
0x416: {  	vm10 =	vge.f32 v61, v13;
	v15 =	vadd.f32 v21, v11;
	v11 =	vld [tilespmem:$0x1FC90]  }
0x417: {  	vm10 =	vmneg vm10;
	vm9 =	vmmov vm15  }
0x418: {  	vm15 =	vge.f32 v61, v12;
	vm11 =	vge.f32 v19, v12;
	vm12 =	vge.f32 v19, v13  }
0x419: {  	vm6 =	vge.f32 v26, v13;
	vm12 =	vmneg vm12;
	vm0 =	vge.f32 v29, v13;
	s30 =	spop (v2sf)  }
0x41a: {  	vm8 =	vge.f32 v58, v13;
	vm13 =	vge.f32 v27, v13;
	vm1 =	vge.f32 v58, v12;
	s28 =	sadd.s32 s26, s30  }
0x41b: {  	vm5 =	vmneg vm6;
	[tilespmem:s28+$0x10800] =	vst.msk vm14, v8;
	vm3 =	vmneg vm0;
	vm0 =	vnez.u8 v11  }
0x41c: {  	[tilespmem:s28+$0x12880] =	vst.msk vm14, v16;
	vm14 =	vmneg vm13;
	vm6 =	vmneg vm0;
	vm0 =	vmand vm11, vm12  }
0x41d: {  	[tilespmem:$0x1FCC0] =	vst v35;
	vm13 =	vmneg vm8;
	v9 =	vmovc v22;
	vm11 =	vmand vm15, vm10;
	v22 =	vmpcnt.ones.xlane vm0  }
0x41e: {  	[tilespmem:s25+$0x12880] =	vst.msk vm4, v23;
	vm1 =	vmand vm1, vm13;
	v21 =	vld [tilespmem:$0x1FCA0];
	v23 =	vmpcnt.ones.xlane vm11  }
0x41f: {  	[tilespmem:s24+$0x12880] =	vst.msk vm7, v25;
	s31 =	spop (v2sf);
	v25 =	vmpcnt.ones.xlane vm1;
	v11 =	vmov v26;
	v26 =	vld [tilespmem:$0x1FCC0];
	(v2sf) =	vpush v22, $0x0  }
0x420: {  	v22 =	vld [tilespmem:$0x1FCB0];
	(v2sf) =	vpush v23, $0x0  }
0x421: {  	(v2sf) =	vpush v25, $0x0;
	v25 =	vld [tilespmem:$0x1FCF0];
	_ =	sdelay $0x2  }
0x422: {  	[tilespmem:s26+$0x12880] =	vst.msk vm2, v17;
	s20 =	sadd.s32 s28, s31;
	vm2 =	vnez.u8 v21  }
0x423: {  	vm8 =	vmneg vm2;
	[tilespmem:s20+$0x10800] =	vst.msk vm0, v19;
	v19 =	vimm.s32 $0x0;
	v23 =	vld [tilespmem:$0x1FCD0];
	vm2 =	vnez.u8 v22  }
0x424: {  	[tilespmem:$0x1FD00] =	vst v33;
	vm15 =	vmand vm2, vm8;
	vm2 =	vnez.u8 v26;
	v26 =	vld [tilespmem:$0x1FCE0];
	vm4 =	vnez.u8 v25  }
0x425: {  	v19 =	vsel vm6, $0xFFFFFFFF, v19;
	v22 =	vld [tilespmem:s19+$0xFFFFFFA0];
	[tilespmem:s21+$0x12880] =	vst.msk vm4, v20;
	v20 =	vimm.s32 $0x0  }
0x426: {  	[tilespmem:$0x1FD20] =	vst v19;
	v19 =	vld [tilespmem:$0x1FD00];
	v20 =	vsel vm3, $0xFFFFFFFF, v20  }
0x427: {  	[tilespmem:$0x1FD50] =	vst v20;
	v20 =	vld [tilespmem:$0x1FD10]  }
0x428: {  	s18 =	sadd.s32 $0x8, s18;
	[tilespmem:s23+$0x12880] =	vst.msk vm9, v32;
	vm7 =	vmand vm2, vm14;
	vm2 =	vnez.u8 v23  }
0x429: {  	p0 =	slt.u32 s18, $0x1F8;
	v24 =	vld [tilespmem:s19+$0x0];
	vm9 =	vmmov vm14;
	[tilespmem:s22+$0x12880] =	vst.msk vm2, v31;
	vm2 =	vnez.u8 v26  }
.Ltmp35:
0x42a: {  	v10 =	vmovc v27;
	v14 =	vmovc v28;
	v21 =	vld [tilespmem:s19+$0xFFFFFFF0];
	v27 =	vmpcnt.ones.xlane vm15;
	v28 =	vmpcnt.ones.xlane vm7;
	vm2 =	vmand vm2, vm5;
	(pc) =	sbr.rel @p0 .LBB2_62-.Ltmp35, $4  }
0x42b: {  	v8 =	vmovc v29;
	v23 =	vld [tilespmem:s19+$0xFFFFFFE0];
	vm4 =	vmmov vm2;
	v29 =	vmpcnt.ones.xlane vm2;
	vm2 =	vnez.u8 v19  }
0x42c: {  	v25 =	vld [tilespmem:s19+$0xFFFFFFD0];
	(v2sf) =	vpush v27, $0x0;
	vm2 =	vmand vm2, vm6;
	vm6 =	vnez.u8 v20  }
0x42d: {  	v27 =	vld [tilespmem:s19+$0xFFFFFFC0];
	(v2sf) =	vpush v28, $0x0;
	v19 =	vmpcnt.ones.xlane vm2;
	vm14 =	vmand vm6, vm3  }
0x42e: {  	v17 =	vmovc v58;
	v16 =	vmovc v61;
	v26 =	vld [tilespmem:s19+$0xFFFFFFB0];
	s19 =	sadd.s32 $0x200, s19;
	(v2sf) =	vpush v29, $0x0;
	vm3 =	vmmov vm11;
	v20 =	vmpcnt.ones.xlane vm14  }
0x42f: {  	(v2sf) =	vpush v19, $0x0;
	_ =	sdelay $0x7  }
0x430: {  	v12 =	vmul.f32 v18, v18;
	(v2sf) =	vpush v20, $0x0  }
0x431: {  	s17 =	spop (v2sf)  }
0x432: {  	s17 =	sadd.s32 s20, s17;
	s18 =	spop (v2sf);
	[tilespmem:s20+$0x12880] =	vst.msk vm0, v12  }
0x433: {  	vm0 =	vmmov vm1;
	[tilespmem:s17+$0x10800] =	vst.msk vm3, v16;
	s18 =	sadd.s32 s17, s18;
	s19 =	spop (v2sf)  }
0x434: {  	[tilespmem:s18+$0x10800] =	vst.msk vm0, v17;
	s19 =	sadd.s32 s18, s19;
	s30 =	spop (v2sf)  }
0x435: {  	v13 =	vsub.f32 v24, v8;
	v59 =	vsub.f32 v21, v9;
	[tilespmem:s19+$0x10800] =	vst.msk vm15, v14;
	s20 =	sadd.s32 s19, s30;
	s21 =	spop (v2sf)  }
0x436: {  	[tilespmem:s20+$0x10800] =	vst.msk vm7, v10;
	s21 =	sadd.s32 s20, s21;
	s22 =	spop (v2sf)  }
0x437: {  	s15 =	sadd.s32 $0x20, s15;
	v13 =	vmul.f32 v13, v13;
	v18 =	vmul.f32 v59, v59;
	[tilespmem:s21+$0x10800] =	vst.msk vm4, v11;
	s22 =	sadd.s32 s21, s22;
	s23 =	spop (v2sf)  }
0x438: {  	v58 =	vsub.f32 v26, v17;
	v11 =	vsub.f32 v23, v11;
	[tilespmem:s22+$0x10800] =	vst.msk vm2, v9;
	s23 =	sadd.s32 s22, s23;
	v9 =	vmov s15  }
0x439: {  	v14 =	vsub.f32 v27, v14;
	v10 =	vsub.f32 v25, v10;
	[tilespmem:s23+$0x10800] =	vst.msk vm14, v8;
	vm6 =	vgt.s32 v9, v2  }
0x43a: {  	v8 =	vmul.f32 v11, v11;
	vm11 =	vgt.s32 v9, v4;
	[tilespmem:s22+$0x12880] =	vst.msk vm2, v18;
	v7 =	vnsel vm6, $0x0, v7  }
0x43b: {  	v9 =	vmul.f32 v10, v10;
	[tilespmem:s23+$0x12880] =	vst.msk vm14, v13;
	v5 =	vnsel vm11, $0x0, v5;
	(xrf2) =	vadd.scan.msk.f32 $0xffff, v7  }
0x43c: {  	v10 =	vmul.f32 v14, v14;
	v7 =	vsub.f32 v22, v16;
	[tilespmem:s21+$0x12880] =	vst.msk vm4, v8;
	(xrf2) =	vadd.scan.msk.f32 $0xffff, v5  }
0x43d: {  	v11 =	vmul.f32 v58, v58;
	[tilespmem:s20+$0x12880] =	vst.msk vm7, v9;
	(xrf2) =	vadd.scan.msk.f32 $0xffff, v6  }
0x43e: {  	v12 =	vsel vm12, $0x0, v12;
	[tilespmem:s19+$0x12880] =	vst.msk vm15, v10;
	v7 =	vmul.f32 v7, v7  }
0x43f: {  	v12 =	vadd.f32 v12, v15;
	s31 =	spop (v2sf);
	[tilespmem:s18+$0x12880] =	vst.msk vm0, v11  }
0x440: {  	s19 =	sadd.s32 s23, s31;
	v6 =	vimm.f32 $-Inf;
	[tilespmem:s17+$0x12880] =	vst.msk vm3, v7;
	v7 =	vsel vm10, $0x0, v7  }
0x441: {  	v5 =	vimm.f32 $0.0e+00;
	[tilespmem:s19+$0x10800] =	vst v6;
	v7 =	vadd.f32 v7, v12  }
0x442: {  	v11 =	vsel vm13, $0x0, v11;
	[tilespmem:s19+$0x12880] =	vst v5  }
0x443: {  	v14 =	vld [tilespmem:$0x10800];
	v7 =	vadd.f32 v11, v7  }
0x444: {  	v10 =	vsel vm8, $0x0, v10;
	v60 =	vld [tilespmem:$0x12880]  }
0x445: {  	v7 =	vadd.f32 v10, v7;
	v61, _, _ =	vpop (xrf2)  }
0x446: {  	v9 =	vsel vm9, $0x0, v9;
	v62, _, _ =	vpop (xrf2);
	(v2sf) =	vpush v61, $0xF  }
0x447: {  	v7 =	vadd.f32 v9, v7;
	(v2sf) =	vpush v62, $0xF;
	v63, _, _ =	vpop (xrf2)  }
0x448: {  	v8 =	vsel vm5, $0x0, v8;
	(v2sf) =	vpush v63, $0xF  }
0x449: {  	(xrf1) =	vsort.dscd.msk.f32 $0xffff, v14, v60;
	v7 =	vadd.f32 v8, v7;
	v8 =	vld [tilespmem:$0x1FD20];
	_ =	sdelay $0x4  }
0x44a: {  	vm14 =	vnez.u8 v8  }
0x44b: {  	v8 =	vsel vm14, $0x0, v18  }
0x44c: {  	v7 =	vadd.f32 v8, v7;
	v8 =	vld [tilespmem:$0x1FD50];
	_ =	sdelay $0x1  }
0x44d: {  	p0 =	slt.s32 s19, $0x11  }
.Ltmp36:
0x44e: {  	_ = 	snop;
	(pc) =	sbr.rel @p0 .LBB2_73-.Ltmp36, $4  }
0x44f: {  	_ = 	snop  }
0x450: {  	vm15 =	vnez.u8 v8;
	s15 =	spop (v2sf)  }
0x451: {  	v8 =	vsel vm15, $0x0, v13;
	s17 =	spop (v2sf)  }
0x452: {  	v12, v10, _ =	vpop (xrf1);
	v7 =	vadd.f32 v8, v7;
	s18 =	spop (v2sf)  }
0x453: {  	s20 =	simm.s32 $0x10810;
	p3 =	sgt.s32 s19, $0x20  }
.Ltmp37:
0x454: {  	s21 =	simm.s32 $0x12890;
	v13 =	vld [tilespmem:s20+$0x0];
	(pc) =	sbr.rel @!p3 .LBB2_65-.Ltmp37, $2  }
0x455: {  	v15 =	vld [tilespmem:s21+$0x0];
	_ =	sdelay $0x2  }
0x456: {  	p0 =	por $0x0, $0x0;
	p1 =	por $0x0, $0x0;
	p2 =	por $0x0, $0x0  }
0x457: {  	_ = 	snop  }
0x458: {  	(xrf1) =	vsort.ascd.msk.f32 $0xffff, v13, v15;
	_ =	sdelay $0x8  }
0x459: {  	s20 =	simm.s32 $0x10820;
	p3 =	sgt.s32 s19, $0x30  }
.Ltmp38:
0x45a: {  	s31 =	simm.s32 $0x128A0;
	v13 =	vld [tilespmem:s20+$0x0];
	(pc) =	sbr.rel @!p3 .LBB2_67-.Ltmp38, $2  }
0x45b: {  	v15 =	vld [tilespmem:s31+$0x0];
	_ =	sdelay $0x2  }
0x45c: {  	p0 =	por $0x1, $0x1;
	v11, v14, _ =	vpop (xrf1)  }
0x45d: {  	_ = 	snop  }
0x45e: {  	(xrf1) =	vsort.ascd.msk.f32 $0xffff, v13, v15;
	_ =	sdelay $0xa  }
0x45f: {  	vm0 =	vge.f32 v12, v11  }
0x460: {  	v8 =	vsel vm0, v12, v11;
	v9 =	vsel vm0, v10, v14  }
0x461: {  	(xrf1) =	vsort.dscd.msk.f32 $0xffff, v8, v9;
	v8 =	vsel vm0, v14, v10;
	v9 =	vsel vm0, v11, v12  }
0x462: {  	v11, v14, _ =	vpop (xrf1);
	(xrf1) =	vsort.ascd.msk.f32 $0xffff, v9, v8;
	_ =	sdelay $0x7  }
0x463: {  	s20 =	simm.s32 $0x10830;
	p3 =	sgt.s32 s19, $0x40  }
.Ltmp39:
0x464: {  	s31 =	simm.s32 $0x128B0;
	v13 =	vld [tilespmem:s20+$0x0];
	(pc) =	sbr.rel @!p3 .LBB2_69-.Ltmp39, $2  }
0x465: {  	v15 =	vld [tilespmem:s31+$0x0];
	_ =	sdelay $0x2  }
0x466: {  	p1 =	por $0x1, $0x1;
	v8, v9, _ =	vpop (xrf1)  }
0x467: {  	_ = 	snop  }
0x468: {  	(xrf1) =	vsort.ascd.msk.f32 $0xffff, v13, v15;
	_ =	sdelay $0x5  }
0x469: {  	vm0 =	vge.f32 v8, v11  }
0x46a: {  	v12 =	vsel vm0, v9, v14  }
0x46b: {  	v10 =	vsel vm0, v8, v11;
	_ =	sdelay $0x2  }
0x46c: {  	v11 =	vsel vm0, v11, v8;
	(xrf1) =	vsort.dscd.msk.f32 $0xffff, v10, v12;
	v10, v12, _ =	vpop (xrf1)  }
0x46d: {  	v13 =	vsel vm0, v14, v9;
	vm15 =	vge.f32 v6, v10  }
0x46e: {  	(xrf1) =	vsort.ascd.msk.f32 $0xffff, v11, v13;
	v10 =	vsel vm15, v6, v10;
	v12 =	vsel vm15, v5, v12  }
0x46f: {  	v11, v14, _ =	vpop (xrf1);
	(xrf1) =	vsort.dscd.msk.f32 $0xffff, v10, v12;
	_ =	sdelay $0x5  }
0x470: {  	s21 =	simm.s32 $0x128C0  }
0x471: {  	s20 =	simm.s32 $0x10840;
	p3 =	sgt.s32 s19, $0x50;
	v15 =	vld [tilespmem:s21+$0x0]  }
.Ltmp40:
0x472: {  	v13 =	vld [tilespmem:s20+$0x0];
	(pc) =	sbr.rel @!p3 .LBB2_72-.Ltmp40, $2  }
0x473: {  	_ =	sdelay $0x2  }
0x474: {  	s22 =	simm.s32 $0x50;
	p2 =	por $0x1, $0x1;
	v12, v10, _ =	vpop (xrf1)  }
.LBB2_71:
0x475: {  	s22 =	sadd.s32 $0x10, s22;
	(xrf1) =	vsort.ascd.msk.f32 $0xffff, v13, v15;
	vm0 =	vge.f32 v12, v11;
	v13, v15, _ =	vpop (xrf1)  }
0x476: {  	p3 =	slt.s32 s22, s19;
	v16 =	vsel vm0, v12, v11;
	v17 =	vsel vm0, v10, v14;
	v10 =	vsel vm0, v14, v10;
	v14, v18, _ =	vpop (xrf1)  }
0x477: {  	v11 =	vsel vm0, v11, v12;
	(xrf1) =	vsort.dscd.msk.f32 $0xffff, v16, v17;
	vm0 =	vge.f32 v14, v13  }
0x478: {  	(xrf1) =	vsort.ascd.msk.f32 $0xffff, v11, v10;
	v10 =	vsel vm0, v14, v13;
	v11 =	vsel vm0, v18, v15  }
0x479: {  	(xrf1) =	vsort.dscd.msk.f32 $0xffff, v10, v11;
	_ =	sdelay $0x5  }
0x47a: {  	s20 =	sadd.s32 $0x10, s20  }
0x47b: {  	s21 =	sadd.s32 $0x10, s21;
	v13 =	vld [tilespmem:s20+$0x0]  }
.Ltmp41:
0x47c: {  	v15 =	vld [tilespmem:s21+$0x0];
	(pc) =	sbr.rel @p3 .LBB2_71-.Ltmp41, $3  }
0x47d: {  	_ = 	snop  }
0x47e: {  	v11, v14, _ =	vpop (xrf1);
	_ =	sdelay $0x1  }
0x47f: {  	v12, v10, _ =	vpop (xrf1)  }
.Ltmp42:
0x480: {  	_ = 	snop;
	(pc) =	sbr.rel .LBB2_72-.Ltmp42, $1  }
0x481: {  	_ =	sdelay $0x3  }
.LBB2_11:
.Ltmp43:
0x482: {  	(pc) =	sbr.rel .LBB2_18-.Ltmp43, $2  }
0x483: {  	_ =	sdelay $0x2  }
0x484: {  	v8 =	vmov v11;
	v9 =	vmov v7  }
.LBB2_29:
.Ltmp44:
0x485: {  	(pc) =	sbr.rel .LBB2_36-.Ltmp44, $2  }
0x486: {  	_ =	sdelay $0x2  }
0x487: {  	v9 =	vmov v12;
	v10 =	vmov v7  }
.LBB2_47:
.Ltmp45:
0x488: {  	(pc) =	sbr.rel .LBB2_54-.Ltmp45, $2  }
0x489: {  	_ =	sdelay $0x2  }
0x48a: {  	v9 =	vmov v12;
	v10 =	vmov v7  }
.LBB2_13:
.Ltmp46:
0x48b: {  	(pc) =	sbr.rel .LBB2_18-.Ltmp46, $2  }
0x48c: {  	_ =	sdelay $0x2  }
0x48d: {  	v8 =	vmov v11;
	v9 =	vmov v7  }
.LBB2_31:
.Ltmp47:
0x48e: {  	(pc) =	sbr.rel .LBB2_36-.Ltmp47, $2  }
0x48f: {  	_ =	sdelay $0x2  }
0x490: {  	v9 =	vmov v12;
	v10 =	vmov v7  }
.LBB2_49:
.Ltmp48:
0x491: {  	(pc) =	sbr.rel .LBB2_54-.Ltmp48, $2  }
0x492: {  	_ =	sdelay $0x2  }
0x493: {  	v9 =	vmov v12;
	v10 =	vmov v7  }
.LBB2_67:
.Ltmp49:
0x494: {  	(pc) =	sbr.rel .LBB2_72-.Ltmp49, $2  }
0x495: {  	_ =	sdelay $0x2  }
0x496: {  	v8 =	vmov v12;
	v9 =	vmov v10  }
.LBB2_15:
.Ltmp50:
0x497: {  	(pc) =	sbr.rel .LBB2_18-.Ltmp50, $2  }
0x498: {  	_ =	sdelay $0x2  }
0x499: {  	v11 =	vmov v8;
	v7 =	vmov v9  }
.LBB2_33:
.Ltmp51:
0x49a: {  	(pc) =	sbr.rel .LBB2_36-.Ltmp51, $2  }
0x49b: {  	_ =	sdelay $0x2  }
0x49c: {  	v12 =	vmov v9;
	v7 =	vmov v10  }
.LBB2_51:
.Ltmp52:
0x49d: {  	(pc) =	sbr.rel .LBB2_54-.Ltmp52, $2  }
0x49e: {  	_ =	sdelay $0x2  }
0x49f: {  	v12 =	vmov v9;
	v7 =	vmov v10  }
.LBB2_69:
.Ltmp53:
0x4a0: {  	(pc) =	sbr.rel .LBB2_72-.Ltmp53, $2  }
0x4a1: {  	_ =	sdelay $0x2  }
0x4a2: {  	v12 =	vmov v8;
	v10 =	vmov v9  }
.LBB2_74:
0x4a3: {  	_ =	sfence.sel $0x180000  }
0x4a4: {  	[bflag:$0x0] =	sbarrier.arrive $0xFFFF  }
0x4a5: {  	p0 =	sne.s32 s2, $0x0;
	_ =	strace $0x90000047  }
0x4a6: {  	s0 =	sadd.s32 @!p0 $0x100000, s0;
	[bflag:$0x2] =	sbarrier.arrive $0xFFFF  }
0x4a7: {  	[sflag:s0] =	ssyncadd.tile.s32 @!p0 $0x1;
	_ =	shalt  }
.Lfunc_end2:
_tile_overlayer_lowered:
.L_overlay_start_2:
0x4a8: {  	(tag) =	ssettag $0x2  }
0x4a9: {  	s0 =	rddreg [dreg:$0x0];
	s2 =	stileid.u32  }
0x4aa: {  	s1 =	rddreg [dreg:$0x1];
	p0 =	sne.s32 s2, $0x0  }
0x4ab: {  	s3 =	rddreg [dreg:$0x2];
	[bflag:$0x3] =	sbarrier.arrive $0xFFFF;
	s2 =	simm.s32 @!p0 $0x1C01  }
0x4ac: {  	[timem:s3], [sflag:s2] =	dma.local @!p0 [hbm:s0], s1  }
0x4ad: {  	s0 =	simm.s32 @!p0 $0x1  }
0x4ae: {  	_ =	swait.ge @!p0 [sflag:s0], s1  }
0x4af: {  	s1 =	ssub.s32 @!p0 $0x0, s1;
	[sflag:s0] =	ssyncset.done @!p0 $0x0  }
0x4b0: {  	[sflag:s0] =	ssyncadd.s32 @!p0 s1  }
0x4b1: {  	[bflag:$0x3] =	sbarrier.arrive $0xFFFF  }
0x4b2: {  	_ =	shalt  }

</sc_bundles>
